<compile_context>
chip_gen: v7x
topology: tpu7x:2x2x1
jax: 0.10.2.dev20260603
libtpu: 0.0.44.dev20260713+nightly
codegen_flags: <defaults>
</compile_context>

<pallas_src>
import jax
import jax.numpy as jnp
from jax import lax
from jax.experimental import pallas as pl
from jax.experimental.pallas import tpu as pltpu
from jax.experimental.pallas import tpu_sc as plsc

N = 10000
D = 128
E = 320000
NC, NS, L = 2, 16, 16
NW = NC * NS
EPW = E // NW
C = 128
NFULL = EPW // C
TAIL = EPW - NFULL * C
NPAD = 10240
RPT = NPAD // NS

_MESH = plsc.VectorSubcoreMesh(core_axis_name="c", subcore_axis_name="s")


def _worker_id():
    return lax.axis_index("s") * NC + lax.axis_index("c")


def _deg_body(dst_hbm, deg_part, ones_v, onest_v, idx_v, idxt_v, gath_v,
              acc_sh):
    cid = lax.axis_index("c")
    sid = lax.axis_index("s")
    wid = _worker_id()

    one16 = jnp.full((L,), 1.0, jnp.float32)
    zero16 = jnp.zeros((L,), jnp.float32)

    def fill(r, _):
        ones_v[r, :] = one16
        gath_v[r, :] = zero16
        return 0
    lax.fori_loop(0, C, fill, 0)
    for r in range(TAIL):
        onest_v[r, :] = one16

    for z in range(RPT // C):
        pltpu.sync_copy(gath_v, acc_sh.at[pl.ds(sid * RPT + z * C, C), :])
    plsc.subcore_barrier()

    ebase = wid * EPW

    def chunk(c, _):
        pltpu.sync_copy(dst_hbm.at[pl.ds(ebase + c * C, C)], idx_v)
        pltpu.sync_copy(ones_v, acc_sh.at[idx_v], add=True)
        return 0
    lax.fori_loop(0, NFULL, chunk, 0)

    pltpu.sync_copy(dst_hbm.at[pl.ds(ebase + NFULL * C, TAIL)], idxt_v)
    pltpu.sync_copy(onest_v, acc_sh.at[idxt_v], add=True)
    plsc.subcore_barrier()

    for z in range(RPT // C):
        sl = pl.ds(sid * RPT + z * C, C)
        pltpu.sync_copy(acc_sh.at[sl, :], gath_v)
        pltpu.sync_copy(gath_v, deg_part.at[cid, sl, :])


_deg_call = pl.kernel(
    _deg_body,
    out_type=jax.ShapeDtypeStruct((NC, NPAD, L), jnp.float32),
    mesh=_MESH,
    scratch_types=[
        pltpu.VMEM((C, L), jnp.float32),
        pltpu.VMEM((TAIL, L), jnp.float32),
        pltpu.VMEM((C,), jnp.int32),
        pltpu.VMEM((TAIL,), jnp.int32),
        pltpu.VMEM((C, L), jnp.float32),
        pltpu.VMEM_SHARED((NPAD, L), jnp.float32),
    ],
)


def _agg_body(g_hbm, src_hbm, dst_hbm, part, srcb, dstb, srct, dstt,
              rows_v, rowst_v, acc_sh, sem):
    cid = lax.axis_index("c")
    sid = lax.axis_index("s")
    wid = _worker_id()

    zero16 = jnp.zeros((L,), jnp.float32)

    def fill(r, _):
        for k in range(D // L):
            rows_v[r, pl.ds(k * L, L)] = zero16
        return 0
    lax.fori_loop(0, C, fill, 0)

    for z in range(RPT // C):
        pltpu.sync_copy(rows_v, acc_sh.at[pl.ds(sid * RPT + z * C, C), :])
    plsc.subcore_barrier()

    ebase = wid * EPW

    def chunk(c, _):
        base = ebase + c * C
        pltpu.sync_copy(src_hbm.at[pl.ds(base, C)], srcb)
        pltpu.sync_copy(dst_hbm.at[pl.ds(base, C)], dstb)
        pltpu.async_copy(g_hbm.at[srcb], rows_v, sem).wait()
        pltpu.sync_copy(rows_v, acc_sh.at[dstb], add=True)
        return 0
    lax.fori_loop(0, NFULL, chunk, 0)

    tbase = ebase + NFULL * C
    pltpu.sync_copy(src_hbm.at[pl.ds(tbase, TAIL)], srct)
    pltpu.sync_copy(dst_hbm.at[pl.ds(tbase, TAIL)], dstt)
    pltpu.async_copy(g_hbm.at[srct], rowst_v, sem).wait()
    pltpu.sync_copy(rowst_v, acc_sh.at[dstt], add=True)
    plsc.subcore_barrier()

    for z in range(RPT // C):
        sl = pl.ds(sid * RPT + z * C, C)
        pltpu.sync_copy(acc_sh.at[sl, :], rows_v)
        pltpu.sync_copy(rows_v, part.at[cid, sl, :])


_agg_call = pl.kernel(
    _agg_body,
    out_type=jax.ShapeDtypeStruct((NC, NPAD, D), jnp.float32),
    mesh=_MESH,
    scratch_types=[
        pltpu.VMEM((C,), jnp.int32),
        pltpu.VMEM((C,), jnp.int32),
        pltpu.VMEM((TAIL,), jnp.int32),
        pltpu.VMEM((TAIL,), jnp.int32),
        pltpu.VMEM((C, D), jnp.float32),
        pltpu.VMEM((TAIL, D), jnp.float32),
        pltpu.VMEM_SHARED((NPAD, D), jnp.float32),
        pltpu.SemaphoreType.DMA,
    ],
)


def _dinv_body(degp_ref, o_ref):
    deg = degp_ref[0, :, 0:1] + degp_ref[1, :, 0:1] + 1.0
    o_ref[...] = lax.rsqrt(deg)


_dinv_call = pl.pallas_call(
    _dinv_body,
    out_shape=jax.ShapeDtypeStruct((NPAD, 1), jnp.float32),
)

_RB = 2000
_GRID = N // _RB


def _mm1_body(d_ref, x_ref, w_ref, o_ref):
    h = jnp.dot(x_ref[...], w_ref[...], preferred_element_type=jnp.float32)
    o_ref[...] = d_ref[...] * h


_mm1_call = pl.pallas_call(
    _mm1_body,
    grid=(_GRID,),
    in_specs=[
        pl.BlockSpec((_RB, 1), lambda i: (i, 0)),
        pl.BlockSpec((_RB, D), lambda i: (i, 0)),
        pl.BlockSpec((D, D), lambda i: (0, 0)),
    ],
    out_specs=pl.BlockSpec((_RB, D), lambda i: (i, 0)),
    out_shape=jax.ShapeDtypeStruct((N, D), jnp.float32),
)


def _mid_body(p_ref, g_ref, d_ref, b_ref, w_ref, o_ref):
    agg = p_ref[0] + p_ref[1]
    z = jnp.maximum(d_ref[...] * (agg + g_ref[...]) + b_ref[...], 0.0)
    o_ref[...] = d_ref[...] * jnp.dot(
        z, w_ref[...], preferred_element_type=jnp.float32)


_mid_call = pl.pallas_call(
    _mid_body,
    grid=(_GRID,),
    in_specs=[
        pl.BlockSpec((NC, _RB, D), lambda i: (0, i, 0)),
        pl.BlockSpec((_RB, D), lambda i: (i, 0)),
        pl.BlockSpec((_RB, 1), lambda i: (i, 0)),
        pl.BlockSpec((1, D), lambda i: (0, 0)),
        pl.BlockSpec((D, D), lambda i: (0, 0)),
    ],
    out_specs=pl.BlockSpec((_RB, D), lambda i: (i, 0)),
    out_shape=jax.ShapeDtypeStruct((N, D), jnp.float32),
)


def _fin_body(q_ref, g_ref, d_ref, b_ref, o_ref):
    agg = q_ref[0] + q_ref[1]
    o_ref[...] = d_ref[...] * (agg + g_ref[...]) + b_ref[...]


_fin_call = pl.pallas_call(
    _fin_body,
    grid=(_GRID,),
    in_specs=[
        pl.BlockSpec((NC, _RB, D), lambda i: (0, i, 0)),
        pl.BlockSpec((_RB, D), lambda i: (i, 0)),
        pl.BlockSpec((_RB, 1), lambda i: (i, 0)),
        pl.BlockSpec((1, D), lambda i: (0, 0)),
    ],
    out_specs=pl.BlockSpec((_RB, D), lambda i: (i, 0)),
    out_shape=jax.ShapeDtypeStruct((N, D), jnp.float32),
)


@jax.jit
def kernel(x, edge_index, W1, b1, W2, b2):
    src = edge_index[0].astype(jnp.int32)
    dst = edge_index[1].astype(jnp.int32)

    deg_part = _deg_call(dst)
    dcol = _dinv_call(deg_part)[:N]

    b1r = b1.reshape(1, D)
    b2r = b2.reshape(1, D)

    g1 = _mm1_call(dcol, x, W1)
    p = _agg_call(g1, src, dst)
    g2 = _mid_call(p[:, :N], g1, dcol, b1r, W2)
    q = _agg_call(g2, src, dst)
    return _fin_call(q[:, :N], g2, dcol, b2r)

# --- scband reference (transcript-rebuilt; emitter-appended) ---
"""Pipeline reference for scband-gnn-7730941133279 (READ-ONLY COPY).

The authoritative reference and input builder live on the scoring server;
editing this copy changes nothing except your own understanding.
"""

import jax, jax.numpy as jnp
import numpy as np

N_NODES = 10000
D_FEAT = 128
N_EDGES = 320000


def gcn_conv(x, edge_index, W, b, n_nodes):
    # GCNConv: add self-loops, symmetric normalization, linear transform, scatter-add aggregation
    loop = jnp.arange(n_nodes, dtype=edge_index.dtype)
    src = jnp.concatenate([edge_index[0], loop])
    dst = jnp.concatenate([edge_index[1], loop])
    ones = jnp.ones(src.shape[0], dtype=x.dtype)
    deg = jax.ops.segment_sum(ones, dst, num_segments=n_nodes)
    deg_inv_sqrt = jnp.where(deg > 0, jax.lax.rsqrt(jnp.maximum(deg, 1e-12)), 0.0)
    norm = deg_inv_sqrt[src] * deg_inv_sqrt[dst]
    h = x @ W  # dense transform [N, d_out]
    msg = h[src] * norm[:, None]  # gather + scale
    out = jax.ops.segment_sum(msg, dst, num_segments=n_nodes)  # scatter-add
    return out + b


def setup_inputs(seed: int = 0) -> dict:
    key = jax.random.key(seed)
    k1, k2, k3, k4 = jax.random.split(key, 4)
    x = jax.random.normal(k1, (N_NODES, D_FEAT), dtype=jnp.float32)
    edge_index = jax.random.randint(k2, (2, N_EDGES), 0, N_NODES, dtype=jnp.int64)
    # Glorot-style init for the two GCNConv layers
    s = 1.0 / np.sqrt(D_FEAT)
    W1 = jax.random.uniform(k3, (D_FEAT, D_FEAT), dtype=jnp.float32, minval=-s, maxval=s)
    b1 = jnp.zeros((D_FEAT,), dtype=jnp.float32)
    W2 = jax.random.uniform(k4, (D_FEAT, D_FEAT), dtype=jnp.float32, minval=-s, maxval=s)
    b2 = jnp.zeros((D_FEAT,), dtype=jnp.float32)
    return {"x": x, "edge_index": edge_index, "W1": W1, "b1": b1, "W2": W2, "b2": b2}


def reference(x, edge_index, W1, b1, W2, b2):
    # forward of GNN(layers=[GCNConv(128,128), ReLU(), GCNConv(128,128)])
    h = gcn_conv(x, edge_index, W1, b1, N_NODES)
    h = jax.nn.relu(h)
    out = gcn_conv(h, edge_index, W2, b2, N_NODES)
    return out

if __name__ == "__main__":
    import jax
    _d = setup_inputs()
    print(jax.jit(kernel)(*tuple(_d.values())))

</pallas_src>

<mosaic_0001>
#map = affine_map<(d0, d1) -> (0, 0)>
#map1 = affine_map<(d0, d1) -> (0)>
#map2 = affine_map<(d0, d1) -> (0, 0, 0)>
module attributes {stable_mosaic.version = 14 : i64} {
  func.func @_agg_body(%arg0: i32, %arg1: i32, %arg2: memref<10000x128xf32, #tpu.memory_space<hbm>>, %arg3: memref<320000xi32, #tpu.memory_space<hbm>>, %arg4: memref<320000xi32, #tpu.memory_space<hbm>>, %arg5: memref<2x10240x128xf32, #tpu.memory_space<hbm>>, %arg6: memref<128xi32, #tpu.memory_space<vmem>>, %arg7: memref<128xi32, #tpu.memory_space<vmem>>, %arg8: memref<16xi32, #tpu.memory_space<vmem>>, %arg9: memref<16xi32, #tpu.memory_space<vmem>>, %arg10: memref<128x128xf32, #tpu.memory_space<vmem>>, %arg11: memref<16x128xf32, #tpu.memory_space<vmem>>, %arg12: memref<10240x128xf32, #tpu.memory_space<vmem_shared>>, %arg13: memref<!tpu.dma_semaphore, #tpu.memory_space<semaphore_mem>>) attributes {dimension_semantics = [#tpu.dimension_semantics<core_parallel>, #tpu.dimension_semantics<subcore_parallel>], iteration_bounds = array<i64: 2, 16>, scalar_prefetch = 0 : i64, scratch_operands = 8 : i64, tpu.core_type = #tpu.core_type<sc_vector_subcore>, window_params = [{transform_indices = #map}, {transform_indices = #map1}, {transform_indices = #map1}, {transform_indices = #map2}]} {
    %mul3A = arith.constant 2 : i32
    %mul3A_0 = arith.muli %arg1, %mul3A : i32
    %add3A = arith.addi %mul3A_0, %arg0 : i32
    %broadcast_in_dim3A = arith.constant 0.000000e+00 : f32
    %broadcast_in_dim3A_1 = vector.broadcast %broadcast_in_dim3A : f32 to vector<16xf32>
    %scan3A = arith.constant 0 : i32
    %scan3A_2 = arith.constant 0 : i32
    %scan3A_3 = arith.constant 128 : i32
    %scan3A_4 = arith.addi %scan3A_2, %scan3A_3 : i32
    %scan3A_5 = arith.constant 1 : i32
    %scan3A_6 = scf.for %scan3A_64 = %scan3A_2 to %scan3A_4 step %scan3A_5 iter_args(%scan3A_65 = %scan3A) -> (i32)  : i32 {
      %swap3A = arith.index_cast %scan3A_64 : i32 to index
      %swap3A_66 = arith.constant 0 : index
      %swap3A_67 = tpu.vector_load %arg10[%swap3A, %swap3A_66] {strides = array<i32>} : memref<128x128xf32, #tpu.memory_space<vmem>>, vector<1x16xf32>,
      %swap3A_68 = vector.shape_cast %swap3A_67 : vector<1x16xf32> to vector<16xf32>
      %swap3A_69 = vector.shape_cast %broadcast_in_dim3A_1 : vector<16xf32> to vector<1x16xf32>
      tpu.vector_store %arg10[%swap3A, %swap3A_66], %swap3A_69 {strides = array<i32>} : memref<128x128xf32, #tpu.memory_space<vmem>>, vector<1x16xf32>,
      %swap3A_70 = arith.index_cast %scan3A_64 : i32 to index
      %swap3A_71 = arith.constant 16 : index
      %swap3A_72 = tpu.vector_load %arg10[%swap3A_70, %swap3A_71] {strides = array<i32>} : memref<128x128xf32, #tpu.memory_space<vmem>>, vector<1x16xf32>,
      %swap3A_73 = vector.shape_cast %swap3A_72 : vector<1x16xf32> to vector<16xf32>
      %swap3A_74 = vector.shape_cast %broadcast_in_dim3A_1 : vector<16xf32> to vector<1x16xf32>
      tpu.vector_store %arg10[%swap3A_70, %swap3A_71], %swap3A_74 {strides = array<i32>} : memref<128x128xf32, #tpu.memory_space<vmem>>, vector<1x16xf32>,
      %swap3A_75 = arith.index_cast %scan3A_64 : i32 to index
      %swap3A_76 = arith.constant 32 : index
      %swap3A_77 = tpu.vector_load %arg10[%swap3A_75, %swap3A_76] {strides = array<i32>} : memref<128x128xf32, #tpu.memory_space<vmem>>, vector<1x16xf32>,
      %swap3A_78 = vector.shape_cast %swap3A_77 : vector<1x16xf32> to vector<16xf32>
      %swap3A_79 = vector.shape_cast %broadcast_in_dim3A_1 : vector<16xf32> to vector<1x16xf32>
      tpu.vector_store %arg10[%swap3A_75, %swap3A_76], %swap3A_79 {strides = array<i32>} : memref<128x128xf32, #tpu.memory_space<vmem>>, vector<1x16xf32>,
      %swap3A_80 = arith.index_cast %scan3A_64 : i32 to index
      %swap3A_81 = arith.constant 48 : index
      %swap3A_82 = tpu.vector_load %arg10[%swap3A_80, %swap3A_81] {strides = array<i32>} : memref<128x128xf32, #tpu.memory_space<vmem>>, vector<1x16xf32>,
      %swap3A_83 = vector.shape_cast %swap3A_82 : vector<1x16xf32> to vector<16xf32>
      %swap3A_84 = vector.shape_cast %broadcast_in_dim3A_1 : vector<16xf32> to vector<1x16xf32>
      tpu.vector_store %arg10[%swap3A_80, %swap3A_81], %swap3A_84 {strides = array<i32>} : memref<128x128xf32, #tpu.memory_space<vmem>>, vector<1x16xf32>,
      %swap3A_85 = arith.index_cast %scan3A_64 : i32 to index
      %swap3A_86 = arith.constant 64 : index
      %swap3A_87 = tpu.vector_load %arg10[%swap3A_85, %swap3A_86] {strides = array<i32>} : memref<128x128xf32, #tpu.memory_space<vmem>>, vector<1x16xf32>,
      %swap3A_88 = vector.shape_cast %swap3A_87 : vector<1x16xf32> to vector<16xf32>
      %swap3A_89 = vector.shape_cast %broadcast_in_dim3A_1 : vector<16xf32> to vector<1x16xf32>
      tpu.vector_store %arg10[%swap3A_85, %swap3A_86], %swap3A_89 {strides = array<i32>} : memref<128x128xf32, #tpu.memory_space<vmem>>, vector<1x16xf32>,
      %swap3A_90 = arith.index_cast %scan3A_64 : i32 to index
      %swap3A_91 = arith.constant 80 : index
      %swap3A_92 = tpu.vector_load %arg10[%swap3A_90, %swap3A_91] {strides = array<i32>} : memref<128x128xf32, #tpu.memory_space<vmem>>, vector<1x16xf32>,
      %swap3A_93 = vector.shape_cast %swap3A_92 : vector<1x16xf32> to vector<16xf32>
      %swap3A_94 = vector.shape_cast %broadcast_in_dim3A_1 : vector<16xf32> to vector<1x16xf32>
      tpu.vector_store %arg10[%swap3A_90, %swap3A_91], %swap3A_94 {strides = array<i32>} : memref<128x128xf32, #tpu.memory_space<vmem>>, vector<1x16xf32>,
      %swap3A_95 = arith.index_cast %scan3A_64 : i32 to index
      %swap3A_96 = arith.constant 96 : index
      %swap3A_97 = tpu.vector_load %arg10[%swap3A_95, %swap3A_96] {strides = array<i32>} : memref<128x128xf32, #tpu.memory_space<vmem>>, vector<1x16xf32>,
      %swap3A_98 = vector.shape_cast %swap3A_97 : vector<1x16xf32> to vector<16xf32>
      %swap3A_99 = vector.shape_cast %broadcast_in_dim3A_1 : vector<16xf32> to vector<1x16xf32>
      tpu.vector_store %arg10[%swap3A_95, %swap3A_96], %swap3A_99 {strides = array<i32>} : memref<128x128xf32, #tpu.memory_space<vmem>>, vector<1x16xf32>,
      %swap3A_100 = arith.index_cast %scan3A_64 : i32 to index
      %swap3A_101 = arith.constant 112 : index
      %swap3A_102 = tpu.vector_load %arg10[%swap3A_100, %swap3A_101] {strides = array<i32>} : memref<128x128xf32, #tpu.memory_space<vmem>>, vector<1x16xf32>,
      %swap3A_103 = vector.shape_cast %swap3A_102 : vector<1x16xf32> to vector<16xf32>
      %swap3A_104 = vector.shape_cast %broadcast_in_dim3A_1 : vector<16xf32> to vector<1x16xf32>
      tpu.vector_store %arg10[%swap3A_100, %swap3A_101], %swap3A_104 {strides = array<i32>} : memref<128x128xf32, #tpu.memory_space<vmem>>, vector<1x16xf32>,
      %scan3A_105 = arith.constant 0 : i32
      scf.yield %scan3A_105 : i32
    }
    %scan3A_7 = arith.constant 128 : i32
    %mul3A_8 = arith.constant 640 : i32
    %mul3A_9 = arith.muli %arg1, %mul3A_8 : i32
    %add3A_10 = arith.constant 0 : i32
    %add3A_11 = arith.addi %mul3A_9, %add3A_10 : i32
    "tpu.region"() ({
      %run_scoped3A = tpu.sem_alloc : memref<!tpu.dma_semaphore, #tpu.memory_space<semaphore_mem>>
      %dma_start3A_64 = arith.constant 0 : i32
      %dma_start3A_65 = tpu.memref_slice %arg12[%add3A_11, %dma_start3A_64] : memref<10240x128xf32, #tpu.memory_space<vmem_shared>> -> memref<128x128xf32, #tpu.memory_space<vmem_shared>>
      %dma_start3A_66 = arith.constant 0 : i32
      %dma_start3A_67 = tpu.memref_slice %arg12[%add3A_11, %dma_start3A_66] : memref<10240x128xf32, #tpu.memory_space<vmem_shared>> -> memref<128x128xf32, #tpu.memory_space<vmem_shared>>
      tpu.enqueue_dma source(%arg10 : memref<128x128xf32, #tpu.memory_space<vmem>>) target(%dma_start3A_67 : memref<128x128xf32, #tpu.memory_space<vmem_shared>>) target_semaphore(%run_scoped3A : memref<!tpu.dma_semaphore, #tpu.memory_space<semaphore_mem>>)
      %dma_wait3A_68 = arith.constant 0 : i32
      %dma_wait3A_69 = tpu.memref_slice %arg12[%add3A_11, %dma_wait3A_68] : memref<10240x128xf32, #tpu.memory_space<vmem_shared>> -> memref<128x128xf32, #tpu.memory_space<vmem_shared>>
      %dma_wait3A_70 = arith.constant 0 : i32
      %dma_wait3A_71 = tpu.memref_slice %arg12[%add3A_11, %dma_wait3A_70] : memref<10240x128xf32, #tpu.memory_space<vmem_shared>> -> memref<128x128xf32, #tpu.memory_space<vmem_shared>>
      tpu.wait_dma2 semaphore(%run_scoped3A : memref<!tpu.dma_semaphore, #tpu.memory_space<semaphore_mem>>) src(%arg10 : memref<128x128xf32, #tpu.memory_space<vmem>>) dst(%dma_wait3A_71 : memref<128x128xf32, #tpu.memory_space<vmem_shared>>)
      tpu.yield
    }) : () -> ()
    %mul3A_12 = arith.constant 640 : i32
    %mul3A_13 = arith.muli %arg1, %mul3A_12 : i32
    %add3A_14 = arith.constant 128 : i32
    %add3A_15 = arith.addi %mul3A_13, %add3A_14 : i32
    "tpu.region"() ({
      %run_scoped3A = tpu.sem_alloc : memref<!tpu.dma_semaphore, #tpu.memory_space<semaphore_mem>>
      %dma_start3A_64 = arith.constant 0 : i32
      %dma_start3A_65 = tpu.memref_slice %arg12[%add3A_15, %dma_start3A_64] : memref<10240x128xf32, #tpu.memory_space<vmem_shared>> -> memref<128x128xf32, #tpu.memory_space<vmem_shared>>
      %dma_start3A_66 = arith.constant 0 : i32
      %dma_start3A_67 = tpu.memref_slice %arg12[%add3A_15, %dma_start3A_66] : memref<10240x128xf32, #tpu.memory_space<vmem_shared>> -> memref<128x128xf32, #tpu.memory_space<vmem_shared>>
      tpu.enqueue_dma source(%arg10 : memref<128x128xf32, #tpu.memory_space<vmem>>) target(%dma_start3A_67 : memref<128x128xf32, #tpu.memory_space<vmem_shared>>) target_semaphore(%run_scoped3A : memref<!tpu.dma_semaphore, #tpu.memory_space<semaphore_mem>>)
      %dma_wait3A_68 = arith.constant 0 : i32
      %dma_wait3A_69 = tpu.memref_slice %arg12[%add3A_15, %dma_wait3A_68] : memref<10240x128xf32, #tpu.memory_space<vmem_shared>> -> memref<128x128xf32, #tpu.memory_space<vmem_shared>>
      %dma_wait3A_70 = arith.constant 0 : i32
      %dma_wait3A_71 = tpu.memref_slice %arg12[%add3A_15, %dma_wait3A_70] : memref<10240x128xf32, #tpu.memory_space<vmem_shared>> -> memref<128x128xf32, #tpu.memory_space<vmem_shared>>
      tpu.wait_dma2 semaphore(%run_scoped3A : memref<!tpu.dma_semaphore, #tpu.memory_space<semaphore_mem>>) src(%arg10 : memref<128x128xf32, #tpu.memory_space<vmem>>) dst(%dma_wait3A_71 : memref<128x128xf32, #tpu.memory_space<vmem_shared>>)
      tpu.yield
    }) : () -> ()
    %mul3A_16 = arith.constant 640 : i32
    %mul3A_17 = arith.muli %arg1, %mul3A_16 : i32
    %add3A_18 = arith.constant 256 : i32
    %add3A_19 = arith.addi %mul3A_17, %add3A_18 : i32
    "tpu.region"() ({
      %run_scoped3A = tpu.sem_alloc : memref<!tpu.dma_semaphore, #tpu.memory_space<semaphore_mem>>
      %dma_start3A_64 = arith.constant 0 : i32
      %dma_start3A_65 = tpu.memref_slice %arg12[%add3A_19, %dma_start3A_64] : memref<10240x128xf32, #tpu.memory_space<vmem_shared>> -> memref<128x128xf32, #tpu.memory_space<vmem_shared>>
      %dma_start3A_66 = arith.constant 0 : i32
      %dma_start3A_67 = tpu.memref_slice %arg12[%add3A_19, %dma_start3A_66] : memref<10240x128xf32, #tpu.memory_space<vmem_shared>> -> memref<128x128xf32, #tpu.memory_space<vmem_shared>>
      tpu.enqueue_dma source(%arg10 : memref<128x128xf32, #tpu.memory_space<vmem>>) target(%dma_start3A_67 : memref<128x128xf32, #tpu.memory_space<vmem_shared>>) target_semaphore(%run_scoped3A : memref<!tpu.dma_semaphore, #tpu.memory_space<semaphore_mem>>)
      %dma_wait3A_68 = arith.constant 0 : i32
      %dma_wait3A_69 = tpu.memref_slice %arg12[%add3A_19, %dma_wait3A_68] : memref<10240x128xf32, #tpu.memory_space<vmem_shared>> -> memref<128x128xf32, #tpu.memory_space<vmem_shared>>
      %dma_wait3A_70 = arith.constant 0 : i32
      %dma_wait3A_71 = tpu.memref_slice %arg12[%add3A_19, %dma_wait3A_70] : memref<10240x128xf32, #tpu.memory_space<vmem_shared>> -> memref<128x128xf32, #tpu.memory_space<vmem_shared>>
      tpu.wait_dma2 semaphore(%run_scoped3A : memref<!tpu.dma_semaphore, #tpu.memory_space<semaphore_mem>>) src(%arg10 : memref<128x128xf32, #tpu.memory_space<vmem>>) dst(%dma_wait3A_71 : memref<128x128xf32, #tpu.memory_space<vmem_shared>>)
      tpu.yield
    }) : () -> ()
    %mul3A_20 = arith.constant 640 : i32
    %mul3A_21 = arith.muli %arg1, %mul3A_20 : i32
    %add3A_22 = arith.constant 384 : i32
    %add3A_23 = arith.addi %mul3A_21, %add3A_22 : i32
    "tpu.region"() ({
      %run_scoped3A = tpu.sem_alloc : memref<!tpu.dma_semaphore, #tpu.memory_space<semaphore_mem>>
      %dma_start3A_64 = arith.constant 0 : i32
      %dma_start3A_65 = tpu.memref_slice %arg12[%add3A_23, %dma_start3A_64] : memref<10240x128xf32, #tpu.memory_space<vmem_shared>> -> memref<128x128xf32, #tpu.memory_space<vmem_shared>>
      %dma_start3A_66 = arith.constant 0 : i32
      %dma_start3A_67 = tpu.memref_slice %arg12[%add3A_23, %dma_start3A_66] : memref<10240x128xf32, #tpu.memory_space<vmem_shared>> -> memref<128x128xf32, #tpu.memory_space<vmem_shared>>
      tpu.enqueue_dma source(%arg10 : memref<128x128xf32, #tpu.memory_space<vmem>>) target(%dma_start3A_67 : memref<128x128xf32, #tpu.memory_space<vmem_shared>>) target_semaphore(%run_scoped3A : memref<!tpu.dma_semaphore, #tpu.memory_space<semaphore_mem>>)
      %dma_wait3A_68 = arith.constant 0 : i32
      %dma_wait3A_69 = tpu.memref_slice %arg12[%add3A_23, %dma_wait3A_68] : memref<10240x128xf32, #tpu.memory_space<vmem_shared>> -> memref<128x128xf32, #tpu.memory_space<vmem_shared>>
      %dma_wait3A_70 = arith.constant 0 : i32
      %dma_wait3A_71 = tpu.memref_slice %arg12[%add3A_23, %dma_wait3A_70] : memref<10240x128xf32, #tpu.memory_space<vmem_shared>> -> memref<128x128xf32, #tpu.memory_space<vmem_shared>>
      tpu.wait_dma2 semaphore(%run_scoped3A : memref<!tpu.dma_semaphore, #tpu.memory_space<semaphore_mem>>) src(%arg10 : memref<128x128xf32, #tpu.memory_space<vmem>>) dst(%dma_wait3A_71 : memref<128x128xf32, #tpu.memory_space<vmem_shared>>)
      tpu.yield
    }) : () -> ()
    %mul3A_24 = arith.constant 640 : i32
    %mul3A_25 = arith.muli %arg1, %mul3A_24 : i32
    %add3A_26 = arith.constant 512 : i32
    %add3A_27 = arith.addi %mul3A_25, %add3A_26 : i32
    "tpu.region"() ({
      %run_scoped3A = tpu.sem_alloc : memref<!tpu.dma_semaphore, #tpu.memory_space<semaphore_mem>>
      %dma_start3A_64 = arith.constant 0 : i32
      %dma_start3A_65 = tpu.memref_slice %arg12[%add3A_27, %dma_start3A_64] : memref<10240x128xf32, #tpu.memory_space<vmem_shared>> -> memref<128x128xf32, #tpu.memory_space<vmem_shared>>
      %dma_start3A_66 = arith.constant 0 : i32
      %dma_start3A_67 = tpu.memref_slice %arg12[%add3A_27, %dma_start3A_66] : memref<10240x128xf32, #tpu.memory_space<vmem_shared>> -> memref<128x128xf32, #tpu.memory_space<vmem_shared>>
      tpu.enqueue_dma source(%arg10 : memref<128x128xf32, #tpu.memory_space<vmem>>) target(%dma_start3A_67 : memref<128x128xf32, #tpu.memory_space<vmem_shared>>) target_semaphore(%run_scoped3A : memref<!tpu.dma_semaphore, #tpu.memory_space<semaphore_mem>>)
      %dma_wait3A_68 = arith.constant 0 : i32
      %dma_wait3A_69 = tpu.memref_slice %arg12[%add3A_27, %dma_wait3A_68] : memref<10240x128xf32, #tpu.memory_space<vmem_shared>> -> memref<128x128xf32, #tpu.memory_space<vmem_shared>>
      %dma_wait3A_70 = arith.constant 0 : i32
      %dma_wait3A_71 = tpu.memref_slice %arg12[%add3A_27, %dma_wait3A_70] : memref<10240x128xf32, #tpu.memory_space<vmem_shared>> -> memref<128x128xf32, #tpu.memory_space<vmem_shared>>
      tpu.wait_dma2 semaphore(%run_scoped3A : memref<!tpu.dma_semaphore, #tpu.memory_space<semaphore_mem>>) src(%arg10 : memref<128x128xf32, #tpu.memory_space<vmem>>) dst(%dma_wait3A_71 : memref<128x128xf32, #tpu.memory_space<vmem_shared>>)
      tpu.yield
    }) : () -> ()
    %barrier3A = arith.constant 0 : index
    tpu.barrier barrier_id(%barrier3A)
    %mul3A_28 = arith.constant 10000 : i32
    %mul3A_29 = arith.muli %add3A, %mul3A_28 : i32
    %scan3A_30 = arith.constant 0 : i32
    %scan3A_31 = arith.constant 0 : i32
    %scan3A_32 = arith.constant 78 : i32
    %scan3A_33 = arith.addi %scan3A_31, %scan3A_32 : i32
    %scan3A_34 = arith.constant 1 : i32
    %scan3A_35 = scf.for %scan3A_64 = %scan3A_31 to %scan3A_33 step %scan3A_34 iter_args(%scan3A_65 = %scan3A_30) -> (i32)  : i32 {
      %mul3A_66 = arith.constant 128 : i32
      %mul3A_67 = arith.muli %scan3A_64, %mul3A_66 : i32
      %add3A_68 = arith.addi %mul3A_29, %mul3A_67 : i32
      "tpu.region"() ({
        %run_scoped3A = tpu.sem_alloc : memref<!tpu.dma_semaphore, #tpu.memory_space<semaphore_mem>>
        %dma_start3A_76 = tpu.memref_slice %arg3[%add3A_68] : memref<320000xi32, #tpu.memory_space<hbm>> -> memref<128xi32, #tpu.memory_space<hbm>>
        %dma_start3A_77 = tpu.memref_slice %arg3[%add3A_68] : memref<320000xi32, #tpu.memory_space<hbm>> -> memref<128xi32, #tpu.memory_space<hbm>>
        tpu.enqueue_dma source(%dma_start3A_77 : memref<128xi32, #tpu.memory_space<hbm>>) target(%arg6 : memref<128xi32, #tpu.memory_space<vmem>>) target_semaphore(%run_scoped3A : memref<!tpu.dma_semaphore, #tpu.memory_space<semaphore_mem>>)
        %dma_wait3A_78 = tpu.memref_slice %arg3[%add3A_68] : memref<320000xi32, #tpu.memory_space<hbm>> -> memref<128xi32, #tpu.memory_space<hbm>>
        %dma_wait3A_79 = tpu.memref_slice %arg3[%add3A_68] : memref<320000xi32, #tpu.memory_space<hbm>> -> memref<128xi32, #tpu.memory_space<hbm>>
        tpu.wait_dma2 semaphore(%run_scoped3A : memref<!tpu.dma_semaphore, #tpu.memory_space<semaphore_mem>>) src(%dma_wait3A_79 : memref<128xi32, #tpu.memory_space<hbm>>) dst(%arg6 : memref<128xi32, #tpu.memory_space<vmem>>)
        tpu.yield
      }) : () -> ()
      "tpu.region"() ({
        %run_scoped3A = tpu.sem_alloc : memref<!tpu.dma_semaphore, #tpu.memory_space<semaphore_mem>>
        %dma_start3A_76 = tpu.memref_slice %arg4[%add3A_68] : memref<320000xi32, #tpu.memory_space<hbm>> -> memref<128xi32, #tpu.memory_space<hbm>>
        %dma_start3A_77 = tpu.memref_slice %arg4[%add3A_68] : memref<320000xi32, #tpu.memory_space<hbm>> -> memref<128xi32, #tpu.memory_space<hbm>>
        tpu.enqueue_dma source(%dma_start3A_77 : memref<128xi32, #tpu.memory_space<hbm>>) target(%arg7 : memref<128xi32, #tpu.memory_space<vmem>>) target_semaphore(%run_scoped3A : memref<!tpu.dma_semaphore, #tpu.memory_space<semaphore_mem>>)
        %dma_wait3A_78 = tpu.memref_slice %arg4[%add3A_68] : memref<320000xi32, #tpu.memory_space<hbm>> -> memref<128xi32, #tpu.memory_space<hbm>>
        %dma_wait3A_79 = tpu.memref_slice %arg4[%add3A_68] : memref<320000xi32, #tpu.memory_space<hbm>> -> memref<128xi32, #tpu.memory_space<hbm>>
        tpu.wait_dma2 semaphore(%run_scoped3A : memref<!tpu.dma_semaphore, #tpu.memory_space<semaphore_mem>>) src(%dma_wait3A_79 : memref<128xi32, #tpu.memory_space<hbm>>) dst(%arg7 : memref<128xi32, #tpu.memory_space<vmem>>)
        tpu.yield
      }) : () -> ()
      %dma_start3A_69 = arith.constant 0 : i32
      %dma_start3A_70 = arith.constant 0 : i32
      %dma_start3A_71 = tpu.memref_slice %arg2[%dma_start3A_69, %dma_start3A_70] : memref<10000x128xf32, #tpu.memory_space<hbm>> -> memref<10000x128xf32, #tpu.memory_space<hbm>>
      tpu.enqueue_indirect_dma source(%dma_start3A_71 : memref<10000x128xf32, #tpu.memory_space<hbm>>) target(%arg10 : memref<128x128xf32, #tpu.memory_space<vmem>>) offsets(%arg6 : memref<128xi32, #tpu.memory_space<vmem>>) semaphore(%arg13 : memref<!tpu.dma_semaphore, #tpu.memory_space<semaphore_mem>>)
      %dma_wait3A_72 = arith.constant 0 : i32
      %dma_wait3A_73 = arith.constant 0 : i32
      %dma_wait3A_74 = tpu.memref_slice %arg2[%dma_wait3A_72, %dma_wait3A_73] : memref<10000x128xf32, #tpu.memory_space<hbm>> -> memref<10000x128xf32, #tpu.memory_space<hbm>>
      tpu.wait_indirect_dma semaphore(%arg13 : memref<!tpu.dma_semaphore, #tpu.memory_space<semaphore_mem>>) src(%dma_wait3A_74 : memref<10000x128xf32, #tpu.memory_space<hbm>>) dst(%arg10 : memref<128x128xf32, #tpu.memory_space<vmem>>)
      "tpu.region"() ({
        %run_scoped3A = tpu.sem_alloc : memref<!tpu.dma_semaphore, #tpu.memory_space<semaphore_mem>>
        %dma_start3A_76 = arith.constant 0 : i32
        %dma_start3A_77 = arith.constant 0 : i32
        %dma_start3A_78 = tpu.memref_slice %arg12[%dma_start3A_76, %dma_start3A_77] : memref<10240x128xf32, #tpu.memory_space<vmem_shared>> -> memref<10240x128xf32, #tpu.memory_space<vmem_shared>>
        tpu.enqueue_indirect_dma source(%arg10 : memref<128x128xf32, #tpu.memory_space<vmem>>) target(%dma_start3A_78 : memref<10240x128xf32, #tpu.memory_space<vmem_shared>>) offsets(%arg7 : memref<128xi32, #tpu.memory_space<vmem>>) semaphore(%run_scoped3A : memref<!tpu.dma_semaphore, #tpu.memory_space<semaphore_mem>>) {add = true}
        %dma_wait3A_79 = arith.constant 0 : i32
        %dma_wait3A_80 = arith.constant 0 : i32
        %dma_wait3A_81 = tpu.memref_slice %arg12[%dma_wait3A_79, %dma_wait3A_80] : memref<10240x128xf32, #tpu.memory_space<vmem_shared>> -> memref<10240x128xf32, #tpu.memory_space<vmem_shared>>
        tpu.wait_indirect_dma semaphore(%run_scoped3A : memref<!tpu.dma_semaphore, #tpu.memory_space<semaphore_mem>>) src(%arg10 : memref<128x128xf32, #tpu.memory_space<vmem>>) dst(%dma_wait3A_81 : memref<10240x128xf32, #tpu.memory_space<vmem_shared>>)
        tpu.yield
      }) : () -> ()
      %scan3A_75 = arith.constant 0 : i32
      scf.yield %scan3A_75 : i32
    }
    %scan3A_36 = arith.constant 78 : i32
    %add3A_37 = arith.constant 9984 : i32
    %add3A_38 = arith.addi %mul3A_29, %add3A_37 : i32
    "tpu.region"() ({
      %run_scoped3A = tpu.sem_alloc : memref<!tpu.dma_semaphore, #tpu.memory_space<semaphore_mem>>
      %dma_start3A_64 = tpu.memref_slice %arg3[%add3A_38] : memref<320000xi32, #tpu.memory_space<hbm>> -> memref<16xi32, #tpu.memory_space<hbm>>
      %dma_start3A_65 = tpu.memref_slice %arg3[%add3A_38] : memref<320000xi32, #tpu.memory_space<hbm>> -> memref<16xi32, #tpu.memory_space<hbm>>
      tpu.enqueue_dma source(%dma_start3A_65 : memref<16xi32, #tpu.memory_space<hbm>>) target(%arg8 : memref<16xi32, #tpu.memory_space<vmem>>) target_semaphore(%run_scoped3A : memref<!tpu.dma_semaphore, #tpu.memory_space<semaphore_mem>>)
      %dma_wait3A_66 = tpu.memref_slice %arg3[%add3A_38] : memref<320000xi32, #tpu.memory_space<hbm>> -> memref<16xi32, #tpu.memory_space<hbm>>
      %dma_wait3A_67 = tpu.memref_slice %arg3[%add3A_38] : memref<320000xi32, #tpu.memory_space<hbm>> -> memref<16xi32, #tpu.memory_space<hbm>>
      tpu.wait_dma2 semaphore(%run_scoped3A : memref<!tpu.dma_semaphore, #tpu.memory_space<semaphore_mem>>) src(%dma_wait3A_67 : memref<16xi32, #tpu.memory_space<hbm>>) dst(%arg8 : memref<16xi32, #tpu.memory_space<vmem>>)
      tpu.yield
    }) : () -> ()
    "tpu.region"() ({
      %run_scoped3A = tpu.sem_alloc : memref<!tpu.dma_semaphore, #tpu.memory_space<semaphore_mem>>
      %dma_start3A_64 = tpu.memref_slice %arg4[%add3A_38] : memref<320000xi32, #tpu.memory_space<hbm>> -> memref<16xi32, #tpu.memory_space<hbm>>
      %dma_start3A_65 = tpu.memref_slice %arg4[%add3A_38] : memref<320000xi32, #tpu.memory_space<hbm>> -> memref<16xi32, #tpu.memory_space<hbm>>
      tpu.enqueue_dma source(%dma_start3A_65 : memref<16xi32, #tpu.memory_space<hbm>>) target(%arg9 : memref<16xi32, #tpu.memory_space<vmem>>) target_semaphore(%run_scoped3A : memref<!tpu.dma_semaphore, #tpu.memory_space<semaphore_mem>>)
      %dma_wait3A_66 = tpu.memref_slice %arg4[%add3A_38] : memref<320000xi32, #tpu.memory_space<hbm>> -> memref<16xi32, #tpu.memory_space<hbm>>
      %dma_wait3A_67 = tpu.memref_slice %arg4[%add3A_38] : memref<320000xi32, #tpu.memory_space<hbm>> -> memref<16xi32, #tpu.memory_space<hbm>>
      tpu.wait_dma2 semaphore(%run_scoped3A : memref<!tpu.dma_semaphore, #tpu.memory_space<semaphore_mem>>) src(%dma_wait3A_67 : memref<16xi32, #tpu.memory_space<hbm>>) dst(%arg9 : memref<16xi32, #tpu.memory_space<vmem>>)
      tpu.yield
    }) : () -> ()
    %dma_start3A = arith.constant 0 : i32
    %dma_start3A_39 = arith.constant 0 : i32
    %dma_start3A_40 = tpu.memref_slice %arg2[%dma_start3A, %dma_start3A_39] : memref<10000x128xf32, #tpu.memory_space<hbm>> -> memref<10000x128xf32, #tpu.memory_space<hbm>>
    tpu.enqueue_indirect_dma source(%dma_start3A_40 : memref<10000x128xf32, #tpu.memory_space<hbm>>) target(%arg11 : memref<16x128xf32, #tpu.memory_space<vmem>>) offsets(%arg8 : memref<16xi32, #tpu.memory_space<vmem>>) semaphore(%arg13 : memref<!tpu.dma_semaphore, #tpu.memory_space<semaphore_mem>>)
    %dma_wait3A = arith.constant 0 : i32
    %dma_wait3A_41 = arith.constant 0 : i32
    %dma_wait3A_42 = tpu.memref_slice %arg2[%dma_wait3A, %dma_wait3A_41] : memref<10000x128xf32, #tpu.memory_space<hbm>> -> memref<10000x128xf32, #tpu.memory_space<hbm>>
    tpu.wait_indirect_dma semaphore(%arg13 : memref<!tpu.dma_semaphore, #tpu.memory_space<semaphore_mem>>) src(%dma_wait3A_42 : memref<10000x128xf32, #tpu.memory_space<hbm>>) dst(%arg11 : memref<16x128xf32, #tpu.memory_space<vmem>>)
    "tpu.region"() ({
      %run_scoped3A = tpu.sem_alloc : memref<!tpu.dma_semaphore, #tpu.memory_space<semaphore_mem>>
      %dma_start3A_64 = arith.constant 0 : i32
      %dma_start3A_65 = arith.constant 0 : i32
      %dma_start3A_66 = tpu.memref_slice %arg12[%dma_start3A_64, %dma_start3A_65] : memref<10240x128xf32, #tpu.memory_space<vmem_shared>> -> memref<10240x128xf32, #tpu.memory_space<vmem_shared>>
      tpu.enqueue_indirect_dma source(%arg11 : memref<16x128xf32, #tpu.memory_space<vmem>>) target(%dma_start3A_66 : memref<10240x128xf32, #tpu.memory_space<vmem_shared>>) offsets(%arg9 : memref<16xi32, #tpu.memory_space<vmem>>) semaphore(%run_scoped3A : memref<!tpu.dma_semaphore, #tpu.memory_space<semaphore_mem>>) {add = true}
      %dma_wait3A_67 = arith.constant 0 : i32
      %dma_wait3A_68 = arith.constant 0 : i32
      %dma_wait3A_69 = tpu.memref_slice %arg12[%dma_wait3A_67, %dma_wait3A_68] : memref<10240x128xf32, #tpu.memory_space<vmem_shared>> -> memref<10240x128xf32, #tpu.memory_space<vmem_shared>>
      tpu.wait_indirect_dma semaphore(%run_scoped3A : memref<!tpu.dma_semaphore, #tpu.memory_space<semaphore_mem>>) src(%arg11 : memref<16x128xf32, #tpu.memory_space<vmem>>) dst(%dma_wait3A_69 : memref<10240x128xf32, #tpu.memory_space<vmem_shared>>)
      tpu.yield
    }) : () -> ()
    %barrier3A_43 = arith.constant 0 : index
    tpu.barrier barrier_id(%barrier3A_43)
    %mul3A_44 = arith.constant 640 : i32
    %mul3A_45 = arith.muli %arg1, %mul3A_44 : i32
    %add3A_46 = arith.constant 0 : i32
    %add3A_47 = arith.addi %mul3A_45, %add3A_46 : i32
    "tpu.region"() ({
      %run_scoped3A = tpu.sem_alloc : memref<!tpu.dma_semaphore, #tpu.memory_space<semaphore_mem>>
      %dma_start3A_64 = arith.constant 0 : i32
      %dma_start3A_65 = tpu.memref_slice %arg12[%add3A_47, %dma_start3A_64] : memref<10240x128xf32, #tpu.memory_space<vmem_shared>> -> memref<128x128xf32, #tpu.memory_space<vmem_shared>>
      %dma_start3A_66 = arith.constant 0 : i32
      %dma_start3A_67 = tpu.memref_slice %arg12[%add3A_47, %dma_start3A_66] : memref<10240x128xf32, #tpu.memory_space<vmem_shared>> -> memref<128x128xf32, #tpu.memory_space<vmem_shared>>
      tpu.enqueue_dma source(%dma_start3A_67 : memref<128x128xf32, #tpu.memory_space<vmem_shared>>) target(%arg10 : memref<128x128xf32, #tpu.memory_space<vmem>>) target_semaphore(%run_scoped3A : memref<!tpu.dma_semaphore, #tpu.memory_space<semaphore_mem>>)
      %dma_wait3A_68 = arith.constant 0 : i32
      %dma_wait3A_69 = tpu.memref_slice %arg12[%add3A_47, %dma_wait3A_68] : memref<10240x128xf32, #tpu.memory_space<vmem_shared>> -> memref<128x128xf32, #tpu.memory_space<vmem_shared>>
      %dma_wait3A_70 = arith.constant 0 : i32
      %dma_wait3A_71 = tpu.memref_slice %arg12[%add3A_47, %dma_wait3A_70] : memref<10240x128xf32, #tpu.memory_space<vmem_shared>> -> memref<128x128xf32, #tpu.memory_space<vmem_shared>>
      tpu.wait_dma2 semaphore(%run_scoped3A : memref<!tpu.dma_semaphore, #tpu.memory_space<semaphore_mem>>) src(%dma_wait3A_71 : memref<128x128xf32, #tpu.memory_space<vmem_shared>>) dst(%arg10 : memref<128x128xf32, #tpu.memory_space<vmem>>)
      tpu.yield
    }) : () -> ()
    "tpu.region"() ({
      %run_scoped3A = tpu.sem_alloc : memref<!tpu.dma_semaphore, #tpu.memory_space<semaphore_mem>>
      %dma_start3A_64 = arith.constant 0 : i32
      %dma_start3A_65 = tpu.memref_slice %arg5[%arg0, %add3A_47, %dma_start3A_64] : memref<2x10240x128xf32, #tpu.memory_space<hbm>> -> memref<1x128x128xf32, #tpu.memory_space<hbm>>
      %dma_start3A_66 = tpu.memref_squeeze %dma_start3A_65 : memref<1x128x128xf32, #tpu.memory_space<hbm>> -> memref<128x128xf32, #tpu.memory_space<hbm>>
      %dma_start3A_67 = arith.constant 0 : i32
      %dma_start3A_68 = tpu.memref_slice %arg5[%arg0, %add3A_47, %dma_start3A_67] : memref<2x10240x128xf32, #tpu.memory_space<hbm>> -> memref<1x128x128xf32, #tpu.memory_space<hbm>>
      %dma_start3A_69 = tpu.memref_squeeze %dma_start3A_68 : memref<1x128x128xf32, #tpu.memory_space<hbm>> -> memref<128x128xf32, #tpu.memory_space<hbm>>
      tpu.enqueue_dma source(%arg10 : memref<128x128xf32, #tpu.memory_space<vmem>>) target(%dma_start3A_69 : memref<128x128xf32, #tpu.memory_space<hbm>>) target_semaphore(%run_scoped3A : memref<!tpu.dma_semaphore, #tpu.memory_space<semaphore_mem>>)
      %dma_wait3A_70 = arith.constant 0 : i32
      %dma_wait3A_71 = tpu.memref_slice %arg5[%arg0, %add3A_47, %dma_wait3A_70] : memref<2x10240x128xf32, #tpu.memory_space<hbm>> -> memref<1x128x128xf32, #tpu.memory_space<hbm>>
      %dma_wait3A_72 = tpu.memref_squeeze %dma_wait3A_71 : memref<1x128x128xf32, #tpu.memory_space<hbm>> -> memref<128x128xf32, #tpu.memory_space<hbm>>
      %dma_wait3A_73 = arith.constant 0 : i32
      %dma_wait3A_74 = tpu.memref_slice %arg5[%arg0, %add3A_47, %dma_wait3A_73] : memref<2x10240x128xf32, #tpu.memory_space<hbm>> -> memref<1x128x128xf32, #tpu.memory_space<hbm>>
      %dma_wait3A_75 = tpu.memref_squeeze %dma_wait3A_74 : memref<1x128x128xf32, #tpu.memory_space<hbm>> -> memref<128x128xf32, #tpu.memory_space<hbm>>
      tpu.wait_dma2 semaphore(%run_scoped3A : memref<!tpu.dma_semaphore, #tpu.memory_space<semaphore_mem>>) src(%arg10 : memref<128x128xf32, #tpu.memory_space<vmem>>) dst(%dma_wait3A_75 : memref<128x128xf32, #tpu.memory_space<hbm>>)
      tpu.yield
    }) : () -> ()
    %mul3A_48 = arith.constant 640 : i32
    %mul3A_49 = arith.muli %arg1, %mul3A_48 : i32
    %add3A_50 = arith.constant 128 : i32
    %add3A_51 = arith.addi %mul3A_49, %add3A_50 : i32
    "tpu.region"() ({
      %run_scoped3A = tpu.sem_alloc : memref<!tpu.dma_semaphore, #tpu.memory_space<semaphore_mem>>
      %dma_start3A_64 = arith.constant 0 : i32
      %dma_start3A_65 = tpu.memref_slice %arg12[%add3A_51, %dma_start3A_64] : memref<10240x128xf32, #tpu.memory_space<vmem_shared>> -> memref<128x128xf32, #tpu.memory_space<vmem_shared>>
      %dma_start3A_66 = arith.constant 0 : i32
      %dma_start3A_67 = tpu.memref_slice %arg12[%add3A_51, %dma_start3A_66] : memref<10240x128xf32, #tpu.memory_space<vmem_shared>> -> memref<128x128xf32, #tpu.memory_space<vmem_shared>>
      tpu.enqueue_dma source(%dma_start3A_67 : memref<128x128xf32, #tpu.memory_space<vmem_shared>>) target(%arg10 : memref<128x128xf32, #tpu.memory_space<vmem>>) target_semaphore(%run_scoped3A : memref<!tpu.dma_semaphore, #tpu.memory_space<semaphore_mem>>)
      %dma_wait3A_68 = arith.constant 0 : i32
      %dma_wait3A_69 = tpu.memref_slice %arg12[%add3A_51, %dma_wait3A_68] : memref<10240x128xf32, #tpu.memory_space<vmem_shared>> -> memref<128x128xf32, #tpu.memory_space<vmem_shared>>
      %dma_wait3A_70 = arith.constant 0 : i32
      %dma_wait3A_71 = tpu.memref_slice %arg12[%add3A_51, %dma_wait3A_70] : memref<10240x128xf32, #tpu.memory_space<vmem_shared>> -> memref<128x128xf32, #tpu.memory_space<vmem_shared>>
      tpu.wait_dma2 semaphore(%run_scoped3A : memref<!tpu.dma_semaphore, #tpu.memory_space<semaphore_mem>>) src(%dma_wait3A_71 : memref<128x128xf32, #tpu.memory_space<vmem_shared>>) dst(%arg10 : memref<128x128xf32, #tpu.memory_space<vmem>>)
      tpu.yield
    }) : () -> ()
    "tpu.region"() ({
      %run_scoped3A = tpu.sem_alloc : memref<!tpu.dma_semaphore, #tpu.memory_space<semaphore_mem>>
      %dma_start3A_64 = arith.constant 0 : i32
      %dma_start3A_65 = tpu.memref_slice %arg5[%arg0, %add3A_51, %dma_start3A_64] : memref<2x10240x128xf32, #tpu.memory_space<hbm>> -> memref<1x128x128xf32, #tpu.memory_space<hbm>>
      %dma_start3A_66 = tpu.memref_squeeze %dma_start3A_65 : memref<1x128x128xf32, #tpu.memory_space<hbm>> -> memref<128x128xf32, #tpu.memory_space<hbm>>
      %dma_start3A_67 = arith.constant 0 : i32
      %dma_start3A_68 = tpu.memref_slice %arg5[%arg0, %add3A_51, %dma_start3A_67] : memref<2x10240x128xf32, #tpu.memory_space<hbm>> -> memref<1x128x128xf32, #tpu.memory_space<hbm>>
      %dma_start3A_69 = tpu.memref_squeeze %dma_start3A_68 : memref<1x128x128xf32, #tpu.memory_space<hbm>> -> memref<128x128xf32, #tpu.memory_space<hbm>>
      tpu.enqueue_dma source(%arg10 : memref<128x128xf32, #tpu.memory_space<vmem>>) target(%dma_start3A_69 : memref<128x128xf32, #tpu.memory_space<hbm>>) target_semaphore(%run_scoped3A : memref<!tpu.dma_semaphore, #tpu.memory_space<semaphore_mem>>)
      %dma_wait3A_70 = arith.constant 0 : i32
      %dma_wait3A_71 = tpu.memref_slice %arg5[%arg0, %add3A_51, %dma_wait3A_70] : memref<2x10240x128xf32, #tpu.memory_space<hbm>> -> memref<1x128x128xf32, #tpu.memory_space<hbm>>
      %dma_wait3A_72 = tpu.memref_squeeze %dma_wait3A_71 : memref<1x128x128xf32, #tpu.memory_space<hbm>> -> memref<128x128xf32, #tpu.memory_space<hbm>>
      %dma_wait3A_73 = arith.constant 0 : i32
      %dma_wait3A_74 = tpu.memref_slice %arg5[%arg0, %add3A_51, %dma_wait3A_73] : memref<2x10240x128xf32, #tpu.memory_space<hbm>> -> memref<1x128x128xf32, #tpu.memory_space<hbm>>
      %dma_wait3A_75 = tpu.memref_squeeze %dma_wait3A_74 : memref<1x128x128xf32, #tpu.memory_space<hbm>> -> memref<128x128xf32, #tpu.memory_space<hbm>>
      tpu.wait_dma2 semaphore(%run_scoped3A : memref<!tpu.dma_semaphore, #tpu.memory_space<semaphore_mem>>) src(%arg10 : memref<128x128xf32, #tpu.memory_space<vmem>>) dst(%dma_wait3A_75 : memref<128x128xf32, #tpu.memory_space<hbm>>)
      tpu.yield
    }) : () -> ()
    %mul3A_52 = arith.constant 640 : i32
    %mul3A_53 = arith.muli %arg1, %mul3A_52 : i32
    %add3A_54 = arith.constant 256 : i32
    %add3A_55 = arith.addi %mul3A_53, %add3A_54 : i32
    "tpu.region"() ({
      %run_scoped3A = tpu.sem_alloc : memref<!tpu.dma_semaphore, #tpu.memory_space<semaphore_mem>>
      %dma_start3A_64 = arith.constant 0 : i32
      %dma_start3A_65 = tpu.memref_slice %arg12[%add3A_55, %dma_start3A_64] : memref<10240x128xf32, #tpu.memory_space<vmem_shared>> -> memref<128x128xf32, #tpu.memory_space<vmem_shared>>
      %dma_start3A_66 = arith.constant 0 : i32
      %dma_start3A_67 = tpu.memref_slice %arg12[%add3A_55, %dma_start3A_66] : memref<10240x128xf32, #tpu.memory_space<vmem_shared>> -> memref<128x128xf32, #tpu.memory_space<vmem_shared>>
      tpu.enqueue_dma source(%dma_start3A_67 : memref<128x128xf32, #tpu.memory_space<vmem_shared>>) target(%arg10 : memref<128x128xf32, #tpu.memory_space<vmem>>) target_semaphore(%run_scoped3A : memref<!tpu.dma_semaphore, #tpu.memory_space<semaphore_mem>>)
      %dma_wait3A_68 = arith.constant 0 : i32
      %dma_wait3A_69 = tpu.memref_slice %arg12[%add3A_55, %dma_wait3A_68] : memref<10240x128xf32, #tpu.memory_space<vmem_shared>> -> memref<128x128xf32, #tpu.memory_space<vmem_shared>>
      %dma_wait3A_70 = arith.constant 0 : i32
      %dma_wait3A_71 = tpu.memref_slice %arg12[%add3A_55, %dma_wait3A_70] : memref<10240x128xf32, #tpu.memory_space<vmem_shared>> -> memref<128x128xf32, #tpu.memory_space<vmem_shared>>
      tpu.wait_dma2 semaphore(%run_scoped3A : memref<!tpu.dma_semaphore, #tpu.memory_space<semaphore_mem>>) src(%dma_wait3A_71 : memref<128x128xf32, #tpu.memory_space<vmem_shared>>) dst(%arg10 : memref<128x128xf32, #tpu.memory_space<vmem>>)
      tpu.yield
    }) : () -> ()
    "tpu.region"() ({
      %run_scoped3A = tpu.sem_alloc : memref<!tpu.dma_semaphore, #tpu.memory_space<semaphore_mem>>
      %dma_start3A_64 = arith.constant 0 : i32
      %dma_start3A_65 = tpu.memref_slice %arg5[%arg0, %add3A_55, %dma_start3A_64] : memref<2x10240x128xf32, #tpu.memory_space<hbm>> -> memref<1x128x128xf32, #tpu.memory_space<hbm>>
      %dma_start3A_66 = tpu.memref_squeeze %dma_start3A_65 : memref<1x128x128xf32, #tpu.memory_space<hbm>> -> memref<128x128xf32, #tpu.memory_space<hbm>>
      %dma_start3A_67 = arith.constant 0 : i32
      %dma_start3A_68 = tpu.memref_slice %arg5[%arg0, %add3A_55, %dma_start3A_67] : memref<2x10240x128xf32, #tpu.memory_space<hbm>> -> memref<1x128x128xf32, #tpu.memory_space<hbm>>
      %dma_start3A_69 = tpu.memref_squeeze %dma_start3A_68 : memref<1x128x128xf32, #tpu.memory_space<hbm>> -> memref<128x128xf32, #tpu.memory_space<hbm>>
      tpu.enqueue_dma source(%arg10 : memref<128x128xf32, #tpu.memory_space<vmem>>) target(%dma_start3A_69 : memref<128x128xf32, #tpu.memory_space<hbm>>) target_semaphore(%run_scoped3A : memref<!tpu.dma_semaphore, #tpu.memory_space<semaphore_mem>>)
      %dma_wait3A_70 = arith.constant 0 : i32
      %dma_wait3A_71 = tpu.memref_slice %arg5[%arg0, %add3A_55, %dma_wait3A_70] : memref<2x10240x128xf32, #tpu.memory_space<hbm>> -> memref<1x128x128xf32, #tpu.memory_space<hbm>>
      %dma_wait3A_72 = tpu.memref_squeeze %dma_wait3A_71 : memref<1x128x128xf32, #tpu.memory_space<hbm>> -> memref<128x128xf32, #tpu.memory_space<hbm>>
      %dma_wait3A_73 = arith.constant 0 : i32
      %dma_wait3A_74 = tpu.memref_slice %arg5[%arg0, %add3A_55, %dma_wait3A_73] : memref<2x10240x128xf32, #tpu.memory_space<hbm>> -> memref<1x128x128xf32, #tpu.memory_space<hbm>>
      %dma_wait3A_75 = tpu.memref_squeeze %dma_wait3A_74 : memref<1x128x128xf32, #tpu.memory_space<hbm>> -> memref<128x128xf32, #tpu.memory_space<hbm>>
      tpu.wait_dma2 semaphore(%run_scoped3A : memref<!tpu.dma_semaphore, #tpu.memory_space<semaphore_mem>>) src(%arg10 : memref<128x128xf32, #tpu.memory_space<vmem>>) dst(%dma_wait3A_75 : memref<128x128xf32, #tpu.memory_space<hbm>>)
      tpu.yield
    }) : () -> ()
    %mul3A_56 = arith.constant 640 : i32
    %mul3A_57 = arith.muli %arg1, %mul3A_56 : i32
    %add3A_58 = arith.constant 384 : i32
    %add3A_59 = arith.addi %mul3A_57, %add3A_58 : i32
    "tpu.region"() ({
      %run_scoped3A = tpu.sem_alloc : memref<!tpu.dma_semaphore, #tpu.memory_space<semaphore_mem>>
      %dma_start3A_64 = arith.constant 0 : i32
      %dma_start3A_65 = tpu.memref_slice %arg12[%add3A_59, %dma_start3A_64] : memref<10240x128xf32, #tpu.memory_space<vmem_shared>> -> memref<128x128xf32, #tpu.memory_space<vmem_shared>>
      %dma_start3A_66 = arith.constant 0 : i32
      %dma_start3A_67 = tpu.memref_slice %arg12[%add3A_59, %dma_start3A_66] : memref<10240x128xf32, #tpu.memory_space<vmem_shared>> -> memref<128x128xf32, #tpu.memory_space<vmem_shared>>
      tpu.enqueue_dma source(%dma_start3A_67 : memref<128x128xf32, #tpu.memory_space<vmem_shared>>) target(%arg10 : memref<128x128xf32, #tpu.memory_space<vmem>>) target_semaphore(%run_scoped3A : memref<!tpu.dma_semaphore, #tpu.memory_space<semaphore_mem>>)
      %dma_wait3A_68 = arith.constant 0 : i32
      %dma_wait3A_69 = tpu.memref_slice %arg12[%add3A_59, %dma_wait3A_68] : memref<10240x128xf32, #tpu.memory_space<vmem_shared>> -> memref<128x128xf32, #tpu.memory_space<vmem_shared>>
      %dma_wait3A_70 = arith.constant 0 : i32
      %dma_wait3A_71 = tpu.memref_slice %arg12[%add3A_59, %dma_wait3A_70] : memref<10240x128xf32, #tpu.memory_space<vmem_shared>> -> memref<128x128xf32, #tpu.memory_space<vmem_shared>>
      tpu.wait_dma2 semaphore(%run_scoped3A : memref<!tpu.dma_semaphore, #tpu.memory_space<semaphore_mem>>) src(%dma_wait3A_71 : memref<128x128xf32, #tpu.memory_space<vmem_shared>>) dst(%arg10 : memref<128x128xf32, #tpu.memory_space<vmem>>)
      tpu.yield
    }) : () -> ()
    "tpu.region"() ({
      %run_scoped3A = tpu.sem_alloc : memref<!tpu.dma_semaphore, #tpu.memory_space<semaphore_mem>>
      %dma_start3A_64 = arith.constant 0 : i32
      %dma_start3A_65 = tpu.memref_slice %arg5[%arg0, %add3A_59, %dma_start3A_64] : memref<2x10240x128xf32, #tpu.memory_space<hbm>> -> memref<1x128x128xf32, #tpu.memory_space<hbm>>
      %dma_start3A_66 = tpu.memref_squeeze %dma_start3A_65 : memref<1x128x128xf32, #tpu.memory_space<hbm>> -> memref<128x128xf32, #tpu.memory_space<hbm>>
      %dma_start3A_67 = arith.constant 0 : i32
      %dma_start3A_68 = tpu.memref_slice %arg5[%arg0, %add3A_59, %dma_start3A_67] : memref<2x10240x128xf32, #tpu.memory_space<hbm>> -> memref<1x128x128xf32, #tpu.memory_space<hbm>>
      %dma_start3A_69 = tpu.memref_squeeze %dma_start3A_68 : memref<1x128x128xf32, #tpu.memory_space<hbm>> -> memref<128x128xf32, #tpu.memory_space<hbm>>
      tpu.enqueue_dma source(%arg10 : memref<128x128xf32, #tpu.memory_space<vmem>>) target(%dma_start3A_69 : memref<128x128xf32, #tpu.memory_space<hbm>>) target_semaphore(%run_scoped3A : memref<!tpu.dma_semaphore, #tpu.memory_space<semaphore_mem>>)
      %dma_wait3A_70 = arith.constant 0 : i32
      %dma_wait3A_71 = tpu.memref_slice %arg5[%arg0, %add3A_59, %dma_wait3A_70] : memref<2x10240x128xf32, #tpu.memory_space<hbm>> -> memref<1x128x128xf32, #tpu.memory_space<hbm>>
      %dma_wait3A_72 = tpu.memref_squeeze %dma_wait3A_71 : memref<1x128x128xf32, #tpu.memory_space<hbm>> -> memref<128x128xf32, #tpu.memory_space<hbm>>
      %dma_wait3A_73 = arith.constant 0 : i32
      %dma_wait3A_74 = tpu.memref_slice %arg5[%arg0, %add3A_59, %dma_wait3A_73] : memref<2x10240x128xf32, #tpu.memory_space<hbm>> -> memref<1x128x128xf32, #tpu.memory_space<hbm>>
      %dma_wait3A_75 = tpu.memref_squeeze %dma_wait3A_74 : memref<1x128x128xf32, #tpu.memory_space<hbm>> -> memref<128x128xf32, #tpu.memory_space<hbm>>
      tpu.wait_dma2 semaphore(%run_scoped3A : memref<!tpu.dma_semaphore, #tpu.memory_space<semaphore_mem>>) src(%arg10 : memref<128x128xf32, #tpu.memory_space<vmem>>) dst(%dma_wait3A_75 : memref<128x128xf32, #tpu.memory_space<hbm>>)
      tpu.yield
    }) : () -> ()
    %mul3A_60 = arith.constant 640 : i32
    %mul3A_61 = arith.muli %arg1, %mul3A_60 : i32
    %add3A_62 = arith.constant 512 : i32
    %add3A_63 = arith.addi %mul3A_61, %add3A_62 : i32
    "tpu.region"() ({
      %run_scoped3A = tpu.sem_alloc : memref<!tpu.dma_semaphore, #tpu.memory_space<semaphore_mem>>
      %dma_start3A_64 = arith.constant 0 : i32
      %dma_start3A_65 = tpu.memref_slice %arg12[%add3A_63, %dma_start3A_64] : memref<10240x128xf32, #tpu.memory_space<vmem_shared>> -> memref<128x128xf32, #tpu.memory_space<vmem_shared>>
      %dma_start3A_66 = arith.constant 0 : i32
      %dma_start3A_67 = tpu.memref_slice %arg12[%add3A_63, %dma_start3A_66] : memref<10240x128xf32, #tpu.memory_space<vmem_shared>> -> memref<128x128xf32, #tpu.memory_space<vmem_shared>>
      tpu.enqueue_dma source(%dma_start3A_67 : memref<128x128xf32, #tpu.memory_space<vmem_shared>>) target(%arg10 : memref<128x128xf32, #tpu.memory_space<vmem>>) target_semaphore(%run_scoped3A : memref<!tpu.dma_semaphore, #tpu.memory_space<semaphore_mem>>)
      %dma_wait3A_68 = arith.constant 0 : i32
      %dma_wait3A_69 = tpu.memref_slice %arg12[%add3A_63, %dma_wait3A_68] : memref<10240x128xf32, #tpu.memory_space<vmem_shared>> -> memref<128x128xf32, #tpu.memory_space<vmem_shared>>
      %dma_wait3A_70 = arith.constant 0 : i32
      %dma_wait3A_71 = tpu.memref_slice %arg12[%add3A_63, %dma_wait3A_70] : memref<10240x128xf32, #tpu.memory_space<vmem_shared>> -> memref<128x128xf32, #tpu.memory_space<vmem_shared>>
      tpu.wait_dma2 semaphore(%run_scoped3A : memref<!tpu.dma_semaphore, #tpu.memory_space<semaphore_mem>>) src(%dma_wait3A_71 : memref<128x128xf32, #tpu.memory_space<vmem_shared>>) dst(%arg10 : memref<128x128xf32, #tpu.memory_space<vmem>>)
      tpu.yield
    }) : () -> ()
    "tpu.region"() ({
      %run_scoped3A = tpu.sem_alloc : memref<!tpu.dma_semaphore, #tpu.memory_space<semaphore_mem>>
      %dma_start3A_64 = arith.constant 0 : i32
      %dma_start3A_65 = tpu.memref_slice %arg5[%arg0, %add3A_63, %dma_start3A_64] : memref<2x10240x128xf32, #tpu.memory_space<hbm>> -> memref<1x128x128xf32, #tpu.memory_space<hbm>>
      %dma_start3A_66 = tpu.memref_squeeze %dma_start3A_65 : memref<1x128x128xf32, #tpu.memory_space<hbm>> -> memref<128x128xf32, #tpu.memory_space<hbm>>
      %dma_start3A_67 = arith.constant 0 : i32
      %dma_start3A_68 = tpu.memref_slice %arg5[%arg0, %add3A_63, %dma_start3A_67] : memref<2x10240x128xf32, #tpu.memory_space<hbm>> -> memref<1x128x128xf32, #tpu.memory_space<hbm>>
      %dma_start3A_69 = tpu.memref_squeeze %dma_start3A_68 : memref<1x128x128xf32, #tpu.memory_space<hbm>> -> memref<128x128xf32, #tpu.memory_space<hbm>>
      tpu.enqueue_dma source(%arg10 : memref<128x128xf32, #tpu.memory_space<vmem>>) target(%dma_start3A_69 : memref<128x128xf32, #tpu.memory_space<hbm>>) target_semaphore(%run_scoped3A : memref<!tpu.dma_semaphore, #tpu.memory_space<semaphore_mem>>)
      %dma_wait3A_70 = arith.constant 0 : i32
      %dma_wait3A_71 = tpu.memref_slice %arg5[%arg0, %add3A_63, %dma_wait3A_70] : memref<2x10240x128xf32, #tpu.memory_space<hbm>> -> memref<1x128x128xf32, #tpu.memory_space<hbm>>
      %dma_wait3A_72 = tpu.memref_squeeze %dma_wait3A_71 : memref<1x128x128xf32, #tpu.memory_space<hbm>> -> memref<128x128xf32, #tpu.memory_space<hbm>>
      %dma_wait3A_73 = arith.constant 0 : i32
      %dma_wait3A_74 = tpu.memref_slice %arg5[%arg0, %add3A_63, %dma_wait3A_73] : memref<2x10240x128xf32, #tpu.memory_space<hbm>> -> memref<1x128x128xf32, #tpu.memory_space<hbm>>
      %dma_wait3A_75 = tpu.memref_squeeze %dma_wait3A_74 : memref<1x128x128xf32, #tpu.memory_space<hbm>> -> memref<128x128xf32, #tpu.memory_space<hbm>>
      tpu.wait_dma2 semaphore(%run_scoped3A : memref<!tpu.dma_semaphore, #tpu.memory_space<semaphore_mem>>) src(%arg10 : memref<128x128xf32, #tpu.memory_space<vmem>>) dst(%dma_wait3A_75 : memref<128x128xf32, #tpu.memory_space<hbm>>)
      tpu.yield
    }) : () -> ()
    return
  }
}

#map = affine_map<(d0, d1) -> (0)>
#map1 = affine_map<(d0, d1) -> (0, 0, 0)>
module attributes {stable_mosaic.version = 14 : i64} {
  func.func @_deg_body(%arg0: i32, %arg1: i32, %arg2: memref<320000xi32, #tpu.memory_space<hbm>>, %arg3: memref<2x10240x16xf32, #tpu.memory_space<hbm>>, %arg4: memref<128x16xf32, #tpu.memory_space<vmem>>, %arg5: memref<16x16xf32, #tpu.memory_space<vmem>>, %arg6: memref<128xi32, #tpu.memory_space<vmem>>, %arg7: memref<16xi32, #tpu.memory_space<vmem>>, %arg8: memref<128x16xf32, #tpu.memory_space<vmem>>, %arg9: memref<10240x16xf32, #tpu.memory_space<vmem_shared>>) attributes {dimension_semantics = [#tpu.dimension_semantics<core_parallel>, #tpu.dimension_semantics<subcore_parallel>], iteration_bounds = array<i64: 2, 16>, scalar_prefetch = 0 : i64, scratch_operands = 6 : i64, tpu.core_type = #tpu.core_type<sc_vector_subcore>, window_params = [{transform_indices = #map}, {transform_indices = #map1}]} {
    %mul3A = arith.constant 2 : i32
    %mul3A_0 = arith.muli %arg1, %mul3A : i32
    %add3A = arith.addi %mul3A_0, %arg0 : i32
    %broadcast_in_dim3A = arith.constant 1.000000e+00 : f32
    %broadcast_in_dim3A_1 = vector.broadcast %broadcast_in_dim3A : f32 to vector<16xf32>
    %broadcast_in_dim3A_2 = arith.constant 0.000000e+00 : f32
    %broadcast_in_dim3A_3 = vector.broadcast %broadcast_in_dim3A_2 : f32 to vector<16xf32>
    %scan3A = arith.constant 0 : i32
    %scan3A_4 = arith.constant 0 : i32
    %scan3A_5 = arith.constant 128 : i32
    %scan3A_6 = arith.addi %scan3A_4, %scan3A_5 : i32
    %scan3A_7 = arith.constant 1 : i32
    %scan3A_8 = scf.for %scan3A_157 = %scan3A_4 to %scan3A_6 step %scan3A_7 iter_args(%scan3A_158 = %scan3A) -> (i32)  : i32 {
      %swap3A_159 = arith.index_cast %scan3A_157 : i32 to index
      %swap3A_160 = arith.constant 0 : index
      %swap3A_161 = tpu.vector_load %arg4[%swap3A_159, %swap3A_160] {strides = array<i32>} : memref<128x16xf32, #tpu.memory_space<vmem>>, vector<1x16xf32>,
      %swap3A_162 = vector.shape_cast %swap3A_161 : vector<1x16xf32> to vector<16xf32>
      %swap3A_163 = vector.shape_cast %broadcast_in_dim3A_1 : vector<16xf32> to vector<1x16xf32>
      tpu.vector_store %arg4[%swap3A_159, %swap3A_160], %swap3A_163 {strides = array<i32>} : memref<128x16xf32, #tpu.memory_space<vmem>>, vector<1x16xf32>,
      %swap3A_164 = arith.index_cast %scan3A_157 : i32 to index
      %swap3A_165 = arith.constant 0 : index
      %swap3A_166 = tpu.vector_load %arg8[%swap3A_164, %swap3A_165] {strides = array<i32>} : memref<128x16xf32, #tpu.memory_space<vmem>>, vector<1x16xf32>,
      %swap3A_167 = vector.shape_cast %swap3A_166 : vector<1x16xf32> to vector<16xf32>
      %swap3A_168 = vector.shape_cast %broadcast_in_dim3A_3 : vector<16xf32> to vector<1x16xf32>
      tpu.vector_store %arg8[%swap3A_164, %swap3A_165], %swap3A_168 {strides = array<i32>} : memref<128x16xf32, #tpu.memory_space<vmem>>, vector<1x16xf32>,
      %scan3A_169 = arith.constant 0 : i32
      scf.yield %scan3A_169 : i32
    }
    %scan3A_9 = arith.constant 128 : i32
    %swap3A = arith.constant 0 : i32
    %swap3A_10 = arith.index_cast %swap3A : i32 to index
    %swap3A_11 = arith.constant 0 : index
    %swap3A_12 = tpu.vector_load %arg5[%swap3A_10, %swap3A_11] {strides = array<i32>} : memref<16x16xf32, #tpu.memory_space<vmem>>, vector<1x16xf32>,
    %swap3A_13 = vector.shape_cast %swap3A_12 : vector<1x16xf32> to vector<16xf32>
    %swap3A_14 = vector.shape_cast %broadcast_in_dim3A_1 : vector<16xf32> to vector<1x16xf32>
    tpu.vector_store %arg5[%swap3A_10, %swap3A_11], %swap3A_14 {strides = array<i32>} : memref<16x16xf32, #tpu.memory_space<vmem>>, vector<1x16xf32>,
    %swap3A_15 = arith.constant 1 : i32
    %swap3A_16 = arith.index_cast %swap3A_15 : i32 to index
    %swap3A_17 = arith.constant 0 : index
    %swap3A_18 = tpu.vector_load %arg5[%swap3A_16, %swap3A_17] {strides = array<i32>} : memref<16x16xf32, #tpu.memory_space<vmem>>, vector<1x16xf32>,
    %swap3A_19 = vector.shape_cast %swap3A_18 : vector<1x16xf32> to vector<16xf32>
    %swap3A_20 = vector.shape_cast %broadcast_in_dim3A_1 : vector<16xf32> to vector<1x16xf32>
    tpu.vector_store %arg5[%swap3A_16, %swap3A_17], %swap3A_20 {strides = array<i32>} : memref<16x16xf32, #tpu.memory_space<vmem>>, vector<1x16xf32>,
    %swap3A_21 = arith.constant 2 : i32
    %swap3A_22 = arith.index_cast %swap3A_21 : i32 to index
    %swap3A_23 = arith.constant 0 : index
    %swap3A_24 = tpu.vector_load %arg5[%swap3A_22, %swap3A_23] {strides = array<i32>} : memref<16x16xf32, #tpu.memory_space<vmem>>, vector<1x16xf32>,
    %swap3A_25 = vector.shape_cast %swap3A_24 : vector<1x16xf32> to vector<16xf32>
    %swap3A_26 = vector.shape_cast %broadcast_in_dim3A_1 : vector<16xf32> to vector<1x16xf32>
    tpu.vector_store %arg5[%swap3A_22, %swap3A_23], %swap3A_26 {strides = array<i32>} : memref<16x16xf32, #tpu.memory_space<vmem>>, vector<1x16xf32>,
    %swap3A_27 = arith.constant 3 : i32
    %swap3A_28 = arith.index_cast %swap3A_27 : i32 to index
    %swap3A_29 = arith.constant 0 : index
    %swap3A_30 = tpu.vector_load %arg5[%swap3A_28, %swap3A_29] {strides = array<i32>} : memref<16x16xf32, #tpu.memory_space<vmem>>, vector<1x16xf32>,
    %swap3A_31 = vector.shape_cast %swap3A_30 : vector<1x16xf32> to vector<16xf32>
    %swap3A_32 = vector.shape_cast %broadcast_in_dim3A_1 : vector<16xf32> to vector<1x16xf32>
    tpu.vector_store %arg5[%swap3A_28, %swap3A_29], %swap3A_32 {strides = array<i32>} : memref<16x16xf32, #tpu.memory_space<vmem>>, vector<1x16xf32>,
    %swap3A_33 = arith.constant 4 : i32
    %swap3A_34 = arith.index_cast %swap3A_33 : i32 to index
    %swap3A_35 = arith.constant 0 : index
    %swap3A_36 = tpu.vector_load %arg5[%swap3A_34, %swap3A_35] {strides = array<i32>} : memref<16x16xf32, #tpu.memory_space<vmem>>, vector<1x16xf32>,
    %swap3A_37 = vector.shape_cast %swap3A_36 : vector<1x16xf32> to vector<16xf32>
    %swap3A_38 = vector.shape_cast %broadcast_in_dim3A_1 : vector<16xf32> to vector<1x16xf32>
    tpu.vector_store %arg5[%swap3A_34, %swap3A_35], %swap3A_38 {strides = array<i32>} : memref<16x16xf32, #tpu.memory_space<vmem>>, vector<1x16xf32>,
    %swap3A_39 = arith.constant 5 : i32
    %swap3A_40 = arith.index_cast %swap3A_39 : i32 to index
    %swap3A_41 = arith.constant 0 : index
    %swap3A_42 = tpu.vector_load %arg5[%swap3A_40, %swap3A_41] {strides = array<i32>} : memref<16x16xf32, #tpu.memory_space<vmem>>, vector<1x16xf32>,
    %swap3A_43 = vector.shape_cast %swap3A_42 : vector<1x16xf32> to vector<16xf32>
    %swap3A_44 = vector.shape_cast %broadcast_in_dim3A_1 : vector<16xf32> to vector<1x16xf32>
    tpu.vector_store %arg5[%swap3A_40, %swap3A_41], %swap3A_44 {strides = array<i32>} : memref<16x16xf32, #tpu.memory_space<vmem>>, vector<1x16xf32>,
    %swap3A_45 = arith.constant 6 : i32
    %swap3A_46 = arith.index_cast %swap3A_45 : i32 to index
    %swap3A_47 = arith.constant 0 : index
    %swap3A_48 = tpu.vector_load %arg5[%swap3A_46, %swap3A_47] {strides = array<i32>} : memref<16x16xf32, #tpu.memory_space<vmem>>, vector<1x16xf32>,
    %swap3A_49 = vector.shape_cast %swap3A_48 : vector<1x16xf32> to vector<16xf32>
    %swap3A_50 = vector.shape_cast %broadcast_in_dim3A_1 : vector<16xf32> to vector<1x16xf32>
    tpu.vector_store %arg5[%swap3A_46, %swap3A_47], %swap3A_50 {strides = array<i32>} : memref<16x16xf32, #tpu.memory_space<vmem>>, vector<1x16xf32>,
    %swap3A_51 = arith.constant 7 : i32
    %swap3A_52 = arith.index_cast %swap3A_51 : i32 to index
    %swap3A_53 = arith.constant 0 : index
    %swap3A_54 = tpu.vector_load %arg5[%swap3A_52, %swap3A_53] {strides = array<i32>} : memref<16x16xf32, #tpu.memory_space<vmem>>, vector<1x16xf32>,
    %swap3A_55 = vector.shape_cast %swap3A_54 : vector<1x16xf32> to vector<16xf32>
    %swap3A_56 = vector.shape_cast %broadcast_in_dim3A_1 : vector<16xf32> to vector<1x16xf32>
    tpu.vector_store %arg5[%swap3A_52, %swap3A_53], %swap3A_56 {strides = array<i32>} : memref<16x16xf32, #tpu.memory_space<vmem>>, vector<1x16xf32>,
    %swap3A_57 = arith.constant 8 : i32
    %swap3A_58 = arith.index_cast %swap3A_57 : i32 to index
    %swap3A_59 = arith.constant 0 : index
    %swap3A_60 = tpu.vector_load %arg5[%swap3A_58, %swap3A_59] {strides = array<i32>} : memref<16x16xf32, #tpu.memory_space<vmem>>, vector<1x16xf32>,
    %swap3A_61 = vector.shape_cast %swap3A_60 : vector<1x16xf32> to vector<16xf32>
    %swap3A_62 = vector.shape_cast %broadcast_in_dim3A_1 : vector<16xf32> to vector<1x16xf32>
    tpu.vector_store %arg5[%swap3A_58, %swap3A_59], %swap3A_62 {strides = array<i32>} : memref<16x16xf32, #tpu.memory_space<vmem>>, vector<1x16xf32>,
    %swap3A_63 = arith.constant 9 : i32
    %swap3A_64 = arith.index_cast %swap3A_63 : i32 to index
    %swap3A_65 = arith.constant 0 : index
    %swap3A_66 = tpu.vector_load %arg5[%swap3A_64, %swap3A_65] {strides = array<i32>} : memref<16x16xf32, #tpu.memory_space<vmem>>, vector<1x16xf32>,
    %swap3A_67 = vector.shape_cast %swap3A_66 : vector<1x16xf32> to vector<16xf32>
    %swap3A_68 = vector.shape_cast %broadcast_in_dim3A_1 : vector<16xf32> to vector<1x16xf32>
    tpu.vector_store %arg5[%swap3A_64, %swap3A_65], %swap3A_68 {strides = array<i32>} : memref<16x16xf32, #tpu.memory_space<vmem>>, vector<1x16xf32>,
    %swap3A_69 = arith.constant 10 : i32
    %swap3A_70 = arith.index_cast %swap3A_69 : i32 to index
    %swap3A_71 = arith.constant 0 : index
    %swap3A_72 = tpu.vector_load %arg5[%swap3A_70, %swap3A_71] {strides = array<i32>} : memref<16x16xf32, #tpu.memory_space<vmem>>, vector<1x16xf32>,
    %swap3A_73 = vector.shape_cast %swap3A_72 : vector<1x16xf32> to vector<16xf32>
    %swap3A_74 = vector.shape_cast %broadcast_in_dim3A_1 : vector<16xf32> to vector<1x16xf32>
    tpu.vector_store %arg5[%swap3A_70, %swap3A_71], %swap3A_74 {strides = array<i32>} : memref<16x16xf32, #tpu.memory_space<vmem>>, vector<1x16xf32>,
    %swap3A_75 = arith.constant 11 : i32
    %swap3A_76 = arith.index_cast %swap3A_75 : i32 to index
    %swap3A_77 = arith.constant 0 : index
    %swap3A_78 = tpu.vector_load %arg5[%swap3A_76, %swap3A_77] {strides = array<i32>} : memref<16x16xf32, #tpu.memory_space<vmem>>, vector<1x16xf32>,
    %swap3A_79 = vector.shape_cast %swap3A_78 : vector<1x16xf32> to vector<16xf32>
    %swap3A_80 = vector.shape_cast %broadcast_in_dim3A_1 : vector<16xf32> to vector<1x16xf32>
    tpu.vector_store %arg5[%swap3A_76, %swap3A_77], %swap3A_80 {strides = array<i32>} : memref<16x16xf32, #tpu.memory_space<vmem>>, vector<1x16xf32>,
    %swap3A_81 = arith.constant 12 : i32
    %swap3A_82 = arith.index_cast %swap3A_81 : i32 to index
    %swap3A_83 = arith.constant 0 : index
    %swap3A_84 = tpu.vector_load %arg5[%swap3A_82, %swap3A_83] {strides = array<i32>} : memref<16x16xf32, #tpu.memory_space<vmem>>, vector<1x16xf32>,
    %swap3A_85 = vector.shape_cast %swap3A_84 : vector<1x16xf32> to vector<16xf32>
    %swap3A_86 = vector.shape_cast %broadcast_in_dim3A_1 : vector<16xf32> to vector<1x16xf32>
    tpu.vector_store %arg5[%swap3A_82, %swap3A_83], %swap3A_86 {strides = array<i32>} : memref<16x16xf32, #tpu.memory_space<vmem>>, vector<1x16xf32>,
    %swap3A_87 = arith.constant 13 : i32
    %swap3A_88 = arith.index_cast %swap3A_87 : i32 to index
    %swap3A_89 = arith.constant 0 : index
    %swap3A_90 = tpu.vector_load %arg5[%swap3A_88, %swap3A_89] {strides = array<i32>} : memref<16x16xf32, #tpu.memory_space<vmem>>, vector<1x16xf32>,
    %swap3A_91 = vector.shape_cast %swap3A_90 : vector<1x16xf32> to vector<16xf32>
    %swap3A_92 = vector.shape_cast %broadcast_in_dim3A_1 : vector<16xf32> to vector<1x16xf32>
    tpu.vector_store %arg5[%swap3A_88, %swap3A_89], %swap3A_92 {strides = array<i32>} : memref<16x16xf32, #tpu.memory_space<vmem>>, vector<1x16xf32>,
    %swap3A_93 = arith.constant 14 : i32
    %swap3A_94 = arith.index_cast %swap3A_93 : i32 to index
    %swap3A_95 = arith.constant 0 : index
    %swap3A_96 = tpu.vector_load %arg5[%swap3A_94, %swap3A_95] {strides = array<i32>} : memref<16x16xf32, #tpu.memory_space<vmem>>, vector<1x16xf32>,
    %swap3A_97 = vector.shape_cast %swap3A_96 : vector<1x16xf32> to vector<16xf32>
    %swap3A_98 = vector.shape_cast %broadcast_in_dim3A_1 : vector<16xf32> to vector<1x16xf32>
    tpu.vector_store %arg5[%swap3A_94, %swap3A_95], %swap3A_98 {strides = array<i32>} : memref<16x16xf32, #tpu.memory_space<vmem>>, vector<1x16xf32>,
    %swap3A_99 = arith.constant 15 : i32
    %swap3A_100 = arith.index_cast %swap3A_99 : i32 to index
    %swap3A_101 = arith.constant 0 : index
    %swap3A_102 = tpu.vector_load %arg5[%swap3A_100, %swap3A_101] {strides = array<i32>} : memref<16x16xf32, #tpu.memory_space<vmem>>, vector<1x16xf32>,
    %swap3A_103 = vector.shape_cast %swap3A_102 : vector<1x16xf32> to vector<16xf32>
    %swap3A_104 = vector.shape_cast %broadcast_in_dim3A_1 : vector<16xf32> to vector<1x16xf32>
    tpu.vector_store %arg5[%swap3A_100, %swap3A_101], %swap3A_104 {strides = array<i32>} : memref<16x16xf32, #tpu.memory_space<vmem>>, vector<1x16xf32>,
    %mul3A_105 = arith.constant 640 : i32
    %mul3A_106 = arith.muli %arg1, %mul3A_105 : i32
    %add3A_107 = arith.constant 0 : i32
    %add3A_108 = arith.addi %mul3A_106, %add3A_107 : i32
    "tpu.region"() ({
      %run_scoped3A = tpu.sem_alloc : memref<!tpu.dma_semaphore, #tpu.memory_space<semaphore_mem>>
      %dma_start3A = arith.constant 0 : i32
      %dma_start3A_157 = tpu.memref_slice %arg9[%add3A_108, %dma_start3A] : memref<10240x16xf32, #tpu.memory_space<vmem_shared>> -> memref<128x16xf32, #tpu.memory_space<vmem_shared>>
      %dma_start3A_158 = arith.constant 0 : i32
      %dma_start3A_159 = tpu.memref_slice %arg9[%add3A_108, %dma_start3A_158] : memref<10240x16xf32, #tpu.memory_space<vmem_shared>> -> memref<128x16xf32, #tpu.memory_space<vmem_shared>>
      tpu.enqueue_dma source(%arg8 : memref<128x16xf32, #tpu.memory_space<vmem>>) target(%dma_start3A_159 : memref<128x16xf32, #tpu.memory_space<vmem_shared>>) target_semaphore(%run_scoped3A : memref<!tpu.dma_semaphore, #tpu.memory_space<semaphore_mem>>)
      %dma_wait3A = arith.constant 0 : i32
      %dma_wait3A_160 = tpu.memref_slice %arg9[%add3A_108, %dma_wait3A] : memref<10240x16xf32, #tpu.memory_space<vmem_shared>> -> memref<128x16xf32, #tpu.memory_space<vmem_shared>>
      %dma_wait3A_161 = arith.constant 0 : i32
      %dma_wait3A_162 = tpu.memref_slice %arg9[%add3A_108, %dma_wait3A_161] : memref<10240x16xf32, #tpu.memory_space<vmem_shared>> -> memref<128x16xf32, #tpu.memory_space<vmem_shared>>
      tpu.wait_dma2 semaphore(%run_scoped3A : memref<!tpu.dma_semaphore, #tpu.memory_space<semaphore_mem>>) src(%arg8 : memref<128x16xf32, #tpu.memory_space<vmem>>) dst(%dma_wait3A_162 : memref<128x16xf32, #tpu.memory_space<vmem_shared>>)
      tpu.yield
    }) : () -> ()
    %mul3A_109 = arith.constant 640 : i32
    %mul3A_110 = arith.muli %arg1, %mul3A_109 : i32
    %add3A_111 = arith.constant 128 : i32
    %add3A_112 = arith.addi %mul3A_110, %add3A_111 : i32
    "tpu.region"() ({
      %run_scoped3A = tpu.sem_alloc : memref<!tpu.dma_semaphore, #tpu.memory_space<semaphore_mem>>
      %dma_start3A = arith.constant 0 : i32
      %dma_start3A_157 = tpu.memref_slice %arg9[%add3A_112, %dma_start3A] : memref<10240x16xf32, #tpu.memory_space<vmem_shared>> -> memref<128x16xf32, #tpu.memory_space<vmem_shared>>
      %dma_start3A_158 = arith.constant 0 : i32
      %dma_start3A_159 = tpu.memref_slice %arg9[%add3A_112, %dma_start3A_158] : memref<10240x16xf32, #tpu.memory_space<vmem_shared>> -> memref<128x16xf32, #tpu.memory_space<vmem_shared>>
      tpu.enqueue_dma source(%arg8 : memref<128x16xf32, #tpu.memory_space<vmem>>) target(%dma_start3A_159 : memref<128x16xf32, #tpu.memory_space<vmem_shared>>) target_semaphore(%run_scoped3A : memref<!tpu.dma_semaphore, #tpu.memory_space<semaphore_mem>>)
      %dma_wait3A = arith.constant 0 : i32
      %dma_wait3A_160 = tpu.memref_slice %arg9[%add3A_112, %dma_wait3A] : memref<10240x16xf32, #tpu.memory_space<vmem_shared>> -> memref<128x16xf32, #tpu.memory_space<vmem_shared>>
      %dma_wait3A_161 = arith.constant 0 : i32
      %dma_wait3A_162 = tpu.memref_slice %arg9[%add3A_112, %dma_wait3A_161] : memref<10240x16xf32, #tpu.memory_space<vmem_shared>> -> memref<128x16xf32, #tpu.memory_space<vmem_shared>>
      tpu.wait_dma2 semaphore(%run_scoped3A : memref<!tpu.dma_semaphore, #tpu.memory_space<semaphore_mem>>) src(%arg8 : memref<128x16xf32, #tpu.memory_space<vmem>>) dst(%dma_wait3A_162 : memref<128x16xf32, #tpu.memory_space<vmem_shared>>)
      tpu.yield
    }) : () -> ()
    %mul3A_113 = arith.constant 640 : i32
    %mul3A_114 = arith.muli %arg1, %mul3A_113 : i32
    %add3A_115 = arith.constant 256 : i32
    %add3A_116 = arith.addi %mul3A_114, %add3A_115 : i32
    "tpu.region"() ({
      %run_scoped3A = tpu.sem_alloc : memref<!tpu.dma_semaphore, #tpu.memory_space<semaphore_mem>>
      %dma_start3A = arith.constant 0 : i32
      %dma_start3A_157 = tpu.memref_slice %arg9[%add3A_116, %dma_start3A] : memref<10240x16xf32, #tpu.memory_space<vmem_shared>> -> memref<128x16xf32, #tpu.memory_space<vmem_shared>>
      %dma_start3A_158 = arith.constant 0 : i32
      %dma_start3A_159 = tpu.memref_slice %arg9[%add3A_116, %dma_start3A_158] : memref<10240x16xf32, #tpu.memory_space<vmem_shared>> -> memref<128x16xf32, #tpu.memory_space<vmem_shared>>
      tpu.enqueue_dma source(%arg8 : memref<128x16xf32, #tpu.memory_space<vmem>>) target(%dma_start3A_159 : memref<128x16xf32, #tpu.memory_space<vmem_shared>>) target_semaphore(%run_scoped3A : memref<!tpu.dma_semaphore, #tpu.memory_space<semaphore_mem>>)
      %dma_wait3A = arith.constant 0 : i32
      %dma_wait3A_160 = tpu.memref_slice %arg9[%add3A_116, %dma_wait3A] : memref<10240x16xf32, #tpu.memory_space<vmem_shared>> -> memref<128x16xf32, #tpu.memory_space<vmem_shared>>
      %dma_wait3A_161 = arith.constant 0 : i32
      %dma_wait3A_162 = tpu.memref_slice %arg9[%add3A_116, %dma_wait3A_161] : memref<10240x16xf32, #tpu.memory_space<vmem_shared>> -> memref<128x16xf32, #tpu.memory_space<vmem_shared>>
      tpu.wait_dma2 semaphore(%run_scoped3A : memref<!tpu.dma_semaphore, #tpu.memory_space<semaphore_mem>>) src(%arg8 : memref<128x16xf32, #tpu.memory_space<vmem>>) dst(%dma_wait3A_162 : memref<128x16xf32, #tpu.memory_space<vmem_shared>>)
      tpu.yield
    }) : () -> ()
    %mul3A_117 = arith.constant 640 : i32
    %mul3A_118 = arith.muli %arg1, %mul3A_117 : i32
    %add3A_119 = arith.constant 384 : i32
    %add3A_120 = arith.addi %mul3A_118, %add3A_119 : i32
    "tpu.region"() ({
      %run_scoped3A = tpu.sem_alloc : memref<!tpu.dma_semaphore, #tpu.memory_space<semaphore_mem>>
      %dma_start3A = arith.constant 0 : i32
      %dma_start3A_157 = tpu.memref_slice %arg9[%add3A_120, %dma_start3A] : memref<10240x16xf32, #tpu.memory_space<vmem_shared>> -> memref<128x16xf32, #tpu.memory_space<vmem_shared>>
      %dma_start3A_158 = arith.constant 0 : i32
      %dma_start3A_159 = tpu.memref_slice %arg9[%add3A_120, %dma_start3A_158] : memref<10240x16xf32, #tpu.memory_space<vmem_shared>> -> memref<128x16xf32, #tpu.memory_space<vmem_shared>>
      tpu.enqueue_dma source(%arg8 : memref<128x16xf32, #tpu.memory_space<vmem>>) target(%dma_start3A_159 : memref<128x16xf32, #tpu.memory_space<vmem_shared>>) target_semaphore(%run_scoped3A : memref<!tpu.dma_semaphore, #tpu.memory_space<semaphore_mem>>)
      %dma_wait3A = arith.constant 0 : i32
      %dma_wait3A_160 = tpu.memref_slice %arg9[%add3A_120, %dma_wait3A] : memref<10240x16xf32, #tpu.memory_space<vmem_shared>> -> memref<128x16xf32, #tpu.memory_space<vmem_shared>>
      %dma_wait3A_161 = arith.constant 0 : i32
      %dma_wait3A_162 = tpu.memref_slice %arg9[%add3A_120, %dma_wait3A_161] : memref<10240x16xf32, #tpu.memory_space<vmem_shared>> -> memref<128x16xf32, #tpu.memory_space<vmem_shared>>
      tpu.wait_dma2 semaphore(%run_scoped3A : memref<!tpu.dma_semaphore, #tpu.memory_space<semaphore_mem>>) src(%arg8 : memref<128x16xf32, #tpu.memory_space<vmem>>) dst(%dma_wait3A_162 : memref<128x16xf32, #tpu.memory_space<vmem_shared>>)
      tpu.yield
    }) : () -> ()
    %mul3A_121 = arith.constant 640 : i32
    %mul3A_122 = arith.muli %arg1, %mul3A_121 : i32
    %add3A_123 = arith.constant 512 : i32
    %add3A_124 = arith.addi %mul3A_122, %add3A_123 : i32
    "tpu.region"() ({
      %run_scoped3A = tpu.sem_alloc : memref<!tpu.dma_semaphore, #tpu.memory_space<semaphore_mem>>
      %dma_start3A = arith.constant 0 : i32
      %dma_start3A_157 = tpu.memref_slice %arg9[%add3A_124, %dma_start3A] : memref<10240x16xf32, #tpu.memory_space<vmem_shared>> -> memref<128x16xf32, #tpu.memory_space<vmem_shared>>
      %dma_start3A_158 = arith.constant 0 : i32
      %dma_start3A_159 = tpu.memref_slice %arg9[%add3A_124, %dma_start3A_158] : memref<10240x16xf32, #tpu.memory_space<vmem_shared>> -> memref<128x16xf32, #tpu.memory_space<vmem_shared>>
      tpu.enqueue_dma source(%arg8 : memref<128x16xf32, #tpu.memory_space<vmem>>) target(%dma_start3A_159 : memref<128x16xf32, #tpu.memory_space<vmem_shared>>) target_semaphore(%run_scoped3A : memref<!tpu.dma_semaphore, #tpu.memory_space<semaphore_mem>>)
      %dma_wait3A = arith.constant 0 : i32
      %dma_wait3A_160 = tpu.memref_slice %arg9[%add3A_124, %dma_wait3A] : memref<10240x16xf32, #tpu.memory_space<vmem_shared>> -> memref<128x16xf32, #tpu.memory_space<vmem_shared>>
      %dma_wait3A_161 = arith.constant 0 : i32
      %dma_wait3A_162 = tpu.memref_slice %arg9[%add3A_124, %dma_wait3A_161] : memref<10240x16xf32, #tpu.memory_space<vmem_shared>> -> memref<128x16xf32, #tpu.memory_space<vmem_shared>>
      tpu.wait_dma2 semaphore(%run_scoped3A : memref<!tpu.dma_semaphore, #tpu.memory_space<semaphore_mem>>) src(%arg8 : memref<128x16xf32, #tpu.memory_space<vmem>>) dst(%dma_wait3A_162 : memref<128x16xf32, #tpu.memory_space<vmem_shared>>)
      tpu.yield
    }) : () -> ()
    %barrier3A = arith.constant 0 : index
    tpu.barrier barrier_id(%barrier3A)
    %mul3A_125 = arith.constant 10000 : i32
    %mul3A_126 = arith.muli %add3A, %mul3A_125 : i32
    %scan3A_127 = arith.constant 0 : i32
    %scan3A_128 = arith.constant 0 : i32
    %scan3A_129 = arith.constant 78 : i32
    %scan3A_130 = arith.addi %scan3A_128, %scan3A_129 : i32
    %scan3A_131 = arith.constant 1 : i32
    %scan3A_132 = scf.for %scan3A_157 = %scan3A_128 to %scan3A_130 step %scan3A_131 iter_args(%scan3A_158 = %scan3A_127) -> (i32)  : i32 {
      %mul3A_159 = arith.constant 128 : i32
      %mul3A_160 = arith.muli %scan3A_157, %mul3A_159 : i32
      %add3A_161 = arith.addi %mul3A_126, %mul3A_160 : i32
      "tpu.region"() ({
        %run_scoped3A = tpu.sem_alloc : memref<!tpu.dma_semaphore, #tpu.memory_space<semaphore_mem>>
        %dma_start3A = tpu.memref_slice %arg2[%add3A_161] : memref<320000xi32, #tpu.memory_space<hbm>> -> memref<128xi32, #tpu.memory_space<hbm>>
        %dma_start3A_163 = tpu.memref_slice %arg2[%add3A_161] : memref<320000xi32, #tpu.memory_space<hbm>> -> memref<128xi32, #tpu.memory_space<hbm>>
        tpu.enqueue_dma source(%dma_start3A_163 : memref<128xi32, #tpu.memory_space<hbm>>) target(%arg6 : memref<128xi32, #tpu.memory_space<vmem>>) target_semaphore(%run_scoped3A : memref<!tpu.dma_semaphore, #tpu.memory_space<semaphore_mem>>)
        %dma_wait3A = tpu.memref_slice %arg2[%add3A_161] : memref<320000xi32, #tpu.memory_space<hbm>> -> memref<128xi32, #tpu.memory_space<hbm>>
        %dma_wait3A_164 = tpu.memref_slice %arg2[%add3A_161] : memref<320000xi32, #tpu.memory_space<hbm>> -> memref<128xi32, #tpu.memory_space<hbm>>
        tpu.wait_dma2 semaphore(%run_scoped3A : memref<!tpu.dma_semaphore, #tpu.memory_space<semaphore_mem>>) src(%dma_wait3A_164 : memref<128xi32, #tpu.memory_space<hbm>>) dst(%arg6 : memref<128xi32, #tpu.memory_space<vmem>>)
        tpu.yield
      }) : () -> ()
      "tpu.region"() ({
        %run_scoped3A = tpu.sem_alloc : memref<!tpu.dma_semaphore, #tpu.memory_space<semaphore_mem>>
        %dma_start3A = arith.constant 0 : i32
        %dma_start3A_163 = arith.constant 0 : i32
        %dma_start3A_164 = tpu.memref_slice %arg9[%dma_start3A, %dma_start3A_163] : memref<10240x16xf32, #tpu.memory_space<vmem_shared>> -> memref<10240x16xf32, #tpu.memory_space<vmem_shared>>
        tpu.enqueue_indirect_dma source(%arg4 : memref<128x16xf32, #tpu.memory_space<vmem>>) target(%dma_start3A_164 : memref<10240x16xf32, #tpu.memory_space<vmem_shared>>) offsets(%arg6 : memref<128xi32, #tpu.memory_space<vmem>>) semaphore(%run_scoped3A : memref<!tpu.dma_semaphore, #tpu.memory_space<semaphore_mem>>) {add = true}
        %dma_wait3A = arith.constant 0 : i32
        %dma_wait3A_165 = arith.constant 0 : i32
        %dma_wait3A_166 = tpu.memref_slice %arg9[%dma_wait3A, %dma_wait3A_165] : memref<10240x16xf32, #tpu.memory_space<vmem_shared>> -> memref<10240x16xf32, #tpu.memory_space<vmem_shared>>
        tpu.wait_indirect_dma semaphore(%run_scoped3A : memref<!tpu.dma_semaphore, #tpu.memory_space<semaphore_mem>>) src(%arg4 : memref<128x16xf32, #tpu.memory_space<vmem>>) dst(%dma_wait3A_166 : memref<10240x16xf32, #tpu.memory_space<vmem_shared>>)
        tpu.yield
      }) : () -> ()
      %scan3A_162 = arith.constant 0 : i32
      scf.yield %scan3A_162 : i32
    }
    %scan3A_133 = arith.constant 78 : i32
    %add3A_134 = arith.constant 9984 : i32
    %add3A_135 = arith.addi %mul3A_126, %add3A_134 : i32
    "tpu.region"() ({
      %run_scoped3A = tpu.sem_alloc : memref<!tpu.dma_semaphore, #tpu.memory_space<semaphore_mem>>
      %dma_start3A = tpu.memref_slice %arg2[%add3A_135] : memref<320000xi32, #tpu.memory_space<hbm>> -> memref<16xi32, #tpu.memory_space<hbm>>
      %dma_start3A_157 = tpu.memref_slice %arg2[%add3A_135] : memref<320000xi32, #tpu.memory_space<hbm>> -> memref<16xi32, #tpu.memory_space<hbm>>
      tpu.enqueue_dma source(%dma_start3A_157 : memref<16xi32, #tpu.memory_space<hbm>>) target(%arg7 : memref<16xi32, #tpu.memory_space<vmem>>) target_semaphore(%run_scoped3A : memref<!tpu.dma_semaphore, #tpu.memory_space<semaphore_mem>>)
      %dma_wait3A = tpu.memref_slice %arg2[%add3A_135] : memref<320000xi32, #tpu.memory_space<hbm>> -> memref<16xi32, #tpu.memory_space<hbm>>
      %dma_wait3A_158 = tpu.memref_slice %arg2[%add3A_135] : memref<320000xi32, #tpu.memory_space<hbm>> -> memref<16xi32, #tpu.memory_space<hbm>>
      tpu.wait_dma2 semaphore(%run_scoped3A : memref<!tpu.dma_semaphore, #tpu.memory_space<semaphore_mem>>) src(%dma_wait3A_158 : memref<16xi32, #tpu.memory_space<hbm>>) dst(%arg7 : memref<16xi32, #tpu.memory_space<vmem>>)
      tpu.yield
    }) : () -> ()
    "tpu.region"() ({
      %run_scoped3A = tpu.sem_alloc : memref<!tpu.dma_semaphore, #tpu.memory_space<semaphore_mem>>
      %dma_start3A = arith.constant 0 : i32
      %dma_start3A_157 = arith.constant 0 : i32
      %dma_start3A_158 = tpu.memref_slice %arg9[%dma_start3A, %dma_start3A_157] : memref<10240x16xf32, #tpu.memory_space<vmem_shared>> -> memref<10240x16xf32, #tpu.memory_space<vmem_shared>>
      tpu.enqueue_indirect_dma source(%arg5 : memref<16x16xf32, #tpu.memory_space<vmem>>) target(%dma_start3A_158 : memref<10240x16xf32, #tpu.memory_space<vmem_shared>>) offsets(%arg7 : memref<16xi32, #tpu.memory_space<vmem>>) semaphore(%run_scoped3A : memref<!tpu.dma_semaphore, #tpu.memory_space<semaphore_mem>>) {add = true}
      %dma_wait3A = arith.constant 0 : i32
      %dma_wait3A_159 = arith.constant 0 : i32
      %dma_wait3A_160 = tpu.memref_slice %arg9[%dma_wait3A, %dma_wait3A_159] : memref<10240x16xf32, #tpu.memory_space<vmem_shared>> -> memref<10240x16xf32, #tpu.memory_space<vmem_shared>>
      tpu.wait_indirect_dma semaphore(%run_scoped3A : memref<!tpu.dma_semaphore, #tpu.memory_space<semaphore_mem>>) src(%arg5 : memref<16x16xf32, #tpu.memory_space<vmem>>) dst(%dma_wait3A_160 : memref<10240x16xf32, #tpu.memory_space<vmem_shared>>)
      tpu.yield
    }) : () -> ()
    %barrier3A_136 = arith.constant 0 : index
    tpu.barrier barrier_id(%barrier3A_136)
    %mul3A_137 = arith.constant 640 : i32
    %mul3A_138 = arith.muli %arg1, %mul3A_137 : i32
    %add3A_139 = arith.constant 0 : i32
    %add3A_140 = arith.addi %mul3A_138, %add3A_139 : i32
    "tpu.region"() ({
      %run_scoped3A = tpu.sem_alloc : memref<!tpu.dma_semaphore, #tpu.memory_space<semaphore_mem>>
      %dma_start3A = arith.constant 0 : i32
      %dma_start3A_157 = tpu.memref_slice %arg9[%add3A_140, %dma_start3A] : memref<10240x16xf32, #tpu.memory_space<vmem_shared>> -> memref<128x16xf32, #tpu.memory_space<vmem_shared>>
      %dma_start3A_158 = arith.constant 0 : i32
      %dma_start3A_159 = tpu.memref_slice %arg9[%add3A_140, %dma_start3A_158] : memref<10240x16xf32, #tpu.memory_space<vmem_shared>> -> memref<128x16xf32, #tpu.memory_space<vmem_shared>>
      tpu.enqueue_dma source(%dma_start3A_159 : memref<128x16xf32, #tpu.memory_space<vmem_shared>>) target(%arg8 : memref<128x16xf32, #tpu.memory_space<vmem>>) target_semaphore(%run_scoped3A : memref<!tpu.dma_semaphore, #tpu.memory_space<semaphore_mem>>)
      %dma_wait3A = arith.constant 0 : i32
      %dma_wait3A_160 = tpu.memref_slice %arg9[%add3A_140, %dma_wait3A] : memref<10240x16xf32, #tpu.memory_space<vmem_shared>> -> memref<128x16xf32, #tpu.memory_space<vmem_shared>>
      %dma_wait3A_161 = arith.constant 0 : i32
      %dma_wait3A_162 = tpu.memref_slice %arg9[%add3A_140, %dma_wait3A_161] : memref<10240x16xf32, #tpu.memory_space<vmem_shared>> -> memref<128x16xf32, #tpu.memory_space<vmem_shared>>
      tpu.wait_dma2 semaphore(%run_scoped3A : memref<!tpu.dma_semaphore, #tpu.memory_space<semaphore_mem>>) src(%dma_wait3A_162 : memref<128x16xf32, #tpu.memory_space<vmem_shared>>) dst(%arg8 : memref<128x16xf32, #tpu.memory_space<vmem>>)
      tpu.yield
    }) : () -> ()
    "tpu.region"() ({
      %run_scoped3A = tpu.sem_alloc : memref<!tpu.dma_semaphore, #tpu.memory_space<semaphore_mem>>
      %dma_start3A = arith.constant 0 : i32
      %dma_start3A_157 = tpu.memref_slice %arg3[%arg0, %add3A_140, %dma_start3A] : memref<2x10240x16xf32, #tpu.memory_space<hbm>> -> memref<1x128x16xf32, #tpu.memory_space<hbm>>
      %dma_start3A_158 = tpu.memref_squeeze %dma_start3A_157 : memref<1x128x16xf32, #tpu.memory_space<hbm>> -> memref<128x16xf32, #tpu.memory_space<hbm>>
      %dma_start3A_159 = arith.constant 0 : i32
      %dma_start3A_160 = tpu.memref_slice %arg3[%arg0, %add3A_140, %dma_start3A_159] : memref<2x10240x16xf32, #tpu.memory_space<hbm>> -> memref<1x128x16xf32, #tpu.memory_space<hbm>>
      %dma_start3A_161 = tpu.memref_squeeze %dma_start3A_160 : memref<1x128x16xf32, #tpu.memory_space<hbm>> -> memref<128x16xf32, #tpu.memory_space<hbm>>
      tpu.enqueue_dma source(%arg8 : memref<128x16xf32, #tpu.memory_space<vmem>>) target(%dma_start3A_161 : memref<128x16xf32, #tpu.memory_space<hbm>>) target_semaphore(%run_scoped3A : memref<!tpu.dma_semaphore, #tpu.memory_space<semaphore_mem>>)
      %dma_wait3A = arith.constant 0 : i32
      %dma_wait3A_162 = tpu.memref_slice %arg3[%arg0, %add3A_140, %dma_wait3A] : memref<2x10240x16xf32, #tpu.memory_space<hbm>> -> memref<1x128x16xf32, #tpu.memory_space<hbm>>
      %dma_wait3A_163 = tpu.memref_squeeze %dma_wait3A_162 : memref<1x128x16xf32, #tpu.memory_space<hbm>> -> memref<128x16xf32, #tpu.memory_space<hbm>>
      %dma_wait3A_164 = arith.constant 0 : i32
      %dma_wait3A_165 = tpu.memref_slice %arg3[%arg0, %add3A_140, %dma_wait3A_164] : memref<2x10240x16xf32, #tpu.memory_space<hbm>> -> memref<1x128x16xf32, #tpu.memory_space<hbm>>
      %dma_wait3A_166 = tpu.memref_squeeze %dma_wait3A_165 : memref<1x128x16xf32, #tpu.memory_space<hbm>> -> memref<128x16xf32, #tpu.memory_space<hbm>>
      tpu.wait_dma2 semaphore(%run_scoped3A : memref<!tpu.dma_semaphore, #tpu.memory_space<semaphore_mem>>) src(%arg8 : memref<128x16xf32, #tpu.memory_space<vmem>>) dst(%dma_wait3A_166 : memref<128x16xf32, #tpu.memory_space<hbm>>)
      tpu.yield
    }) : () -> ()
    %mul3A_141 = arith.constant 640 : i32
    %mul3A_142 = arith.muli %arg1, %mul3A_141 : i32
    %add3A_143 = arith.constant 128 : i32
    %add3A_144 = arith.addi %mul3A_142, %add3A_143 : i32
    "tpu.region"() ({
      %run_scoped3A = tpu.sem_alloc : memref<!tpu.dma_semaphore, #tpu.memory_space<semaphore_mem>>
      %dma_start3A = arith.constant 0 : i32
      %dma_start3A_157 = tpu.memref_slice %arg9[%add3A_144, %dma_start3A] : memref<10240x16xf32, #tpu.memory_space<vmem_shared>> -> memref<128x16xf32, #tpu.memory_space<vmem_shared>>
      %dma_start3A_158 = arith.constant 0 : i32
      %dma_start3A_159 = tpu.memref_slice %arg9[%add3A_144, %dma_start3A_158] : memref<10240x16xf32, #tpu.memory_space<vmem_shared>> -> memref<128x16xf32, #tpu.memory_space<vmem_shared>>
      tpu.enqueue_dma source(%dma_start3A_159 : memref<128x16xf32, #tpu.memory_space<vmem_shared>>) target(%arg8 : memref<128x16xf32, #tpu.memory_space<vmem>>) target_semaphore(%run_scoped3A : memref<!tpu.dma_semaphore, #tpu.memory_space<semaphore_mem>>)
      %dma_wait3A = arith.constant 0 : i32
      %dma_wait3A_160 = tpu.memref_slice %arg9[%add3A_144, %dma_wait3A] : memref<10240x16xf32, #tpu.memory_space<vmem_shared>> -> memref<128x16xf32, #tpu.memory_space<vmem_shared>>
      %dma_wait3A_161 = arith.constant 0 : i32
      %dma_wait3A_162 = tpu.memref_slice %arg9[%add3A_144, %dma_wait3A_161] : memref<10240x16xf32, #tpu.memory_space<vmem_shared>> -> memref<128x16xf32, #tpu.memory_space<vmem_shared>>
      tpu.wait_dma2 semaphore(%run_scoped3A : memref<!tpu.dma_semaphore, #tpu.memory_space<semaphore_mem>>) src(%dma_wait3A_162 : memref<128x16xf32, #tpu.memory_space<vmem_shared>>) dst(%arg8 : memref<128x16xf32, #tpu.memory_space<vmem>>)
      tpu.yield
    }) : () -> ()
    "tpu.region"() ({
      %run_scoped3A = tpu.sem_alloc : memref<!tpu.dma_semaphore, #tpu.memory_space<semaphore_mem>>
      %dma_start3A = arith.constant 0 : i32
      %dma_start3A_157 = tpu.memref_slice %arg3[%arg0, %add3A_144, %dma_start3A] : memref<2x10240x16xf32, #tpu.memory_space<hbm>> -> memref<1x128x16xf32, #tpu.memory_space<hbm>>
      %dma_start3A_158 = tpu.memref_squeeze %dma_start3A_157 : memref<1x128x16xf32, #tpu.memory_space<hbm>> -> memref<128x16xf32, #tpu.memory_space<hbm>>
      %dma_start3A_159 = arith.constant 0 : i32
      %dma_start3A_160 = tpu.memref_slice %arg3[%arg0, %add3A_144, %dma_start3A_159] : memref<2x10240x16xf32, #tpu.memory_space<hbm>> -> memref<1x128x16xf32, #tpu.memory_space<hbm>>
      %dma_start3A_161 = tpu.memref_squeeze %dma_start3A_160 : memref<1x128x16xf32, #tpu.memory_space<hbm>> -> memref<128x16xf32, #tpu.memory_space<hbm>>
      tpu.enqueue_dma source(%arg8 : memref<128x16xf32, #tpu.memory_space<vmem>>) target(%dma_start3A_161 : memref<128x16xf32, #tpu.memory_space<hbm>>) target_semaphore(%run_scoped3A : memref<!tpu.dma_semaphore, #tpu.memory_space<semaphore_mem>>)
      %dma_wait3A = arith.constant 0 : i32
      %dma_wait3A_162 = tpu.memref_slice %arg3[%arg0, %add3A_144, %dma_wait3A] : memref<2x10240x16xf32, #tpu.memory_space<hbm>> -> memref<1x128x16xf32, #tpu.memory_space<hbm>>
      %dma_wait3A_163 = tpu.memref_squeeze %dma_wait3A_162 : memref<1x128x16xf32, #tpu.memory_space<hbm>> -> memref<128x16xf32, #tpu.memory_space<hbm>>
      %dma_wait3A_164 = arith.constant 0 : i32
      %dma_wait3A_165 = tpu.memref_slice %arg3[%arg0, %add3A_144, %dma_wait3A_164] : memref<2x10240x16xf32, #tpu.memory_space<hbm>> -> memref<1x128x16xf32, #tpu.memory_space<hbm>>
      %dma_wait3A_166 = tpu.memref_squeeze %dma_wait3A_165 : memref<1x128x16xf32, #tpu.memory_space<hbm>> -> memref<128x16xf32, #tpu.memory_space<hbm>>
      tpu.wait_dma2 semaphore(%run_scoped3A : memref<!tpu.dma_semaphore, #tpu.memory_space<semaphore_mem>>) src(%arg8 : memref<128x16xf32, #tpu.memory_space<vmem>>) dst(%dma_wait3A_166 : memref<128x16xf32, #tpu.memory_space<hbm>>)
      tpu.yield
    }) : () -> ()
    %mul3A_145 = arith.constant 640 : i32
    %mul3A_146 = arith.muli %arg1, %mul3A_145 : i32
    %add3A_147 = arith.constant 256 : i32
    %add3A_148 = arith.addi %mul3A_146, %add3A_147 : i32
    "tpu.region"() ({
      %run_scoped3A = tpu.sem_alloc : memref<!tpu.dma_semaphore, #tpu.memory_space<semaphore_mem>>
      %dma_start3A = arith.constant 0 : i32
      %dma_start3A_157 = tpu.memref_slice %arg9[%add3A_148, %dma_start3A] : memref<10240x16xf32, #tpu.memory_space<vmem_shared>> -> memref<128x16xf32, #tpu.memory_space<vmem_shared>>
      %dma_start3A_158 = arith.constant 0 : i32
      %dma_start3A_159 = tpu.memref_slice %arg9[%add3A_148, %dma_start3A_158] : memref<10240x16xf32, #tpu.memory_space<vmem_shared>> -> memref<128x16xf32, #tpu.memory_space<vmem_shared>>
      tpu.enqueue_dma source(%dma_start3A_159 : memref<128x16xf32, #tpu.memory_space<vmem_shared>>) target(%arg8 : memref<128x16xf32, #tpu.memory_space<vmem>>) target_semaphore(%run_scoped3A : memref<!tpu.dma_semaphore, #tpu.memory_space<semaphore_mem>>)
      %dma_wait3A = arith.constant 0 : i32
      %dma_wait3A_160 = tpu.memref_slice %arg9[%add3A_148, %dma_wait3A] : memref<10240x16xf32, #tpu.memory_space<vmem_shared>> -> memref<128x16xf32, #tpu.memory_space<vmem_shared>>
      %dma_wait3A_161 = arith.constant 0 : i32
      %dma_wait3A_162 = tpu.memref_slice %arg9[%add3A_148, %dma_wait3A_161] : memref<10240x16xf32, #tpu.memory_space<vmem_shared>> -> memref<128x16xf32, #tpu.memory_space<vmem_shared>>
      tpu.wait_dma2 semaphore(%run_scoped3A : memref<!tpu.dma_semaphore, #tpu.memory_space<semaphore_mem>>) src(%dma_wait3A_162 : memref<128x16xf32, #tpu.memory_space<vmem_shared>>) dst(%arg8 : memref<128x16xf32, #tpu.memory_space<vmem>>)
      tpu.yield
    }) : () -> ()
    "tpu.region"() ({
      %run_scoped3A = tpu.sem_alloc : memref<!tpu.dma_semaphore, #tpu.memory_space<semaphore_mem>>
      %dma_start3A = arith.constant 0 : i32
      %dma_start3A_157 = tpu.memref_slice %arg3[%arg0, %add3A_148, %dma_start3A] : memref<2x10240x16xf32, #tpu.memory_space<hbm>> -> memref<1x128x16xf32, #tpu.memory_space<hbm>>
      %dma_start3A_158 = tpu.memref_squeeze %dma_start3A_157 : memref<1x128x16xf32, #tpu.memory_space<hbm>> -> memref<128x16xf32, #tpu.memory_space<hbm>>
      %dma_start3A_159 = arith.constant 0 : i32
      %dma_start3A_160 = tpu.memref_slice %arg3[%arg0, %add3A_148, %dma_start3A_159] : memref<2x10240x16xf32, #tpu.memory_space<hbm>> -> memref<1x128x16xf32, #tpu.memory_space<hbm>>
      %dma_start3A_161 = tpu.memref_squeeze %dma_start3A_160 : memref<1x128x16xf32, #tpu.memory_space<hbm>> -> memref<128x16xf32, #tpu.memory_space<hbm>>
      tpu.enqueue_dma source(%arg8 : memref<128x16xf32, #tpu.memory_space<vmem>>) target(%dma_start3A_161 : memref<128x16xf32, #tpu.memory_space<hbm>>) target_semaphore(%run_scoped3A : memref<!tpu.dma_semaphore, #tpu.memory_space<semaphore_mem>>)
      %dma_wait3A = arith.constant 0 : i32
      %dma_wait3A_162 = tpu.memref_slice %arg3[%arg0, %add3A_148, %dma_wait3A] : memref<2x10240x16xf32, #tpu.memory_space<hbm>> -> memref<1x128x16xf32, #tpu.memory_space<hbm>>
      %dma_wait3A_163 = tpu.memref_squeeze %dma_wait3A_162 : memref<1x128x16xf32, #tpu.memory_space<hbm>> -> memref<128x16xf32, #tpu.memory_space<hbm>>
      %dma_wait3A_164 = arith.constant 0 : i32
      %dma_wait3A_165 = tpu.memref_slice %arg3[%arg0, %add3A_148, %dma_wait3A_164] : memref<2x10240x16xf32, #tpu.memory_space<hbm>> -> memref<1x128x16xf32, #tpu.memory_space<hbm>>
      %dma_wait3A_166 = tpu.memref_squeeze %dma_wait3A_165 : memref<1x128x16xf32, #tpu.memory_space<hbm>> -> memref<128x16xf32, #tpu.memory_space<hbm>>
      tpu.wait_dma2 semaphore(%run_scoped3A : memref<!tpu.dma_semaphore, #tpu.memory_space<semaphore_mem>>) src(%arg8 : memref<128x16xf32, #tpu.memory_space<vmem>>) dst(%dma_wait3A_166 : memref<128x16xf32, #tpu.memory_space<hbm>>)
      tpu.yield
    }) : () -> ()
    %mul3A_149 = arith.constant 640 : i32
    %mul3A_150 = arith.muli %arg1, %mul3A_149 : i32
    %add3A_151 = arith.constant 384 : i32
    %add3A_152 = arith.addi %mul3A_150, %add3A_151 : i32
    "tpu.region"() ({
      %run_scoped3A = tpu.sem_alloc : memref<!tpu.dma_semaphore, #tpu.memory_space<semaphore_mem>>
      %dma_start3A = arith.constant 0 : i32
      %dma_start3A_157 = tpu.memref_slice %arg9[%add3A_152, %dma_start3A] : memref<10240x16xf32, #tpu.memory_space<vmem_shared>> -> memref<128x16xf32, #tpu.memory_space<vmem_shared>>
      %dma_start3A_158 = arith.constant 0 : i32
      %dma_start3A_159 = tpu.memref_slice %arg9[%add3A_152, %dma_start3A_158] : memref<10240x16xf32, #tpu.memory_space<vmem_shared>> -> memref<128x16xf32, #tpu.memory_space<vmem_shared>>
      tpu.enqueue_dma source(%dma_start3A_159 : memref<128x16xf32, #tpu.memory_space<vmem_shared>>) target(%arg8 : memref<128x16xf32, #tpu.memory_space<vmem>>) target_semaphore(%run_scoped3A : memref<!tpu.dma_semaphore, #tpu.memory_space<semaphore_mem>>)
      %dma_wait3A = arith.constant 0 : i32
      %dma_wait3A_160 = tpu.memref_slice %arg9[%add3A_152, %dma_wait3A] : memref<10240x16xf32, #tpu.memory_space<vmem_shared>> -> memref<128x16xf32, #tpu.memory_space<vmem_shared>>
      %dma_wait3A_161 = arith.constant 0 : i32
      %dma_wait3A_162 = tpu.memref_slice %arg9[%add3A_152, %dma_wait3A_161] : memref<10240x16xf32, #tpu.memory_space<vmem_shared>> -> memref<128x16xf32, #tpu.memory_space<vmem_shared>>
      tpu.wait_dma2 semaphore(%run_scoped3A : memref<!tpu.dma_semaphore, #tpu.memory_space<semaphore_mem>>) src(%dma_wait3A_162 : memref<128x16xf32, #tpu.memory_space<vmem_shared>>) dst(%arg8 : memref<128x16xf32, #tpu.memory_space<vmem>>)
      tpu.yield
    }) : () -> ()
    "tpu.region"() ({
      %run_scoped3A = tpu.sem_alloc : memref<!tpu.dma_semaphore, #tpu.memory_space<semaphore_mem>>
      %dma_start3A = arith.constant 0 : i32
      %dma_start3A_157 = tpu.memref_slice %arg3[%arg0, %add3A_152, %dma_start3A] : memref<2x10240x16xf32, #tpu.memory_space<hbm>> -> memref<1x128x16xf32, #tpu.memory_space<hbm>>
      %dma_start3A_158 = tpu.memref_squeeze %dma_start3A_157 : memref<1x128x16xf32, #tpu.memory_space<hbm>> -> memref<128x16xf32, #tpu.memory_space<hbm>>
      %dma_start3A_159 = arith.constant 0 : i32
      %dma_start3A_160 = tpu.memref_slice %arg3[%arg0, %add3A_152, %dma_start3A_159] : memref<2x10240x16xf32, #tpu.memory_space<hbm>> -> memref<1x128x16xf32, #tpu.memory_space<hbm>>
      %dma_start3A_161 = tpu.memref_squeeze %dma_start3A_160 : memref<1x128x16xf32, #tpu.memory_space<hbm>> -> memref<128x16xf32, #tpu.memory_space<hbm>>
      tpu.enqueue_dma source(%arg8 : memref<128x16xf32, #tpu.memory_space<vmem>>) target(%dma_start3A_161 : memref<128x16xf32, #tpu.memory_space<hbm>>) target_semaphore(%run_scoped3A : memref<!tpu.dma_semaphore, #tpu.memory_space<semaphore_mem>>)
      %dma_wait3A = arith.constant 0 : i32
      %dma_wait3A_162 = tpu.memref_slice %arg3[%arg0, %add3A_152, %dma_wait3A] : memref<2x10240x16xf32, #tpu.memory_space<hbm>> -> memref<1x128x16xf32, #tpu.memory_space<hbm>>
      %dma_wait3A_163 = tpu.memref_squeeze %dma_wait3A_162 : memref<1x128x16xf32, #tpu.memory_space<hbm>> -> memref<128x16xf32, #tpu.memory_space<hbm>>
      %dma_wait3A_164 = arith.constant 0 : i32
      %dma_wait3A_165 = tpu.memref_slice %arg3[%arg0, %add3A_152, %dma_wait3A_164] : memref<2x10240x16xf32, #tpu.memory_space<hbm>> -> memref<1x128x16xf32, #tpu.memory_space<hbm>>
      %dma_wait3A_166 = tpu.memref_squeeze %dma_wait3A_165 : memref<1x128x16xf32, #tpu.memory_space<hbm>> -> memref<128x16xf32, #tpu.memory_space<hbm>>
      tpu.wait_dma2 semaphore(%run_scoped3A : memref<!tpu.dma_semaphore, #tpu.memory_space<semaphore_mem>>) src(%arg8 : memref<128x16xf32, #tpu.memory_space<vmem>>) dst(%dma_wait3A_166 : memref<128x16xf32, #tpu.memory_space<hbm>>)
      tpu.yield
    }) : () -> ()
    %mul3A_153 = arith.constant 640 : i32
    %mul3A_154 = arith.muli %arg1, %mul3A_153 : i32
    %add3A_155 = arith.constant 512 : i32
    %add3A_156 = arith.addi %mul3A_154, %add3A_155 : i32
    "tpu.region"() ({
      %run_scoped3A = tpu.sem_alloc : memref<!tpu.dma_semaphore, #tpu.memory_space<semaphore_mem>>
      %dma_start3A = arith.constant 0 : i32
      %dma_start3A_157 = tpu.memref_slice %arg9[%add3A_156, %dma_start3A] : memref<10240x16xf32, #tpu.memory_space<vmem_shared>> -> memref<128x16xf32, #tpu.memory_space<vmem_shared>>
      %dma_start3A_158 = arith.constant 0 : i32
      %dma_start3A_159 = tpu.memref_slice %arg9[%add3A_156, %dma_start3A_158] : memref<10240x16xf32, #tpu.memory_space<vmem_shared>> -> memref<128x16xf32, #tpu.memory_space<vmem_shared>>
      tpu.enqueue_dma source(%dma_start3A_159 : memref<128x16xf32, #tpu.memory_space<vmem_shared>>) target(%arg8 : memref<128x16xf32, #tpu.memory_space<vmem>>) target_semaphore(%run_scoped3A : memref<!tpu.dma_semaphore, #tpu.memory_space<semaphore_mem>>)
      %dma_wait3A = arith.constant 0 : i32
      %dma_wait3A_160 = tpu.memref_slice %arg9[%add3A_156, %dma_wait3A] : memref<10240x16xf32, #tpu.memory_space<vmem_shared>> -> memref<128x16xf32, #tpu.memory_space<vmem_shared>>
      %dma_wait3A_161 = arith.constant 0 : i32
      %dma_wait3A_162 = tpu.memref_slice %arg9[%add3A_156, %dma_wait3A_161] : memref<10240x16xf32, #tpu.memory_space<vmem_shared>> -> memref<128x16xf32, #tpu.memory_space<vmem_shared>>
      tpu.wait_dma2 semaphore(%run_scoped3A : memref<!tpu.dma_semaphore, #tpu.memory_space<semaphore_mem>>) src(%dma_wait3A_162 : memref<128x16xf32, #tpu.memory_space<vmem_shared>>) dst(%arg8 : memref<128x16xf32, #tpu.memory_space<vmem>>)
      tpu.yield
    }) : () -> ()
    "tpu.region"() ({
      %run_scoped3A = tpu.sem_alloc : memref<!tpu.dma_semaphore, #tpu.memory_space<semaphore_mem>>
      %dma_start3A = arith.constant 0 : i32
      %dma_start3A_157 = tpu.memref_slice %arg3[%arg0, %add3A_156, %dma_start3A] : memref<2x10240x16xf32, #tpu.memory_space<hbm>> -> memref<1x128x16xf32, #tpu.memory_space<hbm>>
      %dma_start3A_158 = tpu.memref_squeeze %dma_start3A_157 : memref<1x128x16xf32, #tpu.memory_space<hbm>> -> memref<128x16xf32, #tpu.memory_space<hbm>>
      %dma_start3A_159 = arith.constant 0 : i32
      %dma_start3A_160 = tpu.memref_slice %arg3[%arg0, %add3A_156, %dma_start3A_159] : memref<2x10240x16xf32, #tpu.memory_space<hbm>> -> memref<1x128x16xf32, #tpu.memory_space<hbm>>
      %dma_start3A_161 = tpu.memref_squeeze %dma_start3A_160 : memref<1x128x16xf32, #tpu.memory_space<hbm>> -> memref<128x16xf32, #tpu.memory_space<hbm>>
      tpu.enqueue_dma source(%arg8 : memref<128x16xf32, #tpu.memory_space<vmem>>) target(%dma_start3A_161 : memref<128x16xf32, #tpu.memory_space<hbm>>) target_semaphore(%run_scoped3A : memref<!tpu.dma_semaphore, #tpu.memory_space<semaphore_mem>>)
      %dma_wait3A = arith.constant 0 : i32
      %dma_wait3A_162 = tpu.memref_slice %arg3[%arg0, %add3A_156, %dma_wait3A] : memref<2x10240x16xf32, #tpu.memory_space<hbm>> -> memref<1x128x16xf32, #tpu.memory_space<hbm>>
      %dma_wait3A_163 = tpu.memref_squeeze %dma_wait3A_162 : memref<1x128x16xf32, #tpu.memory_space<hbm>> -> memref<128x16xf32, #tpu.memory_space<hbm>>
      %dma_wait3A_164 = arith.constant 0 : i32
      %dma_wait3A_165 = tpu.memref_slice %arg3[%arg0, %add3A_156, %dma_wait3A_164] : memref<2x10240x16xf32, #tpu.memory_space<hbm>> -> memref<1x128x16xf32, #tpu.memory_space<hbm>>
      %dma_wait3A_166 = tpu.memref_squeeze %dma_wait3A_165 : memref<1x128x16xf32, #tpu.memory_space<hbm>> -> memref<128x16xf32, #tpu.memory_space<hbm>>
      tpu.wait_dma2 semaphore(%run_scoped3A : memref<!tpu.dma_semaphore, #tpu.memory_space<semaphore_mem>>) src(%arg8 : memref<128x16xf32, #tpu.memory_space<vmem>>) dst(%dma_wait3A_166 : memref<128x16xf32, #tpu.memory_space<hbm>>)
      tpu.yield
    }) : () -> ()
    return
  }
}

#map = affine_map<(d0, d1) -> (0, 0)>
#map1 = affine_map<(d0, d1) -> (0)>
#map2 = affine_map<(d0, d1) -> (0, 0, 0)>
module attributes {stable_mosaic.version = 14 : i64} {
  func.func @_agg_body(%arg0: i32, %arg1: i32, %arg2: memref<10000x128xf32, #tpu.memory_space<hbm>>, %arg3: memref<320000xi32, #tpu.memory_space<hbm>>, %arg4: memref<320000xi32, #tpu.memory_space<hbm>>, %arg5: memref<2x10240x128xf32, #tpu.memory_space<hbm>>, %arg6: memref<128xi32, #tpu.memory_space<vmem>>, %arg7: memref<128xi32, #tpu.memory_space<vmem>>, %arg8: memref<16xi32, #tpu.memory_space<vmem>>, %arg9: memref<16xi32, #tpu.memory_space<vmem>>, %arg10: memref<128x128xf32, #tpu.memory_space<vmem>>, %arg11: memref<16x128xf32, #tpu.memory_space<vmem>>, %arg12: memref<10240x128xf32, #tpu.memory_space<vmem_shared>>, %arg13: memref<!tpu.dma_semaphore, #tpu.memory_space<semaphore_mem>>) attributes {dimension_semantics = [#tpu.dimension_semantics<core_parallel>, #tpu.dimension_semantics<subcore_parallel>], iteration_bounds = array<i64: 2, 16>, scalar_prefetch = 0 : i64, scratch_operands = 8 : i64, tpu.core_type = #tpu.core_type<sc_vector_subcore>, window_params = [{transform_indices = #map}, {transform_indices = #map1}, {transform_indices = #map1}, {transform_indices = #map2}]} {
    %mul3A = arith.constant 2 : i32
    %mul3A_0 = arith.muli %arg1, %mul3A : i32
    %add3A = arith.addi %mul3A_0, %arg0 : i32
    %broadcast_in_dim3A = arith.constant 0.000000e+00 : f32
    %broadcast_in_dim3A_1 = vector.broadcast %broadcast_in_dim3A : f32 to vector<16xf32>
    %scan3A = arith.constant 0 : i32
    %scan3A_2 = arith.constant 0 : i32
    %scan3A_3 = arith.constant 128 : i32
    %scan3A_4 = arith.addi %scan3A_2, %scan3A_3 : i32
    %scan3A_5 = arith.constant 1 : i32
    %scan3A_6 = scf.for %scan3A_64 = %scan3A_2 to %scan3A_4 step %scan3A_5 iter_args(%scan3A_65 = %scan3A) -> (i32)  : i32 {
      %swap3A = arith.index_cast %scan3A_64 : i32 to index
      %swap3A_66 = arith.constant 0 : index
      %swap3A_67 = tpu.vector_load %arg10[%swap3A, %swap3A_66] {strides = array<i32>} : memref<128x128xf32, #tpu.memory_space<vmem>>, vector<1x16xf32>,
      %swap3A_68 = vector.shape_cast %swap3A_67 : vector<1x16xf32> to vector<16xf32>
      %swap3A_69 = vector.shape_cast %broadcast_in_dim3A_1 : vector<16xf32> to vector<1x16xf32>
      tpu.vector_store %arg10[%swap3A, %swap3A_66], %swap3A_69 {strides = array<i32>} : memref<128x128xf32, #tpu.memory_space<vmem>>, vector<1x16xf32>,
      %swap3A_70 = arith.index_cast %scan3A_64 : i32 to index
      %swap3A_71 = arith.constant 16 : index
      %swap3A_72 = tpu.vector_load %arg10[%swap3A_70, %swap3A_71] {strides = array<i32>} : memref<128x128xf32, #tpu.memory_space<vmem>>, vector<1x16xf32>,
      %swap3A_73 = vector.shape_cast %swap3A_72 : vector<1x16xf32> to vector<16xf32>
      %swap3A_74 = vector.shape_cast %broadcast_in_dim3A_1 : vector<16xf32> to vector<1x16xf32>
      tpu.vector_store %arg10[%swap3A_70, %swap3A_71], %swap3A_74 {strides = array<i32>} : memref<128x128xf32, #tpu.memory_space<vmem>>, vector<1x16xf32>,
      %swap3A_75 = arith.index_cast %scan3A_64 : i32 to index
      %swap3A_76 = arith.constant 32 : index
      %swap3A_77 = tpu.vector_load %arg10[%swap3A_75, %swap3A_76] {strides = array<i32>} : memref<128x128xf32, #tpu.memory_space<vmem>>, vector<1x16xf32>,
      %swap3A_78 = vector.shape_cast %swap3A_77 : vector<1x16xf32> to vector<16xf32>
      %swap3A_79 = vector.shape_cast %broadcast_in_dim3A_1 : vector<16xf32> to vector<1x16xf32>
      tpu.vector_store %arg10[%swap3A_75, %swap3A_76], %swap3A_79 {strides = array<i32>} : memref<128x128xf32, #tpu.memory_space<vmem>>, vector<1x16xf32>,
      %swap3A_80 = arith.index_cast %scan3A_64 : i32 to index
      %swap3A_81 = arith.constant 48 : index
      %swap3A_82 = tpu.vector_load %arg10[%swap3A_80, %swap3A_81] {strides = array<i32>} : memref<128x128xf32, #tpu.memory_space<vmem>>, vector<1x16xf32>,
      %swap3A_83 = vector.shape_cast %swap3A_82 : vector<1x16xf32> to vector<16xf32>
      %swap3A_84 = vector.shape_cast %broadcast_in_dim3A_1 : vector<16xf32> to vector<1x16xf32>
      tpu.vector_store %arg10[%swap3A_80, %swap3A_81], %swap3A_84 {strides = array<i32>} : memref<128x128xf32, #tpu.memory_space<vmem>>, vector<1x16xf32>,
      %swap3A_85 = arith.index_cast %scan3A_64 : i32 to index
      %swap3A_86 = arith.constant 64 : index
      %swap3A_87 = tpu.vector_load %arg10[%swap3A_85, %swap3A_86] {strides = array<i32>} : memref<128x128xf32, #tpu.memory_space<vmem>>, vector<1x16xf32>,
      %swap3A_88 = vector.shape_cast %swap3A_87 : vector<1x16xf32> to vector<16xf32>
      %swap3A_89 = vector.shape_cast %broadcast_in_dim3A_1 : vector<16xf32> to vector<1x16xf32>
      tpu.vector_store %arg10[%swap3A_85, %swap3A_86], %swap3A_89 {strides = array<i32>} : memref<128x128xf32, #tpu.memory_space<vmem>>, vector<1x16xf32>,
      %swap3A_90 = arith.index_cast %scan3A_64 : i32 to index
      %swap3A_91 = arith.constant 80 : index
      %swap3A_92 = tpu.vector_load %arg10[%swap3A_90, %swap3A_91] {strides = array<i32>} : memref<128x128xf32, #tpu.memory_space<vmem>>, vector<1x16xf32>,
      %swap3A_93 = vector.shape_cast %swap3A_92 : vector<1x16xf32> to vector<16xf32>
      %swap3A_94 = vector.shape_cast %broadcast_in_dim3A_1 : vector<16xf32> to vector<1x16xf32>
      tpu.vector_store %arg10[%swap3A_90, %swap3A_91], %swap3A_94 {strides = array<i32>} : memref<128x128xf32, #tpu.memory_space<vmem>>, vector<1x16xf32>,
      %swap3A_95 = arith.index_cast %scan3A_64 : i32 to index
      %swap3A_96 = arith.constant 96 : index
      %swap3A_97 = tpu.vector_load %arg10[%swap3A_95, %swap3A_96] {strides = array<i32>} : memref<128x128xf32, #tpu.memory_space<vmem>>, vector<1x16xf32>,
      %swap3A_98 = vector.shape_cast %swap3A_97 : vector<1x16xf32> to vector<16xf32>
      %swap3A_99 = vector.shape_cast %broadcast_in_dim3A_1 : vector<16xf32> to vector<1x16xf32>
      tpu.vector_store %arg10[%swap3A_95, %swap3A_96], %swap3A_99 {strides = array<i32>} : memref<128x128xf32, #tpu.memory_space<vmem>>, vector<1x16xf32>,
      %swap3A_100 = arith.index_cast %scan3A_64 : i32 to index
      %swap3A_101 = arith.constant 112 : index
      %swap3A_102 = tpu.vector_load %arg10[%swap3A_100, %swap3A_101] {strides = array<i32>} : memref<128x128xf32, #tpu.memory_space<vmem>>, vector<1x16xf32>,
      %swap3A_103 = vector.shape_cast %swap3A_102 : vector<1x16xf32> to vector<16xf32>
      %swap3A_104 = vector.shape_cast %broadcast_in_dim3A_1 : vector<16xf32> to vector<1x16xf32>
      tpu.vector_store %arg10[%swap3A_100, %swap3A_101], %swap3A_104 {strides = array<i32>} : memref<128x128xf32, #tpu.memory_space<vmem>>, vector<1x16xf32>,
      %scan3A_105 = arith.constant 0 : i32
      scf.yield %scan3A_105 : i32
    }
    %scan3A_7 = arith.constant 128 : i32
    %mul3A_8 = arith.constant 640 : i32
    %mul3A_9 = arith.muli %arg1, %mul3A_8 : i32
    %add3A_10 = arith.constant 0 : i32
    %add3A_11 = arith.addi %mul3A_9, %add3A_10 : i32
    "tpu.region"() ({
      %run_scoped3A = tpu.sem_alloc : memref<!tpu.dma_semaphore, #tpu.memory_space<semaphore_mem>>
      %dma_start3A_64 = arith.constant 0 : i32
      %dma_start3A_65 = tpu.memref_slice %arg12[%add3A_11, %dma_start3A_64] : memref<10240x128xf32, #tpu.memory_space<vmem_shared>> -> memref<128x128xf32, #tpu.memory_space<vmem_shared>>
      %dma_start3A_66 = arith.constant 0 : i32
      %dma_start3A_67 = tpu.memref_slice %arg12[%add3A_11, %dma_start3A_66] : memref<10240x128xf32, #tpu.memory_space<vmem_shared>> -> memref<128x128xf32, #tpu.memory_space<vmem_shared>>
      tpu.enqueue_dma source(%arg10 : memref<128x128xf32, #tpu.memory_space<vmem>>) target(%dma_start3A_67 : memref<128x128xf32, #tpu.memory_space<vmem_shared>>) target_semaphore(%run_scoped3A : memref<!tpu.dma_semaphore, #tpu.memory_space<semaphore_mem>>)
      %dma_wait3A_68 = arith.constant 0 : i32
      %dma_wait3A_69 = tpu.memref_slice %arg12[%add3A_11, %dma_wait3A_68] : memref<10240x128xf32, #tpu.memory_space<vmem_shared>> -> memref<128x128xf32, #tpu.memory_space<vmem_shared>>
      %dma_wait3A_70 = arith.constant 0 : i32
      %dma_wait3A_71 = tpu.memref_slice %arg12[%add3A_11, %dma_wait3A_70] : memref<10240x128xf32, #tpu.memory_space<vmem_shared>> -> memref<128x128xf32, #tpu.memory_space<vmem_shared>>
      tpu.wait_dma2 semaphore(%run_scoped3A : memref<!tpu.dma_semaphore, #tpu.memory_space<semaphore_mem>>) src(%arg10 : memref<128x128xf32, #tpu.memory_space<vmem>>) dst(%dma_wait3A_71 : memref<128x128xf32, #tpu.memory_space<vmem_shared>>)
      tpu.yield
    }) : () -> ()
    %mul3A_12 = arith.constant 640 : i32
    %mul3A_13 = arith.muli %arg1, %mul3A_12 : i32
    %add3A_14 = arith.constant 128 : i32
    %add3A_15 = arith.addi %mul3A_13, %add3A_14 : i32
    "tpu.region"() ({
      %run_scoped3A = tpu.sem_alloc : memref<!tpu.dma_semaphore, #tpu.memory_space<semaphore_mem>>
      %dma_start3A_64 = arith.constant 0 : i32
      %dma_start3A_65 = tpu.memref_slice %arg12[%add3A_15, %dma_start3A_64] : memref<10240x128xf32, #tpu.memory_space<vmem_shared>> -> memref<128x128xf32, #tpu.memory_space<vmem_shared>>
      %dma_start3A_66 = arith.constant 0 : i32
      %dma_start3A_67 = tpu.memref_slice %arg12[%add3A_15, %dma_start3A_66] : memref<10240x128xf32, #tpu.memory_space<vmem_shared>> -> memref<128x128xf32, #tpu.memory_space<vmem_shared>>
      tpu.enqueue_dma source(%arg10 : memref<128x128xf32, #tpu.memory_space<vmem>>) target(%dma_start3A_67 : memref<128x128xf32, #tpu.memory_space<vmem_shared>>) target_semaphore(%run_scoped3A : memref<!tpu.dma_semaphore, #tpu.memory_space<semaphore_mem>>)
      %dma_wait3A_68 = arith.constant 0 : i32
      %dma_wait3A_69 = tpu.memref_slice %arg12[%add3A_15, %dma_wait3A_68] : memref<10240x128xf32, #tpu.memory_space<vmem_shared>> -> memref<128x128xf32, #tpu.memory_space<vmem_shared>>
      %dma_wait3A_70 = arith.constant 0 : i32
      %dma_wait3A_71 = tpu.memref_slice %arg12[%add3A_15, %dma_wait3A_70] : memref<10240x128xf32, #tpu.memory_space<vmem_shared>> -> memref<128x128xf32, #tpu.memory_space<vmem_shared>>
      tpu.wait_dma2 semaphore(%run_scoped3A : memref<!tpu.dma_semaphore, #tpu.memory_space<semaphore_mem>>) src(%arg10 : memref<128x128xf32, #tpu.memory_space<vmem>>) dst(%dma_wait3A_71 : memref<128x128xf32, #tpu.memory_space<vmem_shared>>)
      tpu.yield
    }) : () -> ()
    %mul3A_16 = arith.constant 640 : i32
    %mul3A_17 = arith.muli %arg1, %mul3A_16 : i32
    %add3A_18 = arith.constant 256 : i32
    %add3A_19 = arith.addi %mul3A_17, %add3A_18 : i32
    "tpu.region"() ({
      %run_scoped3A = tpu.sem_alloc : memref<!tpu.dma_semaphore, #tpu.memory_space<semaphore_mem>>
      %dma_start3A_64 = arith.constant 0 : i32
      %dma_start3A_65 = tpu.memref_slice %arg12[%add3A_19, %dma_start3A_64] : memref<10240x128xf32, #tpu.memory_space<vmem_shared>> -> memref<128x128xf32, #tpu.memory_space<vmem_shared>>
      %dma_start3A_66 = arith.constant 0 : i32
      %dma_start3A_67 = tpu.memref_slice %arg12[%add3A_19, %dma_start3A_66] : memref<10240x128xf32, #tpu.memory_space<vmem_shared>> -> memref<128x128xf32, #tpu.memory_space<vmem_shared>>
      tpu.enqueue_dma source(%arg10 : memref<128x128xf32, #tpu.memory_space<vmem>>) target(%dma_start3A_67 : memref<128x128xf32, #tpu.memory_space<vmem_shared>>) target_semaphore(%run_scoped3A : memref<!tpu.dma_semaphore, #tpu.memory_space<semaphore_mem>>)
      %dma_wait3A_68 = arith.constant 0 : i32
      %dma_wait3A_69 = tpu.memref_slice %arg12[%add3A_19, %dma_wait3A_68] : memref<10240x128xf32, #tpu.memory_space<vmem_shared>> -> memref<128x128xf32, #tpu.memory_space<vmem_shared>>
      %dma_wait3A_70 = arith.constant 0 : i32
      %dma_wait3A_71 = tpu.memref_slice %arg12[%add3A_19, %dma_wait3A_70] : memref<10240x128xf32, #tpu.memory_space<vmem_shared>> -> memref<128x128xf32, #tpu.memory_space<vmem_shared>>
      tpu.wait_dma2 semaphore(%run_scoped3A : memref<!tpu.dma_semaphore, #tpu.memory_space<semaphore_mem>>) src(%arg10 : memref<128x128xf32, #tpu.memory_space<vmem>>) dst(%dma_wait3A_71 : memref<128x128xf32, #tpu.memory_space<vmem_shared>>)
      tpu.yield
    }) : () -> ()
    %mul3A_20 = arith.constant 640 : i32
    %mul3A_21 = arith.muli %arg1, %mul3A_20 : i32
    %add3A_22 = arith.constant 384 : i32
    %add3A_23 = arith.addi %mul3A_21, %add3A_22 : i32
    "tpu.region"() ({
      %run_scoped3A = tpu.sem_alloc : memref<!tpu.dma_semaphore, #tpu.memory_space<semaphore_mem>>
      %dma_start3A_64 = arith.constant 0 : i32
      %dma_start3A_65 = tpu.memref_slice %arg12[%add3A_23, %dma_start3A_64] : memref<10240x128xf32, #tpu.memory_space<vmem_shared>> -> memref<128x128xf32, #tpu.memory_space<vmem_shared>>
      %dma_start3A_66 = arith.constant 0 : i32
      %dma_start3A_67 = tpu.memref_slice %arg12[%add3A_23, %dma_start3A_66] : memref<10240x128xf32, #tpu.memory_space<vmem_shared>> -> memref<128x128xf32, #tpu.memory_space<vmem_shared>>
      tpu.enqueue_dma source(%arg10 : memref<128x128xf32, #tpu.memory_space<vmem>>) target(%dma_start3A_67 : memref<128x128xf32, #tpu.memory_space<vmem_shared>>) target_semaphore(%run_scoped3A : memref<!tpu.dma_semaphore, #tpu.memory_space<semaphore_mem>>)
      %dma_wait3A_68 = arith.constant 0 : i32
      %dma_wait3A_69 = tpu.memref_slice %arg12[%add3A_23, %dma_wait3A_68] : memref<10240x128xf32, #tpu.memory_space<vmem_shared>> -> memref<128x128xf32, #tpu.memory_space<vmem_shared>>
      %dma_wait3A_70 = arith.constant 0 : i32
      %dma_wait3A_71 = tpu.memref_slice %arg12[%add3A_23, %dma_wait3A_70] : memref<10240x128xf32, #tpu.memory_space<vmem_shared>> -> memref<128x128xf32, #tpu.memory_space<vmem_shared>>
      tpu.wait_dma2 semaphore(%run_scoped3A : memref<!tpu.dma_semaphore, #tpu.memory_space<semaphore_mem>>) src(%arg10 : memref<128x128xf32, #tpu.memory_space<vmem>>) dst(%dma_wait3A_71 : memref<128x128xf32, #tpu.memory_space<vmem_shared>>)
      tpu.yield
    }) : () -> ()
    %mul3A_24 = arith.constant 640 : i32
    %mul3A_25 = arith.muli %arg1, %mul3A_24 : i32
    %add3A_26 = arith.constant 512 : i32
    %add3A_27 = arith.addi %mul3A_25, %add3A_26 : i32
    "tpu.region"() ({
      %run_scoped3A = tpu.sem_alloc : memref<!tpu.dma_semaphore, #tpu.memory_space<semaphore_mem>>
      %dma_start3A_64 = arith.constant 0 : i32
      %dma_start3A_65 = tpu.memref_slice %arg12[%add3A_27, %dma_start3A_64] : memref<10240x128xf32, #tpu.memory_space<vmem_shared>> -> memref<128x128xf32, #tpu.memory_space<vmem_shared>>
      %dma_start3A_66 = arith.constant 0 : i32
      %dma_start3A_67 = tpu.memref_slice %arg12[%add3A_27, %dma_start3A_66] : memref<10240x128xf32, #tpu.memory_space<vmem_shared>> -> memref<128x128xf32, #tpu.memory_space<vmem_shared>>
      tpu.enqueue_dma source(%arg10 : memref<128x128xf32, #tpu.memory_space<vmem>>) target(%dma_start3A_67 : memref<128x128xf32, #tpu.memory_space<vmem_shared>>) target_semaphore(%run_scoped3A : memref<!tpu.dma_semaphore, #tpu.memory_space<semaphore_mem>>)
      %dma_wait3A_68 = arith.constant 0 : i32
      %dma_wait3A_69 = tpu.memref_slice %arg12[%add3A_27, %dma_wait3A_68] : memref<10240x128xf32, #tpu.memory_space<vmem_shared>> -> memref<128x128xf32, #tpu.memory_space<vmem_shared>>
      %dma_wait3A_70 = arith.constant 0 : i32
      %dma_wait3A_71 = tpu.memref_slice %arg12[%add3A_27, %dma_wait3A_70] : memref<10240x128xf32, #tpu.memory_space<vmem_shared>> -> memref<128x128xf32, #tpu.memory_space<vmem_shared>>
      tpu.wait_dma2 semaphore(%run_scoped3A : memref<!tpu.dma_semaphore, #tpu.memory_space<semaphore_mem>>) src(%arg10 : memref<128x128xf32, #tpu.memory_space<vmem>>) dst(%dma_wait3A_71 : memref<128x128xf32, #tpu.memory_space<vmem_shared>>)
      tpu.yield
    }) : () -> ()
    %barrier3A = arith.constant 0 : index
    tpu.barrier barrier_id(%barrier3A)
    %mul3A_28 = arith.constant 10000 : i32
    %mul3A_29 = arith.muli %add3A, %mul3A_28 : i32
    %scan3A_30 = arith.constant 0 : i32
    %scan3A_31 = arith.constant 0 : i32
    %scan3A_32 = arith.constant 78 : i32
    %scan3A_33 = arith.addi %scan3A_31, %scan3A_32 : i32
    %scan3A_34 = arith.constant 1 : i32
    %scan3A_35 = scf.for %scan3A_64 = %scan3A_31 to %scan3A_33 step %scan3A_34 iter_args(%scan3A_65 = %scan3A_30) -> (i32)  : i32 {
      %mul3A_66 = arith.constant 128 : i32
      %mul3A_67 = arith.muli %scan3A_64, %mul3A_66 : i32
      %add3A_68 = arith.addi %mul3A_29, %mul3A_67 : i32
      "tpu.region"() ({
        %run_scoped3A = tpu.sem_alloc : memref<!tpu.dma_semaphore, #tpu.memory_space<semaphore_mem>>
        %dma_start3A_76 = tpu.memref_slice %arg3[%add3A_68] : memref<320000xi32, #tpu.memory_space<hbm>> -> memref<128xi32, #tpu.memory_space<hbm>>
        %dma_start3A_77 = tpu.memref_slice %arg3[%add3A_68] : memref<320000xi32, #tpu.memory_space<hbm>> -> memref<128xi32, #tpu.memory_space<hbm>>
        tpu.enqueue_dma source(%dma_start3A_77 : memref<128xi32, #tpu.memory_space<hbm>>) target(%arg6 : memref<128xi32, #tpu.memory_space<vmem>>) target_semaphore(%run_scoped3A : memref<!tpu.dma_semaphore, #tpu.memory_space<semaphore_mem>>)
        %dma_wait3A_78 = tpu.memref_slice %arg3[%add3A_68] : memref<320000xi32, #tpu.memory_space<hbm>> -> memref<128xi32, #tpu.memory_space<hbm>>
        %dma_wait3A_79 = tpu.memref_slice %arg3[%add3A_68] : memref<320000xi32, #tpu.memory_space<hbm>> -> memref<128xi32, #tpu.memory_space<hbm>>
        tpu.wait_dma2 semaphore(%run_scoped3A : memref<!tpu.dma_semaphore, #tpu.memory_space<semaphore_mem>>) src(%dma_wait3A_79 : memref<128xi32, #tpu.memory_space<hbm>>) dst(%arg6 : memref<128xi32, #tpu.memory_space<vmem>>)
        tpu.yield
      }) : () -> ()
      "tpu.region"() ({
        %run_scoped3A = tpu.sem_alloc : memref<!tpu.dma_semaphore, #tpu.memory_space<semaphore_mem>>
        %dma_start3A_76 = tpu.memref_slice %arg4[%add3A_68] : memref<320000xi32, #tpu.memory_space<hbm>> -> memref<128xi32, #tpu.memory_space<hbm>>
        %dma_start3A_77 = tpu.memref_slice %arg4[%add3A_68] : memref<320000xi32, #tpu.memory_space<hbm>> -> memref<128xi32, #tpu.memory_space<hbm>>
        tpu.enqueue_dma source(%dma_start3A_77 : memref<128xi32, #tpu.memory_space<hbm>>) target(%arg7 : memref<128xi32, #tpu.memory_space<vmem>>) target_semaphore(%run_scoped3A : memref<!tpu.dma_semaphore, #tpu.memory_space<semaphore_mem>>)
        %dma_wait3A_78 = tpu.memref_slice %arg4[%add3A_68] : memref<320000xi32, #tpu.memory_space<hbm>> -> memref<128xi32, #tpu.memory_space<hbm>>
        %dma_wait3A_79 = tpu.memref_slice %arg4[%add3A_68] : memref<320000xi32, #tpu.memory_space<hbm>> -> memref<128xi32, #tpu.memory_space<hbm>>
        tpu.wait_dma2 semaphore(%run_scoped3A : memref<!tpu.dma_semaphore, #tpu.memory_space<semaphore_mem>>) src(%dma_wait3A_79 : memref<128xi32, #tpu.memory_space<hbm>>) dst(%arg7 : memref<128xi32, #tpu.memory_space<vmem>>)
        tpu.yield
      }) : () -> ()
      %dma_start3A_69 = arith.constant 0 : i32
      %dma_start3A_70 = arith.constant 0 : i32
      %dma_start3A_71 = tpu.memref_slice %arg2[%dma_start3A_69, %dma_start3A_70] : memref<10000x128xf32, #tpu.memory_space<hbm>> -> memref<10000x128xf32, #tpu.memory_space<hbm>>
      tpu.enqueue_indirect_dma source(%dma_start3A_71 : memref<10000x128xf32, #tpu.memory_space<hbm>>) target(%arg10 : memref<128x128xf32, #tpu.memory_space<vmem>>) offsets(%arg6 : memref<128xi32, #tpu.memory_space<vmem>>) semaphore(%arg13 : memref<!tpu.dma_semaphore, #tpu.memory_space<semaphore_mem>>)
      %dma_wait3A_72 = arith.constant 0 : i32
      %dma_wait3A_73 = arith.constant 0 : i32
      %dma_wait3A_74 = tpu.memref_slice %arg2[%dma_wait3A_72, %dma_wait3A_73] : memref<10000x128xf32, #tpu.memory_space<hbm>> -> memref<10000x128xf32, #tpu.memory_space<hbm>>
      tpu.wait_indirect_dma semaphore(%arg13 : memref<!tpu.dma_semaphore, #tpu.memory_space<semaphore_mem>>) src(%dma_wait3A_74 : memref<10000x128xf32, #tpu.memory_space<hbm>>) dst(%arg10 : memref<128x128xf32, #tpu.memory_space<vmem>>)
      "tpu.region"() ({
        %run_scoped3A = tpu.sem_alloc : memref<!tpu.dma_semaphore, #tpu.memory_space<semaphore_mem>>
        %dma_start3A_76 = arith.constant 0 : i32
        %dma_start3A_77 = arith.constant 0 : i32
        %dma_start3A_78 = tpu.memref_slice %arg12[%dma_start3A_76, %dma_start3A_77] : memref<10240x128xf32, #tpu.memory_space<vmem_shared>> -> memref<10240x128xf32, #tpu.memory_space<vmem_shared>>
        tpu.enqueue_indirect_dma source(%arg10 : memref<128x128xf32, #tpu.memory_space<vmem>>) target(%dma_start3A_78 : memref<10240x128xf32, #tpu.memory_space<vmem_shared>>) offsets(%arg7 : memref<128xi32, #tpu.memory_space<vmem>>) semaphore(%run_scoped3A : memref<!tpu.dma_semaphore, #tpu.memory_space<semaphore_mem>>) {add = true}
        %dma_wait3A_79 = arith.constant 0 : i32
        %dma_wait3A_80 = arith.constant 0 : i32
        %dma_wait3A_81 = tpu.memref_slice %arg12[%dma_wait3A_79, %dma_wait3A_80] : memref<10240x128xf32, #tpu.memory_space<vmem_shared>> -> memref<10240x128xf32, #tpu.memory_space<vmem_shared>>
        tpu.wait_indirect_dma semaphore(%run_scoped3A : memref<!tpu.dma_semaphore, #tpu.memory_space<semaphore_mem>>) src(%arg10 : memref<128x128xf32, #tpu.memory_space<vmem>>) dst(%dma_wait3A_81 : memref<10240x128xf32, #tpu.memory_space<vmem_shared>>)
        tpu.yield
      }) : () -> ()
      %scan3A_75 = arith.constant 0 : i32
      scf.yield %scan3A_75 : i32
    }
    %scan3A_36 = arith.constant 78 : i32
    %add3A_37 = arith.constant 9984 : i32
    %add3A_38 = arith.addi %mul3A_29, %add3A_37 : i32
    "tpu.region"() ({
      %run_scoped3A = tpu.sem_alloc : memref<!tpu.dma_semaphore, #tpu.memory_space<semaphore_mem>>
      %dma_start3A_64 = tpu.memref_slice %arg3[%add3A_38] : memref<320000xi32, #tpu.memory_space<hbm>> -> memref<16xi32, #tpu.memory_space<hbm>>
      %dma_start3A_65 = tpu.memref_slice %arg3[%add3A_38] : memref<320000xi32, #tpu.memory_space<hbm>> -> memref<16xi32, #tpu.memory_space<hbm>>
      tpu.enqueue_dma source(%dma_start3A_65 : memref<16xi32, #tpu.memory_space<hbm>>) target(%arg8 : memref<16xi32, #tpu.memory_space<vmem>>) target_semaphore(%run_scoped3A : memref<!tpu.dma_semaphore, #tpu.memory_space<semaphore_mem>>)
      %dma_wait3A_66 = tpu.memref_slice %arg3[%add3A_38] : memref<320000xi32, #tpu.memory_space<hbm>> -> memref<16xi32, #tpu.memory_space<hbm>>
      %dma_wait3A_67 = tpu.memref_slice %arg3[%add3A_38] : memref<320000xi32, #tpu.memory_space<hbm>> -> memref<16xi32, #tpu.memory_space<hbm>>
      tpu.wait_dma2 semaphore(%run_scoped3A : memref<!tpu.dma_semaphore, #tpu.memory_space<semaphore_mem>>) src(%dma_wait3A_67 : memref<16xi32, #tpu.memory_space<hbm>>) dst(%arg8 : memref<16xi32, #tpu.memory_space<vmem>>)
      tpu.yield
    }) : () -> ()
    "tpu.region"() ({
      %run_scoped3A = tpu.sem_alloc : memref<!tpu.dma_semaphore, #tpu.memory_space<semaphore_mem>>
      %dma_start3A_64 = tpu.memref_slice %arg4[%add3A_38] : memref<320000xi32, #tpu.memory_space<hbm>> -> memref<16xi32, #tpu.memory_space<hbm>>
      %dma_start3A_65 = tpu.memref_slice %arg4[%add3A_38] : memref<320000xi32, #tpu.memory_space<hbm>> -> memref<16xi32, #tpu.memory_space<hbm>>
      tpu.enqueue_dma source(%dma_start3A_65 : memref<16xi32, #tpu.memory_space<hbm>>) target(%arg9 : memref<16xi32, #tpu.memory_space<vmem>>) target_semaphore(%run_scoped3A : memref<!tpu.dma_semaphore, #tpu.memory_space<semaphore_mem>>)
      %dma_wait3A_66 = tpu.memref_slice %arg4[%add3A_38] : memref<320000xi32, #tpu.memory_space<hbm>> -> memref<16xi32, #tpu.memory_space<hbm>>
      %dma_wait3A_67 = tpu.memref_slice %arg4[%add3A_38] : memref<320000xi32, #tpu.memory_space<hbm>> -> memref<16xi32, #tpu.memory_space<hbm>>
      tpu.wait_dma2 semaphore(%run_scoped3A : memref<!tpu.dma_semaphore, #tpu.memory_space<semaphore_mem>>) src(%dma_wait3A_67 : memref<16xi32, #tpu.memory_space<hbm>>) dst(%arg9 : memref<16xi32, #tpu.memory_space<vmem>>)
      tpu.yield
    }) : () -> ()
    %dma_start3A = arith.constant 0 : i32
    %dma_start3A_39 = arith.constant 0 : i32
    %dma_start3A_40 = tpu.memref_slice %arg2[%dma_start3A, %dma_start3A_39] : memref<10000x128xf32, #tpu.memory_space<hbm>> -> memref<10000x128xf32, #tpu.memory_space<hbm>>
    tpu.enqueue_indirect_dma source(%dma_start3A_40 : memref<10000x128xf32, #tpu.memory_space<hbm>>) target(%arg11 : memref<16x128xf32, #tpu.memory_space<vmem>>) offsets(%arg8 : memref<16xi32, #tpu.memory_space<vmem>>) semaphore(%arg13 : memref<!tpu.dma_semaphore, #tpu.memory_space<semaphore_mem>>)
    %dma_wait3A = arith.constant 0 : i32
    %dma_wait3A_41 = arith.constant 0 : i32
    %dma_wait3A_42 = tpu.memref_slice %arg2[%dma_wait3A, %dma_wait3A_41] : memref<10000x128xf32, #tpu.memory_space<hbm>> -> memref<10000x128xf32, #tpu.memory_space<hbm>>
    tpu.wait_indirect_dma semaphore(%arg13 : memref<!tpu.dma_semaphore, #tpu.memory_space<semaphore_mem>>) src(%dma_wait3A_42 : memref<10000x128xf32, #tpu.memory_space<hbm>>) dst(%arg11 : memref<16x128xf32, #tpu.memory_space<vmem>>)
    "tpu.region"() ({
      %run_scoped3A = tpu.sem_alloc : memref<!tpu.dma_semaphore, #tpu.memory_space<semaphore_mem>>
      %dma_start3A_64 = arith.constant 0 : i32
      %dma_start3A_65 = arith.constant 0 : i32
      %dma_start3A_66 = tpu.memref_slice %arg12[%dma_start3A_64, %dma_start3A_65] : memref<10240x128xf32, #tpu.memory_space<vmem_shared>> -> memref<10240x128xf32, #tpu.memory_space<vmem_shared>>
      tpu.enqueue_indirect_dma source(%arg11 : memref<16x128xf32, #tpu.memory_space<vmem>>) target(%dma_start3A_66 : memref<10240x128xf32, #tpu.memory_space<vmem_shared>>) offsets(%arg9 : memref<16xi32, #tpu.memory_space<vmem>>) semaphore(%run_scoped3A : memref<!tpu.dma_semaphore, #tpu.memory_space<semaphore_mem>>) {add = true}
      %dma_wait3A_67 = arith.constant 0 : i32
      %dma_wait3A_68 = arith.constant 0 : i32
      %dma_wait3A_69 = tpu.memref_slice %arg12[%dma_wait3A_67, %dma_wait3A_68] : memref<10240x128xf32, #tpu.memory_space<vmem_shared>> -> memref<10240x128xf32, #tpu.memory_space<vmem_shared>>
      tpu.wait_indirect_dma semaphore(%run_scoped3A : memref<!tpu.dma_semaphore, #tpu.memory_space<semaphore_mem>>) src(%arg11 : memref<16x128xf32, #tpu.memory_space<vmem>>) dst(%dma_wait3A_69 : memref<10240x128xf32, #tpu.memory_space<vmem_shared>>)
      tpu.yield
    }) : () -> ()
    %barrier3A_43 = arith.constant 0 : index
    tpu.barrier barrier_id(%barrier3A_43)
    %mul3A_44 = arith.constant 640 : i32
    %mul3A_45 = arith.muli %arg1, %mul3A_44 : i32
    %add3A_46 = arith.constant 0 : i32
    %add3A_47 = arith.addi %mul3A_45, %add3A_46 : i32
    "tpu.region"() ({
      %run_scoped3A = tpu.sem_alloc : memref<!tpu.dma_semaphore, #tpu.memory_space<semaphore_mem>>
      %dma_start3A_64 = arith.constant 0 : i32
      %dma_start3A_65 = tpu.memref_slice %arg12[%add3A_47, %dma_start3A_64] : memref<10240x128xf32, #tpu.memory_space<vmem_shared>> -> memref<128x128xf32, #tpu.memory_space<vmem_shared>>
      %dma_start3A_66 = arith.constant 0 : i32
      %dma_start3A_67 = tpu.memref_slice %arg12[%add3A_47, %dma_start3A_66] : memref<10240x128xf32, #tpu.memory_space<vmem_shared>> -> memref<128x128xf32, #tpu.memory_space<vmem_shared>>
      tpu.enqueue_dma source(%dma_start3A_67 : memref<128x128xf32, #tpu.memory_space<vmem_shared>>) target(%arg10 : memref<128x128xf32, #tpu.memory_space<vmem>>) target_semaphore(%run_scoped3A : memref<!tpu.dma_semaphore, #tpu.memory_space<semaphore_mem>>)
      %dma_wait3A_68 = arith.constant 0 : i32
      %dma_wait3A_69 = tpu.memref_slice %arg12[%add3A_47, %dma_wait3A_68] : memref<10240x128xf32, #tpu.memory_space<vmem_shared>> -> memref<128x128xf32, #tpu.memory_space<vmem_shared>>
      %dma_wait3A_70 = arith.constant 0 : i32
      %dma_wait3A_71 = tpu.memref_slice %arg12[%add3A_47, %dma_wait3A_70] : memref<10240x128xf32, #tpu.memory_space<vmem_shared>> -> memref<128x128xf32, #tpu.memory_space<vmem_shared>>
      tpu.wait_dma2 semaphore(%run_scoped3A : memref<!tpu.dma_semaphore, #tpu.memory_space<semaphore_mem>>) src(%dma_wait3A_71 : memref<128x128xf32, #tpu.memory_space<vmem_shared>>) dst(%arg10 : memref<128x128xf32, #tpu.memory_space<vmem>>)
      tpu.yield
    }) : () -> ()
    "tpu.region"() ({
      %run_scoped3A = tpu.sem_alloc : memref<!tpu.dma_semaphore, #tpu.memory_space<semaphore_mem>>
      %dma_start3A_64 = arith.constant 0 : i32
      %dma_start3A_65 = tpu.memref_slice %arg5[%arg0, %add3A_47, %dma_start3A_64] : memref<2x10240x128xf32, #tpu.memory_space<hbm>> -> memref<1x128x128xf32, #tpu.memory_space<hbm>>
      %dma_start3A_66 = tpu.memref_squeeze %dma_start3A_65 : memref<1x128x128xf32, #tpu.memory_space<hbm>> -> memref<128x128xf32, #tpu.memory_space<hbm>>
      %dma_start3A_67 = arith.constant 0 : i32
      %dma_start3A_68 = tpu.memref_slice %arg5[%arg0, %add3A_47, %dma_start3A_67] : memref<2x10240x128xf32, #tpu.memory_space<hbm>> -> memref<1x128x128xf32, #tpu.memory_space<hbm>>
      %dma_start3A_69 = tpu.memref_squeeze %dma_start3A_68 : memref<1x128x128xf32, #tpu.memory_space<hbm>> -> memref<128x128xf32, #tpu.memory_space<hbm>>
      tpu.enqueue_dma source(%arg10 : memref<128x128xf32, #tpu.memory_space<vmem>>) target(%dma_start3A_69 : memref<128x128xf32, #tpu.memory_space<hbm>>) target_semaphore(%run_scoped3A : memref<!tpu.dma_semaphore, #tpu.memory_space<semaphore_mem>>)
      %dma_wait3A_70 = arith.constant 0 : i32
      %dma_wait3A_71 = tpu.memref_slice %arg5[%arg0, %add3A_47, %dma_wait3A_70] : memref<2x10240x128xf32, #tpu.memory_space<hbm>> -> memref<1x128x128xf32, #tpu.memory_space<hbm>>
      %dma_wait3A_72 = tpu.memref_squeeze %dma_wait3A_71 : memref<1x128x128xf32, #tpu.memory_space<hbm>> -> memref<128x128xf32, #tpu.memory_space<hbm>>
      %dma_wait3A_73 = arith.constant 0 : i32
      %dma_wait3A_74 = tpu.memref_slice %arg5[%arg0, %add3A_47, %dma_wait3A_73] : memref<2x10240x128xf32, #tpu.memory_space<hbm>> -> memref<1x128x128xf32, #tpu.memory_space<hbm>>
      %dma_wait3A_75 = tpu.memref_squeeze %dma_wait3A_74 : memref<1x128x128xf32, #tpu.memory_space<hbm>> -> memref<128x128xf32, #tpu.memory_space<hbm>>
      tpu.wait_dma2 semaphore(%run_scoped3A : memref<!tpu.dma_semaphore, #tpu.memory_space<semaphore_mem>>) src(%arg10 : memref<128x128xf32, #tpu.memory_space<vmem>>) dst(%dma_wait3A_75 : memref<128x128xf32, #tpu.memory_space<hbm>>)
      tpu.yield
    }) : () -> ()
    %mul3A_48 = arith.constant 640 : i32
    %mul3A_49 = arith.muli %arg1, %mul3A_48 : i32
    %add3A_50 = arith.constant 128 : i32
    %add3A_51 = arith.addi %mul3A_49, %add3A_50 : i32
    "tpu.region"() ({
      %run_scoped3A = tpu.sem_alloc : memref<!tpu.dma_semaphore, #tpu.memory_space<semaphore_mem>>
      %dma_start3A_64 = arith.constant 0 : i32
      %dma_start3A_65 = tpu.memref_slice %arg12[%add3A_51, %dma_start3A_64] : memref<10240x128xf32, #tpu.memory_space<vmem_shared>> -> memref<128x128xf32, #tpu.memory_space<vmem_shared>>
      %dma_start3A_66 = arith.constant 0 : i32
      %dma_start3A_67 = tpu.memref_slice %arg12[%add3A_51, %dma_start3A_66] : memref<10240x128xf32, #tpu.memory_space<vmem_shared>> -> memref<128x128xf32, #tpu.memory_space<vmem_shared>>
      tpu.enqueue_dma source(%dma_start3A_67 : memref<128x128xf32, #tpu.memory_space<vmem_shared>>) target(%arg10 : memref<128x128xf32, #tpu.memory_space<vmem>>) target_semaphore(%run_scoped3A : memref<!tpu.dma_semaphore, #tpu.memory_space<semaphore_mem>>)
      %dma_wait3A_68 = arith.constant 0 : i32
      %dma_wait3A_69 = tpu.memref_slice %arg12[%add3A_51, %dma_wait3A_68] : memref<10240x128xf32, #tpu.memory_space<vmem_shared>> -> memref<128x128xf32, #tpu.memory_space<vmem_shared>>
      %dma_wait3A_70 = arith.constant 0 : i32
      %dma_wait3A_71 = tpu.memref_slice %arg12[%add3A_51, %dma_wait3A_70] : memref<10240x128xf32, #tpu.memory_space<vmem_shared>> -> memref<128x128xf32, #tpu.memory_space<vmem_shared>>
      tpu.wait_dma2 semaphore(%run_scoped3A : memref<!tpu.dma_semaphore, #tpu.memory_space<semaphore_mem>>) src(%dma_wait3A_71 : memref<128x128xf32, #tpu.memory_space<vmem_shared>>) dst(%arg10 : memref<128x128xf32, #tpu.memory_space<vmem>>)
      tpu.yield
    }) : () -> ()
    "tpu.region"() ({
      %run_scoped3A = tpu.sem_alloc : memref<!tpu.dma_semaphore, #tpu.memory_space<semaphore_mem>>
      %dma_start3A_64 = arith.constant 0 : i32
      %dma_start3A_65 = tpu.memref_slice %arg5[%arg0, %add3A_51, %dma_start3A_64] : memref<2x10240x128xf32, #tpu.memory_space<hbm>> -> memref<1x128x128xf32, #tpu.memory_space<hbm>>
      %dma_start3A_66 = tpu.memref_squeeze %dma_start3A_65 : memref<1x128x128xf32, #tpu.memory_space<hbm>> -> memref<128x128xf32, #tpu.memory_space<hbm>>
      %dma_start3A_67 = arith.constant 0 : i32
      %dma_start3A_68 = tpu.memref_slice %arg5[%arg0, %add3A_51, %dma_start3A_67] : memref<2x10240x128xf32, #tpu.memory_space<hbm>> -> memref<1x128x128xf32, #tpu.memory_space<hbm>>
      %dma_start3A_69 = tpu.memref_squeeze %dma_start3A_68 : memref<1x128x128xf32, #tpu.memory_space<hbm>> -> memref<128x128xf32, #tpu.memory_space<hbm>>
      tpu.enqueue_dma source(%arg10 : memref<128x128xf32, #tpu.memory_space<vmem>>) target(%dma_start3A_69 : memref<128x128xf32, #tpu.memory_space<hbm>>) target_semaphore(%run_scoped3A : memref<!tpu.dma_semaphore, #tpu.memory_space<semaphore_mem>>)
      %dma_wait3A_70 = arith.constant 0 : i32
      %dma_wait3A_71 = tpu.memref_slice %arg5[%arg0, %add3A_51, %dma_wait3A_70] : memref<2x10240x128xf32, #tpu.memory_space<hbm>> -> memref<1x128x128xf32, #tpu.memory_space<hbm>>
      %dma_wait3A_72 = tpu.memref_squeeze %dma_wait3A_71 : memref<1x128x128xf32, #tpu.memory_space<hbm>> -> memref<128x128xf32, #tpu.memory_space<hbm>>
      %dma_wait3A_73 = arith.constant 0 : i32
      %dma_wait3A_74 = tpu.memref_slice %arg5[%arg0, %add3A_51, %dma_wait3A_73] : memref<2x10240x128xf32, #tpu.memory_space<hbm>> -> memref<1x128x128xf32, #tpu.memory_space<hbm>>
      %dma_wait3A_75 = tpu.memref_squeeze %dma_wait3A_74 : memref<1x128x128xf32, #tpu.memory_space<hbm>> -> memref<128x128xf32, #tpu.memory_space<hbm>>
      tpu.wait_dma2 semaphore(%run_scoped3A : memref<!tpu.dma_semaphore, #tpu.memory_space<semaphore_mem>>) src(%arg10 : memref<128x128xf32, #tpu.memory_space<vmem>>) dst(%dma_wait3A_75 : memref<128x128xf32, #tpu.memory_space<hbm>>)
      tpu.yield
    }) : () -> ()
    %mul3A_52 = arith.constant 640 : i32
    %mul3A_53 = arith.muli %arg1, %mul3A_52 : i32
    %add3A_54 = arith.constant 256 : i32
    %add3A_55 = arith.addi %mul3A_53, %add3A_54 : i32
    "tpu.region"() ({
      %run_scoped3A = tpu.sem_alloc : memref<!tpu.dma_semaphore, #tpu.memory_space<semaphore_mem>>
      %dma_start3A_64 = arith.constant 0 : i32
      %dma_start3A_65 = tpu.memref_slice %arg12[%add3A_55, %dma_start3A_64] : memref<10240x128xf32, #tpu.memory_space<vmem_shared>> -> memref<128x128xf32, #tpu.memory_space<vmem_shared>>
      %dma_start3A_66 = arith.constant 0 : i32
      %dma_start3A_67 = tpu.memref_slice %arg12[%add3A_55, %dma_start3A_66] : memref<10240x128xf32, #tpu.memory_space<vmem_shared>> -> memref<128x128xf32, #tpu.memory_space<vmem_shared>>
      tpu.enqueue_dma source(%dma_start3A_67 : memref<128x128xf32, #tpu.memory_space<vmem_shared>>) target(%arg10 : memref<128x128xf32, #tpu.memory_space<vmem>>) target_semaphore(%run_scoped3A : memref<!tpu.dma_semaphore, #tpu.memory_space<semaphore_mem>>)
      %dma_wait3A_68 = arith.constant 0 : i32
      %dma_wait3A_69 = tpu.memref_slice %arg12[%add3A_55, %dma_wait3A_68] : memref<10240x128xf32, #tpu.memory_space<vmem_shared>> -> memref<128x128xf32, #tpu.memory_space<vmem_shared>>
      %dma_wait3A_70 = arith.constant 0 : i32
      %dma_wait3A_71 = tpu.memref_slice %arg12[%add3A_55, %dma_wait3A_70] : memref<10240x128xf32, #tpu.memory_space<vmem_shared>> -> memref<128x128xf32, #tpu.memory_space<vmem_shared>>
      tpu.wait_dma2 semaphore(%run_scoped3A : memref<!tpu.dma_semaphore, #tpu.memory_space<semaphore_mem>>) src(%dma_wait3A_71 : memref<128x128xf32, #tpu.memory_space<vmem_shared>>) dst(%arg10 : memref<128x128xf32, #tpu.memory_space<vmem>>)
      tpu.yield
    }) : () -> ()
    "tpu.region"() ({
      %run_scoped3A = tpu.sem_alloc : memref<!tpu.dma_semaphore, #tpu.memory_space<semaphore_mem>>
      %dma_start3A_64 = arith.constant 0 : i32
      %dma_start3A_65 = tpu.memref_slice %arg5[%arg0, %add3A_55, %dma_start3A_64] : memref<2x10240x128xf32, #tpu.memory_space<hbm>> -> memref<1x128x128xf32, #tpu.memory_space<hbm>>
      %dma_start3A_66 = tpu.memref_squeeze %dma_start3A_65 : memref<1x128x128xf32, #tpu.memory_space<hbm>> -> memref<128x128xf32, #tpu.memory_space<hbm>>
      %dma_start3A_67 = arith.constant 0 : i32
      %dma_start3A_68 = tpu.memref_slice %arg5[%arg0, %add3A_55, %dma_start3A_67] : memref<2x10240x128xf32, #tpu.memory_space<hbm>> -> memref<1x128x128xf32, #tpu.memory_space<hbm>>
      %dma_start3A_69 = tpu.memref_squeeze %dma_start3A_68 : memref<1x128x128xf32, #tpu.memory_space<hbm>> -> memref<128x128xf32, #tpu.memory_space<hbm>>
      tpu.enqueue_dma source(%arg10 : memref<128x128xf32, #tpu.memory_space<vmem>>) target(%dma_start3A_69 : memref<128x128xf32, #tpu.memory_space<hbm>>) target_semaphore(%run_scoped3A : memref<!tpu.dma_semaphore, #tpu.memory_space<semaphore_mem>>)
      %dma_wait3A_70 = arith.constant 0 : i32
      %dma_wait3A_71 = tpu.memref_slice %arg5[%arg0, %add3A_55, %dma_wait3A_70] : memref<2x10240x128xf32, #tpu.memory_space<hbm>> -> memref<1x128x128xf32, #tpu.memory_space<hbm>>
      %dma_wait3A_72 = tpu.memref_squeeze %dma_wait3A_71 : memref<1x128x128xf32, #tpu.memory_space<hbm>> -> memref<128x128xf32, #tpu.memory_space<hbm>>
      %dma_wait3A_73 = arith.constant 0 : i32
      %dma_wait3A_74 = tpu.memref_slice %arg5[%arg0, %add3A_55, %dma_wait3A_73] : memref<2x10240x128xf32, #tpu.memory_space<hbm>> -> memref<1x128x128xf32, #tpu.memory_space<hbm>>
      %dma_wait3A_75 = tpu.memref_squeeze %dma_wait3A_74 : memref<1x128x128xf32, #tpu.memory_space<hbm>> -> memref<128x128xf32, #tpu.memory_space<hbm>>
      tpu.wait_dma2 semaphore(%run_scoped3A : memref<!tpu.dma_semaphore, #tpu.memory_space<semaphore_mem>>) src(%arg10 : memref<128x128xf32, #tpu.memory_space<vmem>>) dst(%dma_wait3A_75 : memref<128x128xf32, #tpu.memory_space<hbm>>)
      tpu.yield
    }) : () -> ()
    %mul3A_56 = arith.constant 640 : i32
    %mul3A_57 = arith.muli %arg1, %mul3A_56 : i32
    %add3A_58 = arith.constant 384 : i32
    %add3A_59 = arith.addi %mul3A_57, %add3A_58 : i32
    "tpu.region"() ({
      %run_scoped3A = tpu.sem_alloc : memref<!tpu.dma_semaphore, #tpu.memory_space<semaphore_mem>>
      %dma_start3A_64 = arith.constant 0 : i32
      %dma_start3A_65 = tpu.memref_slice %arg12[%add3A_59, %dma_start3A_64] : memref<10240x128xf32, #tpu.memory_space<vmem_shared>> -> memref<128x128xf32, #tpu.memory_space<vmem_shared>>
      %dma_start3A_66 = arith.constant 0 : i32
      %dma_start3A_67 = tpu.memref_slice %arg12[%add3A_59, %dma_start3A_66] : memref<10240x128xf32, #tpu.memory_space<vmem_shared>> -> memref<128x128xf32, #tpu.memory_space<vmem_shared>>
      tpu.enqueue_dma source(%dma_start3A_67 : memref<128x128xf32, #tpu.memory_space<vmem_shared>>) target(%arg10 : memref<128x128xf32, #tpu.memory_space<vmem>>) target_semaphore(%run_scoped3A : memref<!tpu.dma_semaphore, #tpu.memory_space<semaphore_mem>>)
      %dma_wait3A_68 = arith.constant 0 : i32
      %dma_wait3A_69 = tpu.memref_slice %arg12[%add3A_59, %dma_wait3A_68] : memref<10240x128xf32, #tpu.memory_space<vmem_shared>> -> memref<128x128xf32, #tpu.memory_space<vmem_shared>>
      %dma_wait3A_70 = arith.constant 0 : i32
      %dma_wait3A_71 = tpu.memref_slice %arg12[%add3A_59, %dma_wait3A_70] : memref<10240x128xf32, #tpu.memory_space<vmem_shared>> -> memref<128x128xf32, #tpu.memory_space<vmem_shared>>
      tpu.wait_dma2 semaphore(%run_scoped3A : memref<!tpu.dma_semaphore, #tpu.memory_space<semaphore_mem>>) src(%dma_wait3A_71 : memref<128x128xf32, #tpu.memory_space<vmem_shared>>) dst(%arg10 : memref<128x128xf32, #tpu.memory_space<vmem>>)
      tpu.yield
    }) : () -> ()
    "tpu.region"() ({
      %run_scoped3A = tpu.sem_alloc : memref<!tpu.dma_semaphore, #tpu.memory_space<semaphore_mem>>
      %dma_start3A_64 = arith.constant 0 : i32
      %dma_start3A_65 = tpu.memref_slice %arg5[%arg0, %add3A_59, %dma_start3A_64] : memref<2x10240x128xf32, #tpu.memory_space<hbm>> -> memref<1x128x128xf32, #tpu.memory_space<hbm>>
      %dma_start3A_66 = tpu.memref_squeeze %dma_start3A_65 : memref<1x128x128xf32, #tpu.memory_space<hbm>> -> memref<128x128xf32, #tpu.memory_space<hbm>>
      %dma_start3A_67 = arith.constant 0 : i32
      %dma_start3A_68 = tpu.memref_slice %arg5[%arg0, %add3A_59, %dma_start3A_67] : memref<2x10240x128xf32, #tpu.memory_space<hbm>> -> memref<1x128x128xf32, #tpu.memory_space<hbm>>
      %dma_start3A_69 = tpu.memref_squeeze %dma_start3A_68 : memref<1x128x128xf32, #tpu.memory_space<hbm>> -> memref<128x128xf32, #tpu.memory_space<hbm>>
      tpu.enqueue_dma source(%arg10 : memref<128x128xf32, #tpu.memory_space<vmem>>) target(%dma_start3A_69 : memref<128x128xf32, #tpu.memory_space<hbm>>) target_semaphore(%run_scoped3A : memref<!tpu.dma_semaphore, #tpu.memory_space<semaphore_mem>>)
      %dma_wait3A_70 = arith.constant 0 : i32
      %dma_wait3A_71 = tpu.memref_slice %arg5[%arg0, %add3A_59, %dma_wait3A_70] : memref<2x10240x128xf32, #tpu.memory_space<hbm>> -> memref<1x128x128xf32, #tpu.memory_space<hbm>>
      %dma_wait3A_72 = tpu.memref_squeeze %dma_wait3A_71 : memref<1x128x128xf32, #tpu.memory_space<hbm>> -> memref<128x128xf32, #tpu.memory_space<hbm>>
      %dma_wait3A_73 = arith.constant 0 : i32
      %dma_wait3A_74 = tpu.memref_slice %arg5[%arg0, %add3A_59, %dma_wait3A_73] : memref<2x10240x128xf32, #tpu.memory_space<hbm>> -> memref<1x128x128xf32, #tpu.memory_space<hbm>>
      %dma_wait3A_75 = tpu.memref_squeeze %dma_wait3A_74 : memref<1x128x128xf32, #tpu.memory_space<hbm>> -> memref<128x128xf32, #tpu.memory_space<hbm>>
      tpu.wait_dma2 semaphore(%run_scoped3A : memref<!tpu.dma_semaphore, #tpu.memory_space<semaphore_mem>>) src(%arg10 : memref<128x128xf32, #tpu.memory_space<vmem>>) dst(%dma_wait3A_75 : memref<128x128xf32, #tpu.memory_space<hbm>>)
      tpu.yield
    }) : () -> ()
    %mul3A_60 = arith.constant 640 : i32
    %mul3A_61 = arith.muli %arg1, %mul3A_60 : i32
    %add3A_62 = arith.constant 512 : i32
    %add3A_63 = arith.addi %mul3A_61, %add3A_62 : i32
    "tpu.region"() ({
      %run_scoped3A = tpu.sem_alloc : memref<!tpu.dma_semaphore, #tpu.memory_space<semaphore_mem>>
      %dma_start3A_64 = arith.constant 0 : i32
      %dma_start3A_65 = tpu.memref_slice %arg12[%add3A_63, %dma_start3A_64] : memref<10240x128xf32, #tpu.memory_space<vmem_shared>> -> memref<128x128xf32, #tpu.memory_space<vmem_shared>>
      %dma_start3A_66 = arith.constant 0 : i32
      %dma_start3A_67 = tpu.memref_slice %arg12[%add3A_63, %dma_start3A_66] : memref<10240x128xf32, #tpu.memory_space<vmem_shared>> -> memref<128x128xf32, #tpu.memory_space<vmem_shared>>
      tpu.enqueue_dma source(%dma_start3A_67 : memref<128x128xf32, #tpu.memory_space<vmem_shared>>) target(%arg10 : memref<128x128xf32, #tpu.memory_space<vmem>>) target_semaphore(%run_scoped3A : memref<!tpu.dma_semaphore, #tpu.memory_space<semaphore_mem>>)
      %dma_wait3A_68 = arith.constant 0 : i32
      %dma_wait3A_69 = tpu.memref_slice %arg12[%add3A_63, %dma_wait3A_68] : memref<10240x128xf32, #tpu.memory_space<vmem_shared>> -> memref<128x128xf32, #tpu.memory_space<vmem_shared>>
      %dma_wait3A_70 = arith.constant 0 : i32
      %dma_wait3A_71 = tpu.memref_slice %arg12[%add3A_63, %dma_wait3A_70] : memref<10240x128xf32, #tpu.memory_space<vmem_shared>> -> memref<128x128xf32, #tpu.memory_space<vmem_shared>>
      tpu.wait_dma2 semaphore(%run_scoped3A : memref<!tpu.dma_semaphore, #tpu.memory_space<semaphore_mem>>) src(%dma_wait3A_71 : memref<128x128xf32, #tpu.memory_space<vmem_shared>>) dst(%arg10 : memref<128x128xf32, #tpu.memory_space<vmem>>)
      tpu.yield
    }) : () -> ()
    "tpu.region"() ({
      %run_scoped3A = tpu.sem_alloc : memref<!tpu.dma_semaphore, #tpu.memory_space<semaphore_mem>>
      %dma_start3A_64 = arith.constant 0 : i32
      %dma_start3A_65 = tpu.memref_slice %arg5[%arg0, %add3A_63, %dma_start3A_64] : memref<2x10240x128xf32, #tpu.memory_space<hbm>> -> memref<1x128x128xf32, #tpu.memory_space<hbm>>
      %dma_start3A_66 = tpu.memref_squeeze %dma_start3A_65 : memref<1x128x128xf32, #tpu.memory_space<hbm>> -> memref<128x128xf32, #tpu.memory_space<hbm>>
      %dma_start3A_67 = arith.constant 0 : i32
      %dma_start3A_68 = tpu.memref_slice %arg5[%arg0, %add3A_63, %dma_start3A_67] : memref<2x10240x128xf32, #tpu.memory_space<hbm>> -> memref<1x128x128xf32, #tpu.memory_space<hbm>>
      %dma_start3A_69 = tpu.memref_squeeze %dma_start3A_68 : memref<1x128x128xf32, #tpu.memory_space<hbm>> -> memref<128x128xf32, #tpu.memory_space<hbm>>
      tpu.enqueue_dma source(%arg10 : memref<128x128xf32, #tpu.memory_space<vmem>>) target(%dma_start3A_69 : memref<128x128xf32, #tpu.memory_space<hbm>>) target_semaphore(%run_scoped3A : memref<!tpu.dma_semaphore, #tpu.memory_space<semaphore_mem>>)
      %dma_wait3A_70 = arith.constant 0 : i32
      %dma_wait3A_71 = tpu.memref_slice %arg5[%arg0, %add3A_63, %dma_wait3A_70] : memref<2x10240x128xf32, #tpu.memory_space<hbm>> -> memref<1x128x128xf32, #tpu.memory_space<hbm>>
      %dma_wait3A_72 = tpu.memref_squeeze %dma_wait3A_71 : memref<1x128x128xf32, #tpu.memory_space<hbm>> -> memref<128x128xf32, #tpu.memory_space<hbm>>
      %dma_wait3A_73 = arith.constant 0 : i32
      %dma_wait3A_74 = tpu.memref_slice %arg5[%arg0, %add3A_63, %dma_wait3A_73] : memref<2x10240x128xf32, #tpu.memory_space<hbm>> -> memref<1x128x128xf32, #tpu.memory_space<hbm>>
      %dma_wait3A_75 = tpu.memref_squeeze %dma_wait3A_74 : memref<1x128x128xf32, #tpu.memory_space<hbm>> -> memref<128x128xf32, #tpu.memory_space<hbm>>
      tpu.wait_dma2 semaphore(%run_scoped3A : memref<!tpu.dma_semaphore, #tpu.memory_space<semaphore_mem>>) src(%arg10 : memref<128x128xf32, #tpu.memory_space<vmem>>) dst(%dma_wait3A_75 : memref<128x128xf32, #tpu.memory_space<hbm>>)
      tpu.yield
    }) : () -> ()
    return
  }
}

module attributes {stable_mosaic.version = 14 : i64} {
  func.func @_mm1_body(%arg0: i32, %arg1: memref<2000x1xf32, #tpu.memory_space<vmem>>, %arg2: memref<2000x128xf32, #tpu.memory_space<vmem>>, %arg3: memref<128x128xf32, #tpu.memory_space<vmem>>, %arg4: memref<2000x128xf32, #tpu.memory_space<vmem>>) attributes {dimension_semantics = [#tpu.dimension_semantics<arbitrary>], iteration_bounds = array<i64: 5>, scalar_prefetch = 0 : i64, scratch_operands = 0 : i64, tpu.core_type = #tpu.core_type<tc>, window_params = [{transform_indices = @transform_0, window_bounds = array<i64: 2000, 1>}, {transform_indices = @transform_1, window_bounds = array<i64: 2000, 128>}, {pipeline_mode = #tpu.pipeline_mode<synchronous>, transform_indices = @transform_2, window_bounds = array<i64: 128, 128>}, {transform_indices = @transform_3, window_bounds = array<i64: 2000, 128>}]} {
    %get3A = arith.constant 0 : index
    %get3A_0 = arith.constant 0 : index
    %get3A_1 = vector.load %arg2[%get3A, %get3A_0] : memref<2000x128xf32, #tpu.memory_space<vmem>>, vector<2000x128xf32>
    %get3A_2 = arith.constant 0 : index
    %get3A_3 = arith.constant 0 : index
    %get3A_4 = vector.load %arg3[%get3A_2, %get3A_3] : memref<128x128xf32, #tpu.memory_space<vmem>>, vector<128x128xf32>
    %dot_general3A = arith.constant dense<0.000000e+00> : vector<2000x128xf32>
    %dot_general3A_5 = tpu.matmul %get3A_1, %get3A_4, %dot_general3A {dimension_numbers = #tpu.dot_dimension_numbers<[1], [0], [0], [1], [0, 0, 1, 1], [], []>, transpose_lhs_hint = false} : vector<2000x128xf32>, vector<128x128xf32>, vector<2000x128xf32> -> vector<2000x128xf32>
    %get3A_6 = arith.constant 0 : index
    %get3A_7 = arith.constant 0 : index
    %get3A_8 = vector.load %arg1[%get3A_6, %get3A_7] : memref<2000x1xf32, #tpu.memory_space<vmem>>, vector<2000x1xf32>
    %mul3A = vector.broadcast %get3A_8 : vector<2000x1xf32> to vector<2000x128xf32>
    %mul3A_9 = arith.mulf %mul3A, %dot_general3A_5 : vector<2000x128xf32>
    %swap3A = arith.constant 0 : index
    %swap3A_10 = arith.constant 0 : index
    %swap3A_11 = vector.load %arg4[%swap3A, %swap3A_10] : memref<2000x128xf32, #tpu.memory_space<vmem>>, vector<2000x128xf32>
    tpu.vector_store %arg4[%swap3A, %swap3A_10], %mul3A_9 {strides = array<i32>} : memref<2000x128xf32, #tpu.memory_space<vmem>>, vector<2000x128xf32>,
    return
  }
  func.func @transform_0(%arg0: i32) -> (i32, i32) {
    %c0_i32 = arith.constant 0 : i32
    %c0_i32_0 = arith.constant 0 : i32
    return %arg0, %c0_i32 : i32, i32
  }
  func.func @transform_1(%arg0: i32) -> (i32, i32) {
    %c0_i32 = arith.constant 0 : i32
    %c0_i32_0 = arith.constant 0 : i32
    return %arg0, %c0_i32 : i32, i32
  }
  func.func @transform_2(%arg0: i32) -> (i32, i32) {
    %c0_i32 = arith.constant 0 : i32
    %c0_i32_0 = arith.constant 0 : i32
    %c0_i32_1 = arith.constant 0 : i32
    return %c0_i32, %c0_i32_0 : i32, i32
  }
  func.func @transform_3(%arg0: i32) -> (i32, i32) {
    %c0_i32 = arith.constant 0 : i32
    %c0_i32_0 = arith.constant 0 : i32
    return %arg0, %c0_i32 : i32, i32
  }
}

module attributes {stable_mosaic.version = 14 : i64} {
  func.func @_dinv_body(%arg0: memref<2x10240x16xf32, #tpu.memory_space<vmem>>, %arg1: memref<10240x1xf32, #tpu.memory_space<vmem>>) attributes {dimension_semantics = [], scalar_prefetch = 0 : i64, scratch_operands = 0 : i64, tpu.core_type = #tpu.core_type<tc>} {
    %get3A = arith.constant 0 : index
    %get3A_0 = arith.constant 0 : index
    %get3A_1 = arith.constant 0 : index
    %get3A_2 = vector.load %arg0[%get3A, %get3A_0, %get3A_1] : memref<2x10240x16xf32, #tpu.memory_space<vmem>>, vector<1x10240x1xf32>
    %get3A_3 = vector.shape_cast %get3A_2 : vector<1x10240x1xf32> to vector<10240x1xf32>
    %get3A_4 = arith.constant 1 : index
    %get3A_5 = arith.constant 0 : index
    %get3A_6 = arith.constant 0 : index
    %get3A_7 = vector.load %arg0[%get3A_4, %get3A_5, %get3A_6] : memref<2x10240x16xf32, #tpu.memory_space<vmem>>, vector<1x10240x1xf32>
    %get3A_8 = vector.shape_cast %get3A_7 : vector<1x10240x1xf32> to vector<10240x1xf32>
    %add3A = arith.addf %get3A_3, %get3A_8 : vector<10240x1xf32>
    %add3A_9 = arith.constant 1.000000e+00 : f32
    %add3A_10 = vector.broadcast %add3A_9 : f32 to vector<10240x1xf32>
    %add3A_11 = arith.addf %add3A, %add3A_10 : vector<10240x1xf32>
    %rsqrt3A = math.rsqrt %add3A_11 : vector<10240x1xf32>
    %swap3A = arith.constant 0 : index
    %swap3A_12 = arith.constant 0 : index
    %swap3A_13 = vector.load %arg1[%swap3A, %swap3A_12] : memref<10240x1xf32, #tpu.memory_space<vmem>>, vector<10240x1xf32>
    tpu.vector_store %arg1[%swap3A, %swap3A_12], %rsqrt3A {strides = array<i32>} : memref<10240x1xf32, #tpu.memory_space<vmem>>, vector<10240x1xf32>,
    return
  }
}

module attributes {stable_mosaic.version = 14 : i64} {
  func.func @_mid_body(%arg0: i32, %arg1: memref<2x2000x128xf32, #tpu.memory_space<vmem>>, %arg2: memref<2000x128xf32, #tpu.memory_space<vmem>>, %arg3: memref<2000x1xf32, #tpu.memory_space<vmem>>, %arg4: memref<1x128xf32, #tpu.memory_space<vmem>>, %arg5: memref<128x128xf32, #tpu.memory_space<vmem>>, %arg6: memref<2000x128xf32, #tpu.memory_space<vmem>>) attributes {dimension_semantics = [#tpu.dimension_semantics<arbitrary>], iteration_bounds = array<i64: 5>, scalar_prefetch = 0 : i64, scratch_operands = 0 : i64, tpu.core_type = #tpu.core_type<tc>, window_params = [{transform_indices = @transform_0, window_bounds = array<i64: 2, 2000, 128>}, {transform_indices = @transform_1, window_bounds = array<i64: 2000, 128>}, {transform_indices = @transform_2, window_bounds = array<i64: 2000, 1>}, {pipeline_mode = #tpu.pipeline_mode<synchronous>, transform_indices = @transform_3, window_bounds = array<i64: 1, 128>}, {pipeline_mode = #tpu.pipeline_mode<synchronous>, transform_indices = @transform_4, window_bounds = array<i64: 128, 128>}, {transform_indices = @transform_5, window_bounds = array<i64: 2000, 128>}]} {
    %get3A = arith.constant 0 : index
    %get3A_0 = arith.constant 0 : index
    %get3A_1 = arith.constant 0 : index
    %get3A_2 = vector.load %arg1[%get3A, %get3A_0, %get3A_1] : memref<2x2000x128xf32, #tpu.memory_space<vmem>>, vector<1x2000x128xf32>
    %get3A_3 = vector.shape_cast %get3A_2 : vector<1x2000x128xf32> to vector<2000x128xf32>
    %get3A_4 = arith.constant 1 : index
    %get3A_5 = arith.constant 0 : index
    %get3A_6 = arith.constant 0 : index
    %get3A_7 = vector.load %arg1[%get3A_4, %get3A_5, %get3A_6] : memref<2x2000x128xf32, #tpu.memory_space<vmem>>, vector<1x2000x128xf32>
    %get3A_8 = vector.shape_cast %get3A_7 : vector<1x2000x128xf32> to vector<2000x128xf32>
    %add3A = arith.addf %get3A_3, %get3A_8 : vector<2000x128xf32>
    %get3A_9 = arith.constant 0 : index
    %get3A_10 = arith.constant 0 : index
    %get3A_11 = vector.load %arg3[%get3A_9, %get3A_10] : memref<2000x1xf32, #tpu.memory_space<vmem>>, vector<2000x1xf32>
    %get3A_12 = arith.constant 0 : index
    %get3A_13 = arith.constant 0 : index
    %get3A_14 = vector.load %arg2[%get3A_12, %get3A_13] : memref<2000x128xf32, #tpu.memory_space<vmem>>, vector<2000x128xf32>
    %add3A_15 = arith.addf %add3A, %get3A_14 : vector<2000x128xf32>
    %mul3A = vector.broadcast %get3A_11 : vector<2000x1xf32> to vector<2000x128xf32>
    %mul3A_16 = arith.mulf %mul3A, %add3A_15 : vector<2000x128xf32>
    %get3A_17 = arith.constant 0 : index
    %get3A_18 = arith.constant 0 : index
    %get3A_19 = vector.load %arg4[%get3A_17, %get3A_18] : memref<1x128xf32, #tpu.memory_space<vmem>>, vector<1x128xf32>
    %add3A_20 = vector.broadcast %get3A_19 : vector<1x128xf32> to vector<2000x128xf32>
    %add3A_21 = arith.addf %mul3A_16, %add3A_20 : vector<2000x128xf32>
    %max3A = arith.constant 0.000000e+00 : f32
    %max3A_22 = vector.broadcast %max3A : f32 to vector<2000x128xf32>
    %max3A_23 = arith.maximumf %add3A_21, %max3A_22 : vector<2000x128xf32>
    %get3A_24 = arith.constant 0 : index
    %get3A_25 = arith.constant 0 : index
    %get3A_26 = vector.load %arg3[%get3A_24, %get3A_25] : memref<2000x1xf32, #tpu.memory_space<vmem>>, vector<2000x1xf32>
    %get3A_27 = arith.constant 0 : index
    %get3A_28 = arith.constant 0 : index
    %get3A_29 = vector.load %arg5[%get3A_27, %get3A_28] : memref<128x128xf32, #tpu.memory_space<vmem>>, vector<128x128xf32>
    %dot_general3A = arith.constant dense<0.000000e+00> : vector<2000x128xf32>
    %dot_general3A_30 = tpu.matmul %max3A_23, %get3A_29, %dot_general3A {dimension_numbers = #tpu.dot_dimension_numbers<[1], [0], [0], [1], [0, 0, 1, 1], [], []>, transpose_lhs_hint = false} : vector<2000x128xf32>, vector<128x128xf32>, vector<2000x128xf32> -> vector<2000x128xf32>
    %mul3A_31 = vector.broadcast %get3A_26 : vector<2000x1xf32> to vector<2000x128xf32>
    %mul3A_32 = arith.mulf %mul3A_31, %dot_general3A_30 : vector<2000x128xf32>
    %swap3A = arith.constant 0 : index
    %swap3A_33 = arith.constant 0 : index
    %swap3A_34 = vector.load %arg6[%swap3A, %swap3A_33] : memref<2000x128xf32, #tpu.memory_space<vmem>>, vector<2000x128xf32>
    tpu.vector_store %arg6[%swap3A, %swap3A_33], %mul3A_32 {strides = array<i32>} : memref<2000x128xf32, #tpu.memory_space<vmem>>, vector<2000x128xf32>,
    return
  }
  func.func @transform_0(%arg0: i32) -> (i32, i32, i32) {
    %c0_i32 = arith.constant 0 : i32
    %c0_i32_0 = arith.constant 0 : i32
    %c0_i32_1 = arith.constant 0 : i32
    return %c0_i32, %arg0, %c0_i32_0 : i32, i32, i32
  }
  func.func @transform_1(%arg0: i32) -> (i32, i32) {
    %c0_i32 = arith.constant 0 : i32
    %c0_i32_0 = arith.constant 0 : i32
    return %arg0, %c0_i32 : i32, i32
  }
  func.func @transform_2(%arg0: i32) -> (i32, i32) {
    %c0_i32 = arith.constant 0 : i32
    %c0_i32_0 = arith.constant 0 : i32
    return %arg0, %c0_i32 : i32, i32
  }
  func.func @transform_3(%arg0: i32) -> (i32, i32) {
    %c0_i32 = arith.constant 0 : i32
    %c0_i32_0 = arith.constant 0 : i32
    %c0_i32_1 = arith.constant 0 : i32
    return %c0_i32, %c0_i32_0 : i32, i32
  }
  func.func @transform_4(%arg0: i32) -> (i32, i32) {
    %c0_i32 = arith.constant 0 : i32
    %c0_i32_0 = arith.constant 0 : i32
    %c0_i32_1 = arith.constant 0 : i32
    return %c0_i32, %c0_i32_0 : i32, i32
  }
  func.func @transform_5(%arg0: i32) -> (i32, i32) {
    %c0_i32 = arith.constant 0 : i32
    %c0_i32_0 = arith.constant 0 : i32
    return %arg0, %c0_i32 : i32, i32
  }
}

module attributes {stable_mosaic.version = 14 : i64} {
  func.func @_fin_body(%arg0: i32, %arg1: memref<2x2000x128xf32, #tpu.memory_space<vmem>>, %arg2: memref<2000x128xf32, #tpu.memory_space<vmem>>, %arg3: memref<2000x1xf32, #tpu.memory_space<vmem>>, %arg4: memref<1x128xf32, #tpu.memory_space<vmem>>, %arg5: memref<2000x128xf32, #tpu.memory_space<vmem>>) attributes {dimension_semantics = [#tpu.dimension_semantics<arbitrary>], iteration_bounds = array<i64: 5>, scalar_prefetch = 0 : i64, scratch_operands = 0 : i64, tpu.core_type = #tpu.core_type<tc>, window_params = [{transform_indices = @transform_0, window_bounds = array<i64: 2, 2000, 128>}, {transform_indices = @transform_1, window_bounds = array<i64: 2000, 128>}, {transform_indices = @transform_2, window_bounds = array<i64: 2000, 1>}, {pipeline_mode = #tpu.pipeline_mode<synchronous>, transform_indices = @transform_3, window_bounds = array<i64: 1, 128>}, {transform_indices = @transform_4, window_bounds = array<i64: 2000, 128>}]} {
    %get3A = arith.constant 0 : index
    %get3A_0 = arith.constant 0 : index
    %get3A_1 = arith.constant 0 : index
    %get3A_2 = vector.load %arg1[%get3A, %get3A_0, %get3A_1] : memref<2x2000x128xf32, #tpu.memory_space<vmem>>, vector<1x2000x128xf32>
    %get3A_3 = vector.shape_cast %get3A_2 : vector<1x2000x128xf32> to vector<2000x128xf32>
    %get3A_4 = arith.constant 1 : index
    %get3A_5 = arith.constant 0 : index
    %get3A_6 = arith.constant 0 : index
    %get3A_7 = vector.load %arg1[%get3A_4, %get3A_5, %get3A_6] : memref<2x2000x128xf32, #tpu.memory_space<vmem>>, vector<1x2000x128xf32>
    %get3A_8 = vector.shape_cast %get3A_7 : vector<1x2000x128xf32> to vector<2000x128xf32>
    %add3A = arith.addf %get3A_3, %get3A_8 : vector<2000x128xf32>
    %get3A_9 = arith.constant 0 : index
    %get3A_10 = arith.constant 0 : index
    %get3A_11 = vector.load %arg3[%get3A_9, %get3A_10] : memref<2000x1xf32, #tpu.memory_space<vmem>>, vector<2000x1xf32>
    %get3A_12 = arith.constant 0 : index
    %get3A_13 = arith.constant 0 : index
    %get3A_14 = vector.load %arg2[%get3A_12, %get3A_13] : memref<2000x128xf32, #tpu.memory_space<vmem>>, vector<2000x128xf32>
    %add3A_15 = arith.addf %add3A, %get3A_14 : vector<2000x128xf32>
    %mul3A = vector.broadcast %get3A_11 : vector<2000x1xf32> to vector<2000x128xf32>
    %mul3A_16 = arith.mulf %mul3A, %add3A_15 : vector<2000x128xf32>
    %get3A_17 = arith.constant 0 : index
    %get3A_18 = arith.constant 0 : index
    %get3A_19 = vector.load %arg4[%get3A_17, %get3A_18] : memref<1x128xf32, #tpu.memory_space<vmem>>, vector<1x128xf32>
    %add3A_20 = vector.broadcast %get3A_19 : vector<1x128xf32> to vector<2000x128xf32>
    %add3A_21 = arith.addf %mul3A_16, %add3A_20 : vector<2000x128xf32>
    %swap3A = arith.constant 0 : index
    %swap3A_22 = arith.constant 0 : index
    %swap3A_23 = vector.load %arg5[%swap3A, %swap3A_22] : memref<2000x128xf32, #tpu.memory_space<vmem>>, vector<2000x128xf32>
    tpu.vector_store %arg5[%swap3A, %swap3A_22], %add3A_21 {strides = array<i32>} : memref<2000x128xf32, #tpu.memory_space<vmem>>, vector<2000x128xf32>,
    return
  }
  func.func @transform_0(%arg0: i32) -> (i32, i32, i32) {
    %c0_i32 = arith.constant 0 : i32
    %c0_i32_0 = arith.constant 0 : i32
    %c0_i32_1 = arith.constant 0 : i32
    return %c0_i32, %arg0, %c0_i32_0 : i32, i32, i32
  }
  func.func @transform_1(%arg0: i32) -> (i32, i32) {
    %c0_i32 = arith.constant 0 : i32
    %c0_i32_0 = arith.constant 0 : i32
    return %arg0, %c0_i32 : i32, i32
  }
  func.func @transform_2(%arg0: i32) -> (i32, i32) {
    %c0_i32 = arith.constant 0 : i32
    %c0_i32_0 = arith.constant 0 : i32
    return %arg0, %c0_i32 : i32, i32
  }
  func.func @transform_3(%arg0: i32) -> (i32, i32) {
    %c0_i32 = arith.constant 0 : i32
    %c0_i32_0 = arith.constant 0 : i32
    %c0_i32_1 = arith.constant 0 : i32
    return %c0_i32, %c0_i32_0 : i32, i32
  }
  func.func @transform_4(%arg0: i32) -> (i32, i32) {
    %c0_i32 = arith.constant 0 : i32
    %c0_i32_0 = arith.constant 0 : i32
    return %arg0, %c0_i32 : i32, i32
  }
}

</mosaic_0001>

<sc_bundles>
// kernel: kernel.12.cloned.1.call-start
scs
__scs_entry_jumppad:
0x0: {  	(pc) =	sbr.rel $0x88, $3  }
0x1: {  	(tag) =	ssettag $0x0;
	lr =	simm.s32 $0x1  }
0x2: {  	[smem:$0x3F9B] =	sst lr;
	_ =	strace $0xD0000000  }
0x3: {  	_ = 	snop  }
0x4: {  	_ = 	snop  }
0x5: {  	_ = 	snop  }
0x6: {  	_ = 	snop  }
0x7: {  	_ = 	snop  }
__scs_overlays_trampoline_lowered:
0x8: {  	[smem:$0x3FAA] =	sst s0  }
0x9: {  	[smem:$0x3FAB] =	sst s1  }
0xa: {  	[smem:$0x3FAC] =	sst s2  }
0xb: {  	[smem:$0x3FAD] =	sst s3  }
0xc: {  	[smem:$0x3FAE] =	sst s4  }
0xd: {  	[smem:$0x3FAF] =	sst s5  }
0xe: {  	[smem:$0x3FB0] =	sst s6  }
0xf: {  	[smem:$0x3FB1] =	sst s7  }
0x10: {  	[smem:$0x3FB2] =	sst s8  }
0x11: {  	[smem:$0x3FB3] =	sst s9;
	s0 =	simm.s32 @!p0 $0x0  }
0x12: {  	s1 =	sld [smem:$0x3F99];
	s0 =	simm.s32 @p0 $0x1  }
0x13: {  	[smem:$0x3FB4] =	sst s0;
	s0 =	simm.s32 @!p1 $0x0  }
0x14: {  	s2 =	sld [smem:$0x3F98];
	s0 =	simm.s32 @p1 $0x1  }
0x15: {  	[smem:$0x3FB5] =	sst s0;
	s0 =	simm.s32 @!p2 $0x0  }
0x16: {  	s3 =	sld [smem:$0x3FDB];
	s0 =	simm.s32 @p2 $0x1  }
0x17: {  	s4 =	simm.s32 $0x1BF5;
	[smem:$0x3FB7] =	sst s0  }
0x18: {  	s0 =	sld [smem:$0x3F9A];
	_ =	swait.ge [sflag:s4], $0x0  }
0x19: {  	s7 =	sld [smem:$0x3F9B]  }
0x1a: {  	s8 =	sadd.s32 $0xFFFFE003, lr  }
0x1b: {  	s9 =	sadd.s32 $0xFFFFFEF7, lr;
	s5 =	simm.s32 $0xFFFFFFFF;
	p2 =	slt.u32 s8, $0xFFFFF086  }
0x1c: {  	p1 =	slt.u32 s9, $0xF7A;
	s5 =	simm.s32 @!p2 $0x0  }
0x1d: {  	s5 =	simm.s32 @p1 $0x1;
	p0 =	seq.s32 s7, s2  }
0x1e: {  	s7 =	smul.u32 @!p0 $0xF7A, s2;
	p2 =	seq.s32 @!p0 s5, $0x0  }
0x1f: {  	s9 =	smul.u32 $0xF7A, s1;
	s8 =	simm.s32 @!p0 $0x1BF5;
	p2 =	por !p2, p0  }
0x20: {  	[sflag:s8] =	ssyncset.s32 @!p0 $0xFFFFF086;
	s6 =	sadd.s32 @!p0 s3, s7;
	s7 =	simm.s32 @!p0 $0x108  }
0x21: {  	s3 =	sadd.s32 s3, s9;
	s6 =	sadd.s32 @!p0 $0x88, s6;
	s7 =	simm.s32 @p2 $0x1082  }
0x22: {  	[simem:s7], [sflag:s8] =	dma.local @!p0 [hbm:s6], $0xF7A  }
0x23: {  	s9 =	sor.u32 $0xD0000000, s2;
	s6 =	simm.s32 $0x108;
	_ =	swait.ge @!p0 [sflag:s8], $0x0  }
0x24: {  	s3 =	sadd.s32 $0x88, s3;
	s6 =	simm.s32 @!p1 $0x1082;
	[sflag:s4] =	ssyncset.s32 $0xFFFFF086  }
0x25: {  	[simem:s6], [sflag:s4] =	dma.local [hbm:s3], $0xF7A  }
0x26: {  	[smem:$0x3F9B] =	sst s1;
	(tag) =	ssettag s2;
	_ =	strace s9  }
0x27: {  	s1 =	sld [smem:$0x3FAB]  }
0x28: {  	s2 =	sld [smem:$0x3FAC]  }
0x29: {  	s4 =	sld [smem:$0x3FAE]  }
0x2a: {  	p0 =	seq.s32 s5, $0x0;
	s5 =	sld [smem:$0x3FAF]  }
0x2b: {  	s6 =	sld [smem:$0x3FB0]  }
0x2c: {  	s7 =	sld [smem:$0x3FB1]  }
0x2d: {  	s3 =	simm.s32 $0x108;
	s8 =	sld [smem:$0x3FB2]  }
0x2e: {  	s3 =	simm.s32 @!p0 $0x1082;
	s9 =	sld [smem:$0x3FB3]  }
0x2f: {  	lr =	sadd.s32 s0, s3;
	s0 =	sld [smem:$0x3FAA]  }
0x30: {  	s3 =	sld [smem:$0x3FAD]  }
0x31: {  	[smem:$0x3FB6] =	sst s10  }
0x32: {  	s10 =	sld [smem:$0x3FB4];
	_ =	sdelay $0x3  }
0x33: {  	p0 =	seq.s32 s10, $0x1;
	s10 =	sld [smem:$0x3FB6];
	_ =	sdelay $0x3  }
0x34: {  	[smem:$0x3FB6] =	sst s10  }
0x35: {  	s10 =	sld [smem:$0x3FB5];
	_ =	sdelay $0x3  }
0x36: {  	p1 =	seq.s32 s10, $0x1;
	s10 =	sld [smem:$0x3FB6];
	_ =	sdelay $0x3  }
0x37: {  	[smem:$0x3FB6] =	sst s10  }
0x38: {  	s10 =	sld [smem:$0x3FB7]  }
0x39: {  	_ = 	snop;
	(pc) =	sbr.ind lr, $3  }
0x3a: {  	_ = 	snop  }
0x3b: {  	_ = 	snop  }
0x3c: {  	p2 =	seq.s32 s10, $0x1;
	s10 =	sld [smem:$0x3FB6]  }
0x3d: {  	_ =	shalt  }
0x3e: {  	_ =	shalt  }
0x3f: {  	_ =	shalt  }
0x40: {  	_ =	shalt  }
0x41: {  	_ =	shalt  }
0x42: {  	_ =	shalt  }
0x43: {  	_ =	shalt  }
0x44: {  	_ =	shalt  }
0x45: {  	_ =	shalt  }
0x46: {  	_ =	shalt  }
0x47: {  	_ =	shalt  }
0x48: {  	_ =	shalt  }
0x49: {  	_ =	shalt  }
0x4a: {  	_ =	shalt  }
0x4b: {  	_ =	shalt  }
0x4c: {  	_ =	shalt  }
0x4d: {  	_ =	shalt  }
0x4e: {  	_ =	shalt  }
0x4f: {  	_ =	shalt  }
0x50: {  	_ =	shalt  }
0x51: {  	_ =	shalt  }
0x52: {  	_ =	shalt  }
0x53: {  	_ =	shalt  }
0x54: {  	_ =	shalt  }
0x55: {  	_ =	shalt  }
0x56: {  	_ =	shalt  }
0x57: {  	_ =	shalt  }
0x58: {  	_ =	shalt  }
0x59: {  	_ =	shalt  }
0x5a: {  	_ =	shalt  }
0x5b: {  	_ =	shalt  }
0x5c: {  	_ =	shalt  }
0x5d: {  	_ =	shalt  }
0x5e: {  	_ =	shalt  }
0x5f: {  	_ =	shalt  }
0x60: {  	_ =	shalt  }
0x61: {  	_ =	shalt  }
0x62: {  	_ =	shalt  }
0x63: {  	_ =	shalt  }
0x64: {  	_ =	shalt  }
0x65: {  	_ =	shalt  }
0x66: {  	_ =	shalt  }
0x67: {  	_ =	shalt  }
0x68: {  	_ =	shalt  }
0x69: {  	_ =	shalt  }
0x6a: {  	_ =	shalt  }
0x6b: {  	_ =	shalt  }
0x6c: {  	_ =	shalt  }
0x6d: {  	_ =	shalt  }
0x6e: {  	_ =	shalt  }
0x6f: {  	_ =	shalt  }
0x70: {  	_ =	shalt  }
0x71: {  	_ =	shalt  }
0x72: {  	_ =	shalt  }
0x73: {  	_ =	shalt  }
0x74: {  	_ =	shalt  }
0x75: {  	_ =	shalt  }
0x76: {  	_ =	shalt  }
0x77: {  	_ =	shalt  }
0x78: {  	_ =	shalt  }
0x79: {  	_ =	shalt  }
0x7a: {  	_ =	shalt  }
0x7b: {  	_ =	shalt  }
0x7c: {  	_ =	shalt  }
0x7d: {  	_ =	shalt  }
0x7e: {  	_ =	shalt  }
0x7f: {  	_ =	shalt  }
0x80: {  	_ =	shalt  }
0x81: {  	_ =	shalt  }
0x82: {  	_ =	shalt  }
0x83: {  	_ =	shalt  }
0x84: {  	_ =	shalt  }
0x85: {  	_ =	shalt  }
0x86: {  	_ =	shalt  }
0x87: {  	_ =	shalt  }
.Lfunc_end0:
.L_simem_size_0:
called_computation.1_lowered:
.L_overlay_start_0:
0x88: {  	s2 =	sld [smem:$0x3FD9]  }
0x89: {  	s3 =	sld [smem:$0x3FFE];
	_ =	sdelay $0x1  }
0x8a: {  	s1 =	srdreg.scid  }
0x8b: {  	s0 =	sand.u32 $0x1, s1  }
0x8c: {  	s17 =	sshll.u32 s0, $0xA;
	s2 =	sadd.s32 s3, s2  }
0x8d: {  	s2 =	sadd.s32 s2, s17  }
0x8e: {  	[smem:$0x3FC2] =	sst s2  }
0x8f: {  	_ = 	snop  }
0x90: {  	s2 =	sld [smem:$0x3FD0];
	(tm) =	ssettm $0x1  }
0x91: {  	s18 =	sld [smem:$0x3FFB];
	_ =	sdelay $0x3  }
0x92: {  	_ =	strace s18  }
0x93: {  	s3 =	sld [smem:$0x3FFC];
	_ =	sdelay $0x3  }
0x94: {  	_ =	strace s3  }
0x95: {  	s3 =	sld [smem:$0x3FFD];
	_ =	sdelay $0x3  }
0x96: {  	_ =	strace s3  }
0x97: {  	_ =	strace $0x8FFFFFFF  }
0x98: {  	s19 =	sld [smem:$0x3FDB];
	_ =	sdelay $0x1  }
0x99: {  	s4 =	simm.s32 $_scs_section_size  }
0x9a: {  	s5 =	simm.s32 $_size__tile_overlayer_lowered;
	s6 =	simm.s32 $_tile_overlayer_lowered  }
0x9b: {  	s22 =	simm.s32 $0x1BFF;
	s21 =	sshll.u32 s6, $0x1;
	s3 =	sadd.s32 s4, s19  }
0x9c: {  	s7 =	simm.s32 $0x0;
	s20 =	sshll.u32 s5, $0x1;
	s5 =	sadd.s32 s21, s3  }
0x9d: {  	[timem:s7], [sflag:s22] =	dma.local [hbm:s5], s20  }
0x9e: {  	_ =	swait.ge [sflag:s22], s20  }
0x9f: {  	s4 =	ssub.s32 $0x0, s20;
	[sflag:s22] =	ssyncset.done $0x0  }
0xa0: {  	[sflag:s22] =	ssyncadd.s32 s4;
	_ =	sdelay $0x1  }
0xa1: {  	s23 =	simm.s32 $0x1B8B  }
0xa2: {  	_ =	swait.ge [sflag:s23], $0x1  }
0xa3: {  	[sflag:s23] =	ssyncset.done $0x0  }
0xa4: {  	s25 =	simm.s32 $0x1B8E;
	s24 =	sld [smem:$0x3FFE];
	[sflag:s23] =	ssyncadd.s32 $0xFFFFFFFF  }
0xa5: {  	s26 =	simm.s32 $execute0_lowered;
	[smem:$0x3FD2] =	sst s25  }
0xa6: {  	s5 =	sshll.u32 s26, $0x1;
	_ =	strace $0x80000049;
	[dreg:$0x1] =	wrdreg $0xFFFFFFFF  }
0xa7: {  	s28 =	simm.s32 $_size_execute0_lowered;
	s3 =	sadd.s32 s3, s5;
	[dreg:$0x0] =	wrdreg $0x0  }
0xa8: {  	s5 =	sshll.u32 s28, $0x1;
	[dreg:$0x2] =	wrdreg s3  }
0xa9: {  	[dreg:$0x3] =	wrdreg s5  }
0xaa: {  	[dreg:$0x4] =	wrdreg $0xC0  }
0xab: {  	_ =	task [dreg:s7], $0x5FFFF  }
0xac: {  	[dreg:$0x1] =	wrdreg $0xFFFFFFFF  }
0xad: {  	[dreg:$0x0] =	wrdreg $0x60  }
0xae: {  	[dreg:$0x2] =	wrdreg s2  }
0xaf: {  	[dreg:$0x3] =	wrdreg s24  }
0xb0: {  	[dreg:$0x4] =	wrdreg $0x4A000  }
0xb1: {  	[dreg:$0x5] =	wrdreg $0x9  }
0xb2: {  	_ =	task.clear_ibuf [dreg:s7], $0x6FFFF;
	_ =	strace $0x90000049  }
0xb3: {  	s29 =	simm.s32 $0x9;
	_ =	strace $0x8000004B  }
0xb4: {  	_ =	swait.ge [sflag:s29], $0x1  }
0xb5: {  	[sflag:s29] =	ssyncadd.s32 $0xFFFFFFFF  }
0xb6: {  	_ =	strace $0x9000004B  }
0xb7: {  	_ =	sfence  }
0xb8: {  	s30 =	sld [smem:$0x0];
	_ =	sdelay $0x2  }
0xb9: {  	s31 =	sshll.u32 s1, $0xD;
	s1 =	sshrl.u32 s1, $0x2  }
0xba: {  	s3 =	sand.u32 $0x4000, s31;
	s1 =	sadd.s32 s1, s30  }
0xbb: {  	s0 =	sor.u32 s3, s0;
	s1 =	sshll.u32 s1, $0x11  }
0xbc: {  	s0 =	sor.u32 s1, s0  }
0xbd: {  	s0 =	sadd.s32 $0x8F2B, s0  }
0xbe: {  	[sflag:s0] =	ssyncadd.remote.s32 $0x1  }
0xbf: {  	_ =	sfence.sel $0xFFFF  }
0xc0: {  	[dreg:$0x0] =	wrdreg $0xFFFFFFFF;
	(pc) =	sbr.abs _section_cstart, $3  }
0xc1: {  	[dreg:$0x1] =	wrdreg $0xFFFFFFFF  }
0xc2: {  	_ =	task.clear_ibuf [dreg:s7], $0x2FFFF;
	_ =	strace $0x9FFFFFFF  }
0xc3: {  	(tm) =	ssettm $0x7FFFFFFF  }
tec
execute0_lowered:
.L_overlay_start_1:
0x0: {  	(tag) =	ssettag $0x1  }
0x1: {  	s1 =	rddreg [dreg:$0x0]  }
0x2: {  	s5 =	rddreg [dreg:$0x1]  }
0x3: {  	s2 =	rddreg [dreg:$0x2];
	s4 =	simm.s32 $0x0  }
0x4: {  	s6 =	srdreg.scid;
	s0 =	stileid.u32;
	s28 =	simm.s32 $0x4200  }
0x5: {  	s29 =	simm.s32 $0x0;
	[smem:$0x7FF] =	sst s4;
	s14 =	sand.u32 $0x1, s6  }
0x6: {  	s19 =	sadd.s32 $0x2400, s5;
	s7 =	smul.u32 $0x50000, s0;
	s18 =	sadd.s32 $0xC200, s5  }
0x7: {  	s9 =	smul.u32 $0x14000, s0;
	s16 =	sadd.s32 $0x16000, s5;
	s22 =	sshll.u32 s0, $0x1  }
0x8: {  	_ =	strace $0x8000004A;
	s6 =	ssub.s32 $0x2, s14;
	s23 =	sor.u32 s14, s22  }
0x9: {  	s21 =	smul.u32 $0x140000, s14;
	s8 =	sshrl.u32 s6, $0x1;
	s24 =	sshrl.u32 s7, $0x2  }
0xa: {  	s13 =	sadd.s32 $0x4000, s9;
	s10 =	smul.u32 $0x2710, s23;
	s15 =	sadd.s32 $0x8000, s9  }
0xb: {  	s20 =	sadd.s32 $0xC000, s9;
	s22 =	sadd.s32 $0x10000, s9;
	s23 =	smul.u32 $0x4E20, s0  }
0xc: {  	s17 =	ssub.s32 s6, s8;
	s5 =	sadd.s32 s24, s2;
	s6 =	sadd.s32 s13, s2  }
0xd: {  	s7 =	sadd.s32 s15, s2;
	s8 =	sadd.s32 s20, s2;
	s12 =	sadd.s32 s9, s21  }
0xe: {  	s9 =	sadd.s32 s22, s2;
	s13 =	sadd.s32 s21, s13;
	s15 =	sadd.s32 s21, s15  }
0xf: {  	s24 =	smul.u32 $0x2710, s14;
	s25 =	sadd.s32 s21, s20;
	s26 =	sadd.s32 s21, s22  }
0x10: {  	s21 =	simm.s32 $0x2;
	s22 =	simm.s32 $0x80;
	s10 =	sshrl.u32 s10, $0x3  }
0x11: {  	s12 =	sshrl.u32 s12, $0x3;
	s13 =	sshrl.u32 s13, $0x3;
	s15 =	sshrl.u32 s15, $0x3  }
0x12: {  	s20 =	sshrl.u32 s26, $0x3;
	s17 =	smax.u32 s17, $0x1;
	s26 =	simm.s32 $0x10  }
0x13: {  	s11 =	sadd.s32 $0x4E0, s10;
	s12 =	sadd.s32 s16, s12;
	s13 =	sadd.s32 s16, s13  }
0x14: {  	s14 =	sadd.s32 s16, s15;
	s15 =	sshrl.u32 s25, $0x3;
	s30 =	sadd.s32 s24, s23  }
0x15: {  	s23 =	simm.s32 $0x1;
	s24 =	simm.s32 $0x100;
	s25 =	simm.s32 $0x180  }
0x16: {  	s3 =	sadd.s32 s19, s11;
	s11 =	sadd.s32 s18, s11;
	s15 =	sadd.s32 s16, s15  }
0x17: {  	s16 =	sadd.s32 s16, s20;
	s31 =	sshrl.u32 s30, $0x3;
	s20 =	simm.s32 $0x200  }
0x18: {  	v0 =	vimm.f32 $0.0e+00;
	[dreg:$0x4] =	wrdreg s3;
	s18 =	sadd.s32 s31, s18;
	s19 =	sadd.s32 s31, s19  }
.LBB2_1:
0x19: {  	s30 =	simm.s32 $0x0;
	s31 =	simm.s32 $0x200  }
.LBB2_2:
0x1a: {  	p0 =	sne.s32 s31, $0xFE00;
	[tilespmem:s30+$0x270] =	vst v0  }
0x1b: {  	[tilespmem:s30+$0x200] =	vst v0  }
0x1c: {  	[tilespmem:s30+$0x210] =	vst v0  }
.Ltmp0:
0x1d: {  	[tilespmem:s30+$0x220] =	vst v0;
	(pc) =	sbr.rel @p0 .LBB2_2-.Ltmp0, $4  }
0x1e: {  	[tilespmem:s30+$0x230] =	vst v0  }
0x1f: {  	[tilespmem:s30+$0x240] =	vst v0  }
0x20: {  	[tilespmem:s30+$0x250] =	vst v0  }
0x21: {  	[tilespmem:s30+$0x260] =	vst v0;
	s30 =	sshra.s32 s31, $0x2;
	s31 =	sadd.s32 $0x200, s31  }
0x22: {  	[tilespmem:s30+$0x270] =	vst v0  }
0x23: {  	[tilespmem:s30+$0x200] =	vst v0  }
0x24: {  	[tilespmem:s30+$0x210] =	vst v0  }
0x25: {  	[tilespmem:s30+$0x220] =	vst v0  }
0x26: {  	[tilespmem:s30+$0x230] =	vst v0  }
0x27: {  	[tilespmem:s30+$0x240] =	vst v0  }
0x28: {  	[tilespmem:s30+$0x250] =	vst v0  }
0x29: {  	[tilespmem:s30+$0x260] =	vst v0  }
0x2a: {  	[spmem:s5] =	stream.linear.scatter [tilespmem:s20], [sflag:$0x2], $0x4000, $0x38;
	[tilespmem:$0x18A00] =	vst v63  }
0x2b: {  	_ =	swait.ge [sflag:s21], $0x4000  }
0x2c: {  	[sflag:s21] =	ssyncset.done $0x0  }
0x2d: {  	[sflag:s21] =	ssyncadd.s32 $0xFFFFC000  }
0x2e: {  	[spmem:s6] =	stream.linear.scatter [tilespmem:s20], [sflag:$0x2], $0x4000, $0x38;
	[tilespmem:$0x18A00] =	vst v63  }
0x2f: {  	_ =	swait.ge [sflag:s21], $0x4000  }
0x30: {  	[sflag:s21] =	ssyncset.done $0x0  }
0x31: {  	[sflag:s21] =	ssyncadd.s32 $0xFFFFC000  }
0x32: {  	[spmem:s7] =	stream.linear.scatter [tilespmem:s20], [sflag:$0x2], $0x4000, $0x38;
	[tilespmem:$0x18A00] =	vst v63  }
0x33: {  	_ =	swait.ge [sflag:s21], $0x4000  }
0x34: {  	[sflag:s21] =	ssyncset.done $0x0  }
0x35: {  	[sflag:s21] =	ssyncadd.s32 $0xFFFFC000  }
0x36: {  	[spmem:s8] =	stream.linear.scatter [tilespmem:s20], [sflag:$0x2], $0x4000, $0x38;
	[tilespmem:$0x18A00] =	vst v63  }
0x37: {  	_ =	swait.ge [sflag:s21], $0x4000  }
0x38: {  	[sflag:s21] =	ssyncset.done $0x0  }
0x39: {  	[sflag:s21] =	ssyncadd.s32 $0xFFFFC000  }
0x3a: {  	[spmem:s9] =	stream.linear.scatter [tilespmem:s20], [sflag:$0x2], $0x4000, $0x38;
	[tilespmem:$0x18A00] =	vst v63  }
0x3b: {  	_ =	swait.ge [sflag:s21], $0x4000  }
0x3c: {  	[sflag:s21] =	ssyncset.done $0x0  }
0x3d: {  	[sflag:s21] =	ssyncadd.s32 $0xFFFFC000  }
0x3e: {  	s30 =	sadd.s32 $0x0, s19;
	[bflag:$0x0] =	sbarrier.arrive $0xFFFF  }
0x3f: {  	[tilespmem:s4], [sflag:$0x2] =	stream.linear.gather [hbm4b:s30+s4], $0x80, $0x38;
	[tilespmem:$0x18A00] =	vst v63  }
0x40: {  	_ =	swait.ge [sflag:s21], $0x80  }
0x41: {  	[sflag:s21] =	ssyncset.done $0x0  }
0x42: {  	s30 =	sadd.s32 $0x0, s18;
	[sflag:s21] =	ssyncadd.s32 $0xFFFFFF80  }
0x43: {  	[tilespmem:s22], [sflag:$0x2] =	stream.linear.gather [hbm4b:s30+s4], $0x80, $0x38;
	[tilespmem:$0x18A00] =	vst v63  }
0x44: {  	_ =	swait.ge [sflag:s21], $0x80  }
0x45: {  	[sflag:s21] =	ssyncset.done $0x0  }
0x46: {  	[sflag:s21] =	ssyncadd.s32 $0xFFFFFF80  }
0x47: {  	[tilespmem:s20], [sflag:$0x1] =	stream.indirect.gather [hbm4b:s1+s22], $0x80, s4, s22, $0xb8;
	[tilespmem:$0x18A00] =	vst v63  }
0x48: {  	_ =	swait.ge [sflag:s23], $0x4000  }
0x49: {  	[sflag:s23] =	ssyncset.done $0x0  }
0x4a: {  	[sflag:s23] =	ssyncadd.s32 $0xFFFFC000  }
0x4b: {  	[spmem:s2] =	stream.indirect.scatter.add.f32 [tilespmem:s20], [sflag:$0x2], $0x80, s22, s22, $0xb8;
	[tilespmem:$0x18A00] =	vst v63  }
0x4c: {  	_ =	swait.ge [sflag:s21], $0x4000  }
0x4d: {  	s31 =	simm.s32 $0x20;
	s30 =	simm.s32 $0x10;
	[sflag:s21] =	ssyncset.done $0x0  }
.LBB2_4:
0x4e: {  	s0 =	sadd.s32 s30, s19  }
0x4f: {  	[sflag:s21] =	ssyncadd.s32 $0xFFFFC000;
	s3 =	smov.u32 s31;
	s10 =	sadd.s32 $0x10, s31  }
0x50: {  	[tilespmem:s4], [sflag:$0x2] =	stream.linear.gather [hbm4b:s0+s4], $0x80, $0x38;
	[tilespmem:$0x18A00] =	vst v63  }
0x51: {  	p0 =	sne.s32 s31, $0x4D0;
	_ =	swait.ge [sflag:s21], $0x80  }
0x52: {  	[sflag:s21] =	ssyncset.done $0x0  }
0x53: {  	s0 =	sadd.s32 s30, s18;
	s30 =	smov.u32 s3;
	[sflag:s21] =	ssyncadd.s32 $0xFFFFFF80  }
0x54: {  	[tilespmem:s22], [sflag:$0x2] =	stream.linear.gather [hbm4b:s0+s4], $0x80, $0x38;
	[tilespmem:$0x18A00] =	vst v63  }
0x55: {  	_ =	swait.ge [sflag:s21], $0x80  }
0x56: {  	[sflag:s21] =	ssyncset.done $0x0  }
0x57: {  	[sflag:s21] =	ssyncadd.s32 $0xFFFFFF80  }
0x58: {  	[tilespmem:s20], [sflag:$0x1] =	stream.indirect.gather [hbm4b:s1+s22], $0x80, s4, s22, $0xb8;
	[tilespmem:$0x18A00] =	vst v63  }
0x59: {  	_ =	swait.ge [sflag:s23], $0x4000  }
.Ltmp1:
0x5a: {  	[sflag:s23] =	ssyncset.done $0x0;
	(pc) =	sbr.rel @p0 .LBB2_4-.Ltmp1, $4  }
0x5b: {  	[sflag:s23] =	ssyncadd.s32 $0xFFFFC000  }
0x5c: {  	[spmem:s2] =	stream.indirect.scatter.add.f32 [tilespmem:s20], [sflag:$0x2], $0x80, s22, s22, $0xb8;
	[tilespmem:$0x18A00] =	vst v63  }
0x5d: {  	_ =	swait.ge [sflag:s21], $0x4000  }
0x5e: {  	s31 =	smov.u32 s10;
	[sflag:s21] =	ssyncset.done $0x0  }
0x5f: {  	s0 =	sadd.s32 s30, s19;
	[sflag:s21] =	ssyncadd.s32 $0xFFFFC000  }
0x60: {  	[tilespmem:s4], [sflag:$0x2] =	stream.linear.gather [hbm4b:s0+s4], $0x80, $0x38;
	[tilespmem:$0x18A00] =	vst v63  }
0x61: {  	_ =	swait.ge [sflag:s21], $0x80  }
0x62: {  	[sflag:s21] =	ssyncset.done $0x0  }
0x63: {  	s30 =	sadd.s32 s30, s18;
	[sflag:s21] =	ssyncadd.s32 $0xFFFFFF80  }
0x64: {  	[tilespmem:s22], [sflag:$0x2] =	stream.linear.gather [hbm4b:s30+s4], $0x80, $0x38;
	[tilespmem:$0x18A00] =	vst v63  }
0x65: {  	_ =	swait.ge [sflag:s21], $0x80  }
0x66: {  	[sflag:s21] =	ssyncset.done $0x0  }
0x67: {  	[sflag:s21] =	ssyncadd.s32 $0xFFFFFF80  }
0x68: {  	[tilespmem:s20], [sflag:$0x1] =	stream.indirect.gather [hbm4b:s1+s22], $0x80, s4, s22, $0xb8;
	[tilespmem:$0x18A00] =	vst v63  }
0x69: {  	_ =	swait.ge [sflag:s23], $0x4000  }
0x6a: {  	[sflag:s23] =	ssyncset.done $0x0  }
0x6b: {  	[sflag:s23] =	ssyncadd.s32 $0xFFFFC000  }
0x6c: {  	[spmem:s2] =	stream.indirect.scatter.add.f32 [tilespmem:s20], [sflag:$0x2], $0x80, s22, s22, $0xb8;
	[tilespmem:$0x18A00] =	vst v63  }
0x6d: {  	_ =	swait.ge [sflag:s21], $0x4000  }
0x6e: {  	[sflag:s21] =	ssyncset.done $0x0  }
0x6f: {  	s31 =	rddreg [dreg:$0x4];
	[sflag:s21] =	ssyncadd.s32 $0xFFFFC000  }
0x70: {  	[tilespmem:s24], [sflag:$0x2] =	stream.linear.gather [hbm4b:s31+s4], $0x10, $0x38;
	[tilespmem:$0x18A00] =	vst v63  }
0x71: {  	_ =	swait.ge [sflag:s21], $0x10  }
0x72: {  	[sflag:s21] =	ssyncset.done $0x0  }
0x73: {  	[sflag:s21] =	ssyncadd.s32 $0xFFFFFFF0  }
0x74: {  	[tilespmem:s25], [sflag:$0x2] =	stream.linear.gather [hbm4b:s11+s4], $0x10, $0x38;
	[tilespmem:$0x18A00] =	vst v63  }
0x75: {  	_ =	swait.ge [sflag:s21], $0x10  }
0x76: {  	[sflag:s21] =	ssyncset.done $0x0  }
0x77: {  	[sflag:s21] =	ssyncadd.s32 $0xFFFFFFF0  }
0x78: {  	[tilespmem:s28], [sflag:$0x1] =	stream.indirect.gather [hbm4b:s1+s26], $0x80, s24, s26, $0xb8;
	[tilespmem:$0x18A00] =	vst v63  }
0x79: {  	_ =	swait.ge [sflag:s23], $0x800  }
0x7a: {  	[sflag:s23] =	ssyncset.done $0x0  }
0x7b: {  	[sflag:s23] =	ssyncadd.s32 $0xFFFFF800  }
0x7c: {  	[spmem:s2] =	stream.indirect.scatter.add.f32 [tilespmem:s28], [sflag:$0x2], $0x80, s25, s26, $0xb8;
	[tilespmem:$0x18A00] =	vst v63  }
0x7d: {  	_ =	swait.ge [sflag:s21], $0x800  }
0x7e: {  	[sflag:s21] =	ssyncset.done $0x0  }
0x7f: {  	[sflag:s21] =	ssyncadd.s32 $0xFFFFF800  }
0x80: {  	[bflag:$0x0] =	sbarrier.arrive $0xFFFF  }
0x81: {  	[tilespmem:s20], [sflag:$0x2] =	stream.linear.gather [spmem:s5], $0x4000, $0x38;
	[tilespmem:$0x18A00] =	vst v63  }
0x82: {  	_ =	swait.ge [sflag:s21], $0x4000  }
0x83: {  	[sflag:s21] =	ssyncset.done $0x0  }
0x84: {  	[sflag:s21] =	ssyncadd.s32 $0xFFFFC000  }
0x85: {  	[hbm4b:s12+s4] =	stream.linear.scatter [tilespmem:s20], [sflag:$0x2], $0x4000, $0x38;
	[tilespmem:$0x18A00] =	vst v63  }
0x86: {  	_ =	swait.ge [sflag:s21], $0x4000  }
0x87: {  	[sflag:s21] =	ssyncset.done $0x0  }
0x88: {  	[sflag:s21] =	ssyncadd.s32 $0xFFFFC000  }
0x89: {  	[tilespmem:s20], [sflag:$0x2] =	stream.linear.gather [spmem:s6], $0x4000, $0x38;
	[tilespmem:$0x18A00] =	vst v63  }
0x8a: {  	_ =	swait.ge [sflag:s21], $0x4000  }
0x8b: {  	[sflag:s21] =	ssyncset.done $0x0  }
0x8c: {  	[sflag:s21] =	ssyncadd.s32 $0xFFFFC000  }
0x8d: {  	[hbm4b:s13+s4] =	stream.linear.scatter [tilespmem:s20], [sflag:$0x2], $0x4000, $0x38;
	[tilespmem:$0x18A00] =	vst v63  }
0x8e: {  	_ =	swait.ge [sflag:s21], $0x4000  }
0x8f: {  	[sflag:s21] =	ssyncset.done $0x0  }
0x90: {  	[sflag:s21] =	ssyncadd.s32 $0xFFFFC000  }
0x91: {  	[tilespmem:s20], [sflag:$0x2] =	stream.linear.gather [spmem:s7], $0x4000, $0x38;
	[tilespmem:$0x18A00] =	vst v63  }
0x92: {  	_ =	swait.ge [sflag:s21], $0x4000  }
0x93: {  	[sflag:s21] =	ssyncset.done $0x0  }
0x94: {  	[sflag:s21] =	ssyncadd.s32 $0xFFFFC000  }
0x95: {  	[hbm4b:s14+s4] =	stream.linear.scatter [tilespmem:s20], [sflag:$0x2], $0x4000, $0x38;
	[tilespmem:$0x18A00] =	vst v63  }
0x96: {  	_ =	swait.ge [sflag:s21], $0x4000  }
0x97: {  	[sflag:s21] =	ssyncset.done $0x0  }
0x98: {  	[sflag:s21] =	ssyncadd.s32 $0xFFFFC000  }
0x99: {  	[tilespmem:s20], [sflag:$0x2] =	stream.linear.gather [spmem:s8], $0x4000, $0x38;
	[tilespmem:$0x18A00] =	vst v63  }
0x9a: {  	_ =	swait.ge [sflag:s21], $0x4000  }
0x9b: {  	[sflag:s21] =	ssyncset.done $0x0  }
0x9c: {  	[sflag:s21] =	ssyncadd.s32 $0xFFFFC000  }
0x9d: {  	[hbm4b:s15+s4] =	stream.linear.scatter [tilespmem:s20], [sflag:$0x2], $0x4000, $0x38;
	[tilespmem:$0x18A00] =	vst v63  }
0x9e: {  	_ =	swait.ge [sflag:s21], $0x4000  }
0x9f: {  	[sflag:s21] =	ssyncset.done $0x0  }
0xa0: {  	[sflag:s21] =	ssyncadd.s32 $0xFFFFC000  }
0xa1: {  	[tilespmem:s20], [sflag:$0x2] =	stream.linear.gather [spmem:s9], $0x4000, $0x38;
	[tilespmem:$0x18A00] =	vst v63  }
0xa2: {  	s29 =	sadd.s32 $0x1, s29;
	_ =	swait.ge [sflag:s21], $0x4000  }
0xa3: {  	p0 =	sne.s32 s29, s17;
	[sflag:s21] =	ssyncset.done $0x0  }
.Ltmp2:
0xa4: {  	[sflag:s21] =	ssyncadd.s32 $0xFFFFC000;
	(pc) =	sbr.rel @p0 .LBB2_1-.Ltmp2, $4  }
0xa5: {  	[hbm4b:s16+s4] =	stream.linear.scatter [tilespmem:s20], [sflag:$0x2], $0x4000, $0x38;
	[tilespmem:$0x18A00] =	vst v63  }
0xa6: {  	_ =	swait.ge [sflag:s21], $0x4000  }
0xa7: {  	[sflag:s21] =	ssyncset.done $0x0  }
0xa8: {  	[sflag:s21] =	ssyncadd.s32 $0xFFFFC000  }
0xa9: {  	_ =	sfence.sel $0x180000  }
0xaa: {  	[bflag:$0x0] =	sbarrier.arrive $0xFFFF  }
0xab: {  	_ =	strace $0x9000004A  }
0xac: {  	s0 =	stileid.u32;
	[bflag:$0x2] =	sbarrier.arrive $0xFFFF  }
0xad: {  	p0 =	sne.s32 s0, $0x0;
	s0 =	rddreg [dreg:$0x3]  }
0xae: {  	s0 =	sadd.s32 @!p0 $0x100000, s0  }
0xaf: {  	[sflag:s0] =	ssyncadd.tile.s32 @!p0 $0x1;
	_ =	shalt  }
.Lfunc_end2:
_tile_overlayer_lowered:
.L_overlay_start_2:
0xb0: {  	(tag) =	ssettag $0x2  }
0xb1: {  	s0 =	rddreg [dreg:$0x0];
	s2 =	stileid.u32  }
0xb2: {  	s1 =	rddreg [dreg:$0x1];
	p0 =	sne.s32 s2, $0x0  }
0xb3: {  	s3 =	rddreg [dreg:$0x2];
	[bflag:$0x3] =	sbarrier.arrive $0xFFFF;
	s2 =	simm.s32 @!p0 $0x1C02  }
0xb4: {  	[timem:s3], [sflag:s2] =	dma.local @!p0 [hbm:s0], s1  }
0xb5: {  	s0 =	simm.s32 @!p0 $0x2  }
0xb6: {  	_ =	swait.ge @!p0 [sflag:s0], s1  }
0xb7: {  	s1 =	ssub.s32 @!p0 $0x0, s1;
	[sflag:s0] =	ssyncset.done @!p0 $0x0  }
0xb8: {  	[sflag:s0] =	ssyncadd.s32 @!p0 s1  }
0xb9: {  	[bflag:$0x3] =	sbarrier.arrive $0xFFFF  }
0xba: {  	_ =	shalt  }

// kernel: kernel.15.cloned.1.call-start
scs
__scs_entry_jumppad:
0x0: {  	(pc) =	sbr.rel $0x88, $3  }
0x1: {  	(tag) =	ssettag $0x0;
	lr =	simm.s32 $0x1  }
0x2: {  	[smem:$0x3F9B] =	sst lr;
	_ =	strace $0xD0000000  }
0x3: {  	_ = 	snop  }
0x4: {  	_ = 	snop  }
0x5: {  	_ = 	snop  }
0x6: {  	_ = 	snop  }
0x7: {  	_ = 	snop  }
__scs_overlays_trampoline_lowered:
0x8: {  	[smem:$0x3FAA] =	sst s0  }
0x9: {  	[smem:$0x3FAB] =	sst s1  }
0xa: {  	[smem:$0x3FAC] =	sst s2  }
0xb: {  	[smem:$0x3FAD] =	sst s3  }
0xc: {  	[smem:$0x3FAE] =	sst s4  }
0xd: {  	[smem:$0x3FAF] =	sst s5  }
0xe: {  	[smem:$0x3FB0] =	sst s6  }
0xf: {  	[smem:$0x3FB1] =	sst s7  }
0x10: {  	[smem:$0x3FB2] =	sst s8  }
0x11: {  	[smem:$0x3FB3] =	sst s9;
	s0 =	simm.s32 @!p0 $0x0  }
0x12: {  	s1 =	sld [smem:$0x3F99];
	s0 =	simm.s32 @p0 $0x1  }
0x13: {  	[smem:$0x3FB4] =	sst s0;
	s0 =	simm.s32 @!p1 $0x0  }
0x14: {  	s2 =	sld [smem:$0x3F98];
	s0 =	simm.s32 @p1 $0x1  }
0x15: {  	[smem:$0x3FB5] =	sst s0;
	s0 =	simm.s32 @!p2 $0x0  }
0x16: {  	s3 =	sld [smem:$0x3FDB];
	s0 =	simm.s32 @p2 $0x1  }
0x17: {  	s4 =	simm.s32 $0x1BF5;
	[smem:$0x3FB7] =	sst s0  }
0x18: {  	s0 =	sld [smem:$0x3F9A];
	_ =	swait.ge [sflag:s4], $0x0  }
0x19: {  	s7 =	sld [smem:$0x3F9B]  }
0x1a: {  	s8 =	sadd.s32 $0xFFFFE003, lr  }
0x1b: {  	s9 =	sadd.s32 $0xFFFFFEF7, lr;
	s5 =	simm.s32 $0xFFFFFFFF;
	p2 =	slt.u32 s8, $0xFFFFF086  }
0x1c: {  	p1 =	slt.u32 s9, $0xF7A;
	s5 =	simm.s32 @!p2 $0x0  }
0x1d: {  	s5 =	simm.s32 @p1 $0x1;
	p0 =	seq.s32 s7, s2  }
0x1e: {  	s7 =	smul.u32 @!p0 $0xF7A, s2;
	p2 =	seq.s32 @!p0 s5, $0x0  }
0x1f: {  	s9 =	smul.u32 $0xF7A, s1;
	s8 =	simm.s32 @!p0 $0x1BF5;
	p2 =	por !p2, p0  }
0x20: {  	[sflag:s8] =	ssyncset.s32 @!p0 $0xFFFFF086;
	s6 =	sadd.s32 @!p0 s3, s7;
	s7 =	simm.s32 @!p0 $0x108  }
0x21: {  	s3 =	sadd.s32 s3, s9;
	s6 =	sadd.s32 @!p0 $0x88, s6;
	s7 =	simm.s32 @p2 $0x1082  }
0x22: {  	[simem:s7], [sflag:s8] =	dma.local @!p0 [hbm:s6], $0xF7A  }
0x23: {  	s9 =	sor.u32 $0xD0000000, s2;
	s6 =	simm.s32 $0x108;
	_ =	swait.ge @!p0 [sflag:s8], $0x0  }
0x24: {  	s3 =	sadd.s32 $0x88, s3;
	s6 =	simm.s32 @!p1 $0x1082;
	[sflag:s4] =	ssyncset.s32 $0xFFFFF086  }
0x25: {  	[simem:s6], [sflag:s4] =	dma.local [hbm:s3], $0xF7A  }
0x26: {  	[smem:$0x3F9B] =	sst s1;
	(tag) =	ssettag s2;
	_ =	strace s9  }
0x27: {  	s1 =	sld [smem:$0x3FAB]  }
0x28: {  	s2 =	sld [smem:$0x3FAC]  }
0x29: {  	s4 =	sld [smem:$0x3FAE]  }
0x2a: {  	p0 =	seq.s32 s5, $0x0;
	s5 =	sld [smem:$0x3FAF]  }
0x2b: {  	s6 =	sld [smem:$0x3FB0]  }
0x2c: {  	s7 =	sld [smem:$0x3FB1]  }
0x2d: {  	s3 =	simm.s32 $0x108;
	s8 =	sld [smem:$0x3FB2]  }
0x2e: {  	s3 =	simm.s32 @!p0 $0x1082;
	s9 =	sld [smem:$0x3FB3]  }
0x2f: {  	lr =	sadd.s32 s0, s3;
	s0 =	sld [smem:$0x3FAA]  }
0x30: {  	s3 =	sld [smem:$0x3FAD]  }
0x31: {  	[smem:$0x3FB6] =	sst s10  }
0x32: {  	s10 =	sld [smem:$0x3FB4];
	_ =	sdelay $0x3  }
0x33: {  	p0 =	seq.s32 s10, $0x1;
	s10 =	sld [smem:$0x3FB6];
	_ =	sdelay $0x3  }
0x34: {  	[smem:$0x3FB6] =	sst s10  }
0x35: {  	s10 =	sld [smem:$0x3FB5];
	_ =	sdelay $0x3  }
0x36: {  	p1 =	seq.s32 s10, $0x1;
	s10 =	sld [smem:$0x3FB6];
	_ =	sdelay $0x3  }
0x37: {  	[smem:$0x3FB6] =	sst s10  }
0x38: {  	s10 =	sld [smem:$0x3FB7]  }
0x39: {  	_ = 	snop;
	(pc) =	sbr.ind lr, $3  }
0x3a: {  	_ = 	snop  }
0x3b: {  	_ = 	snop  }
0x3c: {  	p2 =	seq.s32 s10, $0x1;
	s10 =	sld [smem:$0x3FB6]  }
0x3d: {  	_ =	shalt  }
0x3e: {  	_ =	shalt  }
0x3f: {  	_ =	shalt  }
0x40: {  	_ =	shalt  }
0x41: {  	_ =	shalt  }
0x42: {  	_ =	shalt  }
0x43: {  	_ =	shalt  }
0x44: {  	_ =	shalt  }
0x45: {  	_ =	shalt  }
0x46: {  	_ =	shalt  }
0x47: {  	_ =	shalt  }
0x48: {  	_ =	shalt  }
0x49: {  	_ =	shalt  }
0x4a: {  	_ =	shalt  }
0x4b: {  	_ =	shalt  }
0x4c: {  	_ =	shalt  }
0x4d: {  	_ =	shalt  }
0x4e: {  	_ =	shalt  }
0x4f: {  	_ =	shalt  }
0x50: {  	_ =	shalt  }
0x51: {  	_ =	shalt  }
0x52: {  	_ =	shalt  }
0x53: {  	_ =	shalt  }
0x54: {  	_ =	shalt  }
0x55: {  	_ =	shalt  }
0x56: {  	_ =	shalt  }
0x57: {  	_ =	shalt  }
0x58: {  	_ =	shalt  }
0x59: {  	_ =	shalt  }
0x5a: {  	_ =	shalt  }
0x5b: {  	_ =	shalt  }
0x5c: {  	_ =	shalt  }
0x5d: {  	_ =	shalt  }
0x5e: {  	_ =	shalt  }
0x5f: {  	_ =	shalt  }
0x60: {  	_ =	shalt  }
0x61: {  	_ =	shalt  }
0x62: {  	_ =	shalt  }
0x63: {  	_ =	shalt  }
0x64: {  	_ =	shalt  }
0x65: {  	_ =	shalt  }
0x66: {  	_ =	shalt  }
0x67: {  	_ =	shalt  }
0x68: {  	_ =	shalt  }
0x69: {  	_ =	shalt  }
0x6a: {  	_ =	shalt  }
0x6b: {  	_ =	shalt  }
0x6c: {  	_ =	shalt  }
0x6d: {  	_ =	shalt  }
0x6e: {  	_ =	shalt  }
0x6f: {  	_ =	shalt  }
0x70: {  	_ =	shalt  }
0x71: {  	_ =	shalt  }
0x72: {  	_ =	shalt  }
0x73: {  	_ =	shalt  }
0x74: {  	_ =	shalt  }
0x75: {  	_ =	shalt  }
0x76: {  	_ =	shalt  }
0x77: {  	_ =	shalt  }
0x78: {  	_ =	shalt  }
0x79: {  	_ =	shalt  }
0x7a: {  	_ =	shalt  }
0x7b: {  	_ =	shalt  }
0x7c: {  	_ =	shalt  }
0x7d: {  	_ =	shalt  }
0x7e: {  	_ =	shalt  }
0x7f: {  	_ =	shalt  }
0x80: {  	_ =	shalt  }
0x81: {  	_ =	shalt  }
0x82: {  	_ =	shalt  }
0x83: {  	_ =	shalt  }
0x84: {  	_ =	shalt  }
0x85: {  	_ =	shalt  }
0x86: {  	_ =	shalt  }
0x87: {  	_ =	shalt  }
.Lfunc_end0:
.L_simem_size_0:
called_computation.2_lowered:
.L_overlay_start_0:
0x88: {  	s2 =	sld [smem:$0x3FD9]  }
0x89: {  	s3 =	sld [smem:$0x3FFE];
	_ =	sdelay $0x1  }
0x8a: {  	s1 =	srdreg.scid  }
0x8b: {  	s0 =	sand.u32 $0x1, s1  }
0x8c: {  	s17 =	sshll.u32 s0, $0xA;
	s2 =	sadd.s32 s3, s2  }
0x8d: {  	s2 =	sadd.s32 s2, s17  }
0x8e: {  	[smem:$0x3FC2] =	sst s2  }
0x8f: {  	_ = 	snop  }
0x90: {  	s2 =	sld [smem:$0x3FD0];
	(tm) =	ssettm $0x1  }
0x91: {  	s18 =	sld [smem:$0x3FFB];
	_ =	sdelay $0x3  }
0x92: {  	_ =	strace s18  }
0x93: {  	s3 =	sld [smem:$0x3FFC];
	_ =	sdelay $0x3  }
0x94: {  	_ =	strace s3  }
0x95: {  	s3 =	sld [smem:$0x3FFD];
	_ =	sdelay $0x3  }
0x96: {  	_ =	strace s3  }
0x97: {  	_ =	strace $0x8FFFFFFF  }
0x98: {  	s19 =	sld [smem:$0x3FDB];
	_ =	sdelay $0x1  }
0x99: {  	s4 =	simm.s32 $_scs_section_size  }
0x9a: {  	s5 =	simm.s32 $_size__tile_overlayer_lowered;
	s6 =	simm.s32 $_tile_overlayer_lowered  }
0x9b: {  	s22 =	simm.s32 $0x1BFF;
	s21 =	sshll.u32 s6, $0x1;
	s3 =	sadd.s32 s4, s19  }
0x9c: {  	s7 =	simm.s32 $0x0;
	s20 =	sshll.u32 s5, $0x1;
	s5 =	sadd.s32 s21, s3  }
0x9d: {  	[timem:s7], [sflag:s22] =	dma.local [hbm:s5], s20  }
0x9e: {  	_ =	swait.ge [sflag:s22], s20  }
0x9f: {  	s4 =	ssub.s32 $0x0, s20;
	[sflag:s22] =	ssyncset.done $0x0  }
0xa0: {  	[sflag:s22] =	ssyncadd.s32 s4;
	_ =	sdelay $0x1  }
0xa1: {  	s23 =	simm.s32 $0x1B8B  }
0xa2: {  	_ =	swait.ge [sflag:s23], $0x1  }
0xa3: {  	[sflag:s23] =	ssyncset.done $0x0  }
0xa4: {  	s25 =	simm.s32 $0x1B8E;
	s24 =	sld [smem:$0x3FFE];
	[sflag:s23] =	ssyncadd.s32 $0xFFFFFFFF  }
0xa5: {  	s26 =	simm.s32 $execute0_lowered;
	[smem:$0x3FD2] =	sst s25  }
0xa6: {  	s5 =	sshll.u32 s26, $0x1;
	_ =	strace $0x8000004C;
	[dreg:$0x1] =	wrdreg $0xFFFFFFFF  }
0xa7: {  	s28 =	simm.s32 $_size_execute0_lowered;
	s3 =	sadd.s32 s3, s5;
	[dreg:$0x0] =	wrdreg $0x0  }
0xa8: {  	s5 =	sshll.u32 s28, $0x1;
	[dreg:$0x2] =	wrdreg s3  }
0xa9: {  	[dreg:$0x3] =	wrdreg s5  }
0xaa: {  	[dreg:$0x4] =	wrdreg $0xC0  }
0xab: {  	_ =	task [dreg:s7], $0x5FFFF  }
0xac: {  	[dreg:$0x1] =	wrdreg $0xFFFFFFFF  }
0xad: {  	[dreg:$0x0] =	wrdreg $0x60  }
0xae: {  	[dreg:$0x2] =	wrdreg s2  }
0xaf: {  	[dreg:$0x3] =	wrdreg s24  }
0xb0: {  	[dreg:$0x4] =	wrdreg $0x4A000  }
0xb1: {  	[dreg:$0x5] =	wrdreg $0x9  }
0xb2: {  	_ =	task.clear_ibuf [dreg:s7], $0x6FFFF;
	_ =	strace $0x9000004C  }
0xb3: {  	s29 =	simm.s32 $0x9;
	_ =	strace $0x8000004E  }
0xb4: {  	_ =	swait.ge [sflag:s29], $0x1  }
0xb5: {  	[sflag:s29] =	ssyncadd.s32 $0xFFFFFFFF  }
0xb6: {  	_ =	strace $0x9000004E  }
0xb7: {  	_ =	sfence  }
0xb8: {  	s30 =	sld [smem:$0x0];
	_ =	sdelay $0x2  }
0xb9: {  	s31 =	sshll.u32 s1, $0xD;
	s1 =	sshrl.u32 s1, $0x2  }
0xba: {  	s3 =	sand.u32 $0x4000, s31;
	s1 =	sadd.s32 s1, s30  }
0xbb: {  	s0 =	sor.u32 s3, s0;
	s1 =	sshll.u32 s1, $0x11  }
0xbc: {  	s0 =	sor.u32 s1, s0  }
0xbd: {  	s0 =	sadd.s32 $0x8F2B, s0  }
0xbe: {  	[sflag:s0] =	ssyncadd.remote.s32 $0x1  }
0xbf: {  	_ =	sfence.sel $0xFFFF  }
0xc0: {  	[dreg:$0x0] =	wrdreg $0xFFFFFFFF;
	(pc) =	sbr.abs _section_cstart, $3  }
0xc1: {  	[dreg:$0x1] =	wrdreg $0xFFFFFFFF  }
0xc2: {  	_ =	task.clear_ibuf [dreg:s7], $0x2FFFF;
	_ =	strace $0x9FFFFFFF  }
0xc3: {  	(tm) =	ssettm $0x7FFFFFFF  }
tec
execute0_lowered:
.L_overlay_start_1:
0x0: {  	(tag) =	ssettag $0x1  }
0x1: {  	s1 =	rddreg [dreg:$0x0]  }
0x2: {  	s5 =	rddreg [dreg:$0x1]  }
0x3: {  	s2 =	rddreg [dreg:$0x2];
	s4 =	simm.s32 $0x0  }
0x4: {  	s6 =	srdreg.scid;
	s0 =	stileid.u32;
	s28 =	simm.s32 $0x4200  }
0x5: {  	s29 =	simm.s32 $0x0;
	[smem:$0x7FF] =	sst s4;
	s14 =	sand.u32 $0x1, s6  }
0x6: {  	s19 =	sadd.s32 $0x2400, s5;
	s7 =	smul.u32 $0x50000, s0;
	s18 =	sadd.s32 $0xC200, s5  }
0x7: {  	s9 =	smul.u32 $0x14000, s0;
	s16 =	sadd.s32 $0x16000, s5;
	s22 =	sshll.u32 s0, $0x1  }
0x8: {  	_ =	strace $0x8000004D;
	s6 =	ssub.s32 $0x2, s14;
	s23 =	sor.u32 s14, s22  }
0x9: {  	s21 =	smul.u32 $0x140000, s14;
	s8 =	sshrl.u32 s6, $0x1;
	s24 =	sshrl.u32 s7, $0x2  }
0xa: {  	s13 =	sadd.s32 $0x4000, s9;
	s10 =	smul.u32 $0x2710, s23;
	s15 =	sadd.s32 $0x8000, s9  }
0xb: {  	s20 =	sadd.s32 $0xC000, s9;
	s22 =	sadd.s32 $0x10000, s9;
	s23 =	smul.u32 $0x4E20, s0  }
0xc: {  	s17 =	ssub.s32 s6, s8;
	s5 =	sadd.s32 s24, s2;
	s6 =	sadd.s32 s13, s2  }
0xd: {  	s7 =	sadd.s32 s15, s2;
	s8 =	sadd.s32 s20, s2;
	s12 =	sadd.s32 s9, s21  }
0xe: {  	s9 =	sadd.s32 s22, s2;
	s13 =	sadd.s32 s21, s13;
	s15 =	sadd.s32 s21, s15  }
0xf: {  	s24 =	smul.u32 $0x2710, s14;
	s25 =	sadd.s32 s21, s20;
	s26 =	sadd.s32 s21, s22  }
0x10: {  	s21 =	simm.s32 $0x2;
	s22 =	simm.s32 $0x80;
	s10 =	sshrl.u32 s10, $0x3  }
0x11: {  	s12 =	sshrl.u32 s12, $0x3;
	s13 =	sshrl.u32 s13, $0x3;
	s15 =	sshrl.u32 s15, $0x3  }
0x12: {  	s20 =	sshrl.u32 s26, $0x3;
	s17 =	smax.u32 s17, $0x1;
	s26 =	simm.s32 $0x10  }
0x13: {  	s11 =	sadd.s32 $0x4E0, s10;
	s12 =	sadd.s32 s16, s12;
	s13 =	sadd.s32 s16, s13  }
0x14: {  	s14 =	sadd.s32 s16, s15;
	s15 =	sshrl.u32 s25, $0x3;
	s30 =	sadd.s32 s24, s23  }
0x15: {  	s23 =	simm.s32 $0x1;
	s24 =	simm.s32 $0x100;
	s25 =	simm.s32 $0x180  }
0x16: {  	s3 =	sadd.s32 s19, s11;
	s11 =	sadd.s32 s18, s11;
	s15 =	sadd.s32 s16, s15  }
0x17: {  	s16 =	sadd.s32 s16, s20;
	s31 =	sshrl.u32 s30, $0x3;
	s20 =	simm.s32 $0x200  }
0x18: {  	v0 =	vimm.f32 $0.0e+00;
	[dreg:$0x4] =	wrdreg s3;
	s18 =	sadd.s32 s31, s18;
	s19 =	sadd.s32 s31, s19  }
.LBB2_1:
0x19: {  	s30 =	simm.s32 $0x0;
	s31 =	simm.s32 $0x200  }
.LBB2_2:
0x1a: {  	p0 =	sne.s32 s31, $0xFE00;
	[tilespmem:s30+$0x270] =	vst v0  }
0x1b: {  	[tilespmem:s30+$0x200] =	vst v0  }
0x1c: {  	[tilespmem:s30+$0x210] =	vst v0  }
.Ltmp0:
0x1d: {  	[tilespmem:s30+$0x220] =	vst v0;
	(pc) =	sbr.rel @p0 .LBB2_2-.Ltmp0, $4  }
0x1e: {  	[tilespmem:s30+$0x230] =	vst v0  }
0x1f: {  	[tilespmem:s30+$0x240] =	vst v0  }
0x20: {  	[tilespmem:s30+$0x250] =	vst v0  }
0x21: {  	[tilespmem:s30+$0x260] =	vst v0;
	s30 =	sshra.s32 s31, $0x2;
	s31 =	sadd.s32 $0x200, s31  }
0x22: {  	[tilespmem:s30+$0x270] =	vst v0  }
0x23: {  	[tilespmem:s30+$0x200] =	vst v0  }
0x24: {  	[tilespmem:s30+$0x210] =	vst v0  }
0x25: {  	[tilespmem:s30+$0x220] =	vst v0  }
0x26: {  	[tilespmem:s30+$0x230] =	vst v0  }
0x27: {  	[tilespmem:s30+$0x240] =	vst v0  }
0x28: {  	[tilespmem:s30+$0x250] =	vst v0  }
0x29: {  	[tilespmem:s30+$0x260] =	vst v0  }
0x2a: {  	[spmem:s5] =	stream.linear.scatter [tilespmem:s20], [sflag:$0x2], $0x4000, $0x38;
	[tilespmem:$0x18A00] =	vst v63  }
0x2b: {  	_ =	swait.ge [sflag:s21], $0x4000  }
0x2c: {  	[sflag:s21] =	ssyncset.done $0x0  }
0x2d: {  	[sflag:s21] =	ssyncadd.s32 $0xFFFFC000  }
0x2e: {  	[spmem:s6] =	stream.linear.scatter [tilespmem:s20], [sflag:$0x2], $0x4000, $0x38;
	[tilespmem:$0x18A00] =	vst v63  }
0x2f: {  	_ =	swait.ge [sflag:s21], $0x4000  }
0x30: {  	[sflag:s21] =	ssyncset.done $0x0  }
0x31: {  	[sflag:s21] =	ssyncadd.s32 $0xFFFFC000  }
0x32: {  	[spmem:s7] =	stream.linear.scatter [tilespmem:s20], [sflag:$0x2], $0x4000, $0x38;
	[tilespmem:$0x18A00] =	vst v63  }
0x33: {  	_ =	swait.ge [sflag:s21], $0x4000  }
0x34: {  	[sflag:s21] =	ssyncset.done $0x0  }
0x35: {  	[sflag:s21] =	ssyncadd.s32 $0xFFFFC000  }
0x36: {  	[spmem:s8] =	stream.linear.scatter [tilespmem:s20], [sflag:$0x2], $0x4000, $0x38;
	[tilespmem:$0x18A00] =	vst v63  }
0x37: {  	_ =	swait.ge [sflag:s21], $0x4000  }
0x38: {  	[sflag:s21] =	ssyncset.done $0x0  }
0x39: {  	[sflag:s21] =	ssyncadd.s32 $0xFFFFC000  }
0x3a: {  	[spmem:s9] =	stream.linear.scatter [tilespmem:s20], [sflag:$0x2], $0x4000, $0x38;
	[tilespmem:$0x18A00] =	vst v63  }
0x3b: {  	_ =	swait.ge [sflag:s21], $0x4000  }
0x3c: {  	[sflag:s21] =	ssyncset.done $0x0  }
0x3d: {  	[sflag:s21] =	ssyncadd.s32 $0xFFFFC000  }
0x3e: {  	s30 =	sadd.s32 $0x0, s19;
	[bflag:$0x0] =	sbarrier.arrive $0xFFFF  }
0x3f: {  	[tilespmem:s4], [sflag:$0x2] =	stream.linear.gather [hbm4b:s30+s4], $0x80, $0x38;
	[tilespmem:$0x18A00] =	vst v63  }
0x40: {  	_ =	swait.ge [sflag:s21], $0x80  }
0x41: {  	[sflag:s21] =	ssyncset.done $0x0  }
0x42: {  	s30 =	sadd.s32 $0x0, s18;
	[sflag:s21] =	ssyncadd.s32 $0xFFFFFF80  }
0x43: {  	[tilespmem:s22], [sflag:$0x2] =	stream.linear.gather [hbm4b:s30+s4], $0x80, $0x38;
	[tilespmem:$0x18A00] =	vst v63  }
0x44: {  	_ =	swait.ge [sflag:s21], $0x80  }
0x45: {  	[sflag:s21] =	ssyncset.done $0x0  }
0x46: {  	[sflag:s21] =	ssyncadd.s32 $0xFFFFFF80  }
0x47: {  	[tilespmem:s20], [sflag:$0x1] =	stream.indirect.gather [hbm4b:s1+s22], $0x80, s4, s22, $0xb8;
	[tilespmem:$0x18A00] =	vst v63  }
0x48: {  	_ =	swait.ge [sflag:s23], $0x4000  }
0x49: {  	[sflag:s23] =	ssyncset.done $0x0  }
0x4a: {  	[sflag:s23] =	ssyncadd.s32 $0xFFFFC000  }
0x4b: {  	[spmem:s2] =	stream.indirect.scatter.add.f32 [tilespmem:s20], [sflag:$0x2], $0x80, s22, s22, $0xb8;
	[tilespmem:$0x18A00] =	vst v63  }
0x4c: {  	_ =	swait.ge [sflag:s21], $0x4000  }
0x4d: {  	s31 =	simm.s32 $0x20;
	s30 =	simm.s32 $0x10;
	[sflag:s21] =	ssyncset.done $0x0  }
.LBB2_4:
0x4e: {  	s0 =	sadd.s32 s30, s19  }
0x4f: {  	[sflag:s21] =	ssyncadd.s32 $0xFFFFC000;
	s3 =	smov.u32 s31;
	s10 =	sadd.s32 $0x10, s31  }
0x50: {  	[tilespmem:s4], [sflag:$0x2] =	stream.linear.gather [hbm4b:s0+s4], $0x80, $0x38;
	[tilespmem:$0x18A00] =	vst v63  }
0x51: {  	p0 =	sne.s32 s31, $0x4D0;
	_ =	swait.ge [sflag:s21], $0x80  }
0x52: {  	[sflag:s21] =	ssyncset.done $0x0  }
0x53: {  	s0 =	sadd.s32 s30, s18;
	s30 =	smov.u32 s3;
	[sflag:s21] =	ssyncadd.s32 $0xFFFFFF80  }
0x54: {  	[tilespmem:s22], [sflag:$0x2] =	stream.linear.gather [hbm4b:s0+s4], $0x80, $0x38;
	[tilespmem:$0x18A00] =	vst v63  }
0x55: {  	_ =	swait.ge [sflag:s21], $0x80  }
0x56: {  	[sflag:s21] =	ssyncset.done $0x0  }
0x57: {  	[sflag:s21] =	ssyncadd.s32 $0xFFFFFF80  }
0x58: {  	[tilespmem:s20], [sflag:$0x1] =	stream.indirect.gather [hbm4b:s1+s22], $0x80, s4, s22, $0xb8;
	[tilespmem:$0x18A00] =	vst v63  }
0x59: {  	_ =	swait.ge [sflag:s23], $0x4000  }
.Ltmp1:
0x5a: {  	[sflag:s23] =	ssyncset.done $0x0;
	(pc) =	sbr.rel @p0 .LBB2_4-.Ltmp1, $4  }
0x5b: {  	[sflag:s23] =	ssyncadd.s32 $0xFFFFC000  }
0x5c: {  	[spmem:s2] =	stream.indirect.scatter.add.f32 [tilespmem:s20], [sflag:$0x2], $0x80, s22, s22, $0xb8;
	[tilespmem:$0x18A00] =	vst v63  }
0x5d: {  	_ =	swait.ge [sflag:s21], $0x4000  }
0x5e: {  	s31 =	smov.u32 s10;
	[sflag:s21] =	ssyncset.done $0x0  }
0x5f: {  	s0 =	sadd.s32 s30, s19;
	[sflag:s21] =	ssyncadd.s32 $0xFFFFC000  }
0x60: {  	[tilespmem:s4], [sflag:$0x2] =	stream.linear.gather [hbm4b:s0+s4], $0x80, $0x38;
	[tilespmem:$0x18A00] =	vst v63  }
0x61: {  	_ =	swait.ge [sflag:s21], $0x80  }
0x62: {  	[sflag:s21] =	ssyncset.done $0x0  }
0x63: {  	s30 =	sadd.s32 s30, s18;
	[sflag:s21] =	ssyncadd.s32 $0xFFFFFF80  }
0x64: {  	[tilespmem:s22], [sflag:$0x2] =	stream.linear.gather [hbm4b:s30+s4], $0x80, $0x38;
	[tilespmem:$0x18A00] =	vst v63  }
0x65: {  	_ =	swait.ge [sflag:s21], $0x80  }
0x66: {  	[sflag:s21] =	ssyncset.done $0x0  }
0x67: {  	[sflag:s21] =	ssyncadd.s32 $0xFFFFFF80  }
0x68: {  	[tilespmem:s20], [sflag:$0x1] =	stream.indirect.gather [hbm4b:s1+s22], $0x80, s4, s22, $0xb8;
	[tilespmem:$0x18A00] =	vst v63  }
0x69: {  	_ =	swait.ge [sflag:s23], $0x4000  }
0x6a: {  	[sflag:s23] =	ssyncset.done $0x0  }
0x6b: {  	[sflag:s23] =	ssyncadd.s32 $0xFFFFC000  }
0x6c: {  	[spmem:s2] =	stream.indirect.scatter.add.f32 [tilespmem:s20], [sflag:$0x2], $0x80, s22, s22, $0xb8;
	[tilespmem:$0x18A00] =	vst v63  }
0x6d: {  	_ =	swait.ge [sflag:s21], $0x4000  }
0x6e: {  	[sflag:s21] =	ssyncset.done $0x0  }
0x6f: {  	s31 =	rddreg [dreg:$0x4];
	[sflag:s21] =	ssyncadd.s32 $0xFFFFC000  }
0x70: {  	[tilespmem:s24], [sflag:$0x2] =	stream.linear.gather [hbm4b:s31+s4], $0x10, $0x38;
	[tilespmem:$0x18A00] =	vst v63  }
0x71: {  	_ =	swait.ge [sflag:s21], $0x10  }
0x72: {  	[sflag:s21] =	ssyncset.done $0x0  }
0x73: {  	[sflag:s21] =	ssyncadd.s32 $0xFFFFFFF0  }
0x74: {  	[tilespmem:s25], [sflag:$0x2] =	stream.linear.gather [hbm4b:s11+s4], $0x10, $0x38;
	[tilespmem:$0x18A00] =	vst v63  }
0x75: {  	_ =	swait.ge [sflag:s21], $0x10  }
0x76: {  	[sflag:s21] =	ssyncset.done $0x0  }
0x77: {  	[sflag:s21] =	ssyncadd.s32 $0xFFFFFFF0  }
0x78: {  	[tilespmem:s28], [sflag:$0x1] =	stream.indirect.gather [hbm4b:s1+s26], $0x80, s24, s26, $0xb8;
	[tilespmem:$0x18A00] =	vst v63  }
0x79: {  	_ =	swait.ge [sflag:s23], $0x800  }
0x7a: {  	[sflag:s23] =	ssyncset.done $0x0  }
0x7b: {  	[sflag:s23] =	ssyncadd.s32 $0xFFFFF800  }
0x7c: {  	[spmem:s2] =	stream.indirect.scatter.add.f32 [tilespmem:s28], [sflag:$0x2], $0x80, s25, s26, $0xb8;
	[tilespmem:$0x18A00] =	vst v63  }
0x7d: {  	_ =	swait.ge [sflag:s21], $0x800  }
0x7e: {  	[sflag:s21] =	ssyncset.done $0x0  }
0x7f: {  	[sflag:s21] =	ssyncadd.s32 $0xFFFFF800  }
0x80: {  	[bflag:$0x0] =	sbarrier.arrive $0xFFFF  }
0x81: {  	[tilespmem:s20], [sflag:$0x2] =	stream.linear.gather [spmem:s5], $0x4000, $0x38;
	[tilespmem:$0x18A00] =	vst v63  }
0x82: {  	_ =	swait.ge [sflag:s21], $0x4000  }
0x83: {  	[sflag:s21] =	ssyncset.done $0x0  }
0x84: {  	[sflag:s21] =	ssyncadd.s32 $0xFFFFC000  }
0x85: {  	[hbm4b:s12+s4] =	stream.linear.scatter [tilespmem:s20], [sflag:$0x2], $0x4000, $0x38;
	[tilespmem:$0x18A00] =	vst v63  }
0x86: {  	_ =	swait.ge [sflag:s21], $0x4000  }
0x87: {  	[sflag:s21] =	ssyncset.done $0x0  }
0x88: {  	[sflag:s21] =	ssyncadd.s32 $0xFFFFC000  }
0x89: {  	[tilespmem:s20], [sflag:$0x2] =	stream.linear.gather [spmem:s6], $0x4000, $0x38;
	[tilespmem:$0x18A00] =	vst v63  }
0x8a: {  	_ =	swait.ge [sflag:s21], $0x4000  }
0x8b: {  	[sflag:s21] =	ssyncset.done $0x0  }
0x8c: {  	[sflag:s21] =	ssyncadd.s32 $0xFFFFC000  }
0x8d: {  	[hbm4b:s13+s4] =	stream.linear.scatter [tilespmem:s20], [sflag:$0x2], $0x4000, $0x38;
	[tilespmem:$0x18A00] =	vst v63  }
0x8e: {  	_ =	swait.ge [sflag:s21], $0x4000  }
0x8f: {  	[sflag:s21] =	ssyncset.done $0x0  }
0x90: {  	[sflag:s21] =	ssyncadd.s32 $0xFFFFC000  }
0x91: {  	[tilespmem:s20], [sflag:$0x2] =	stream.linear.gather [spmem:s7], $0x4000, $0x38;
	[tilespmem:$0x18A00] =	vst v63  }
0x92: {  	_ =	swait.ge [sflag:s21], $0x4000  }
0x93: {  	[sflag:s21] =	ssyncset.done $0x0  }
0x94: {  	[sflag:s21] =	ssyncadd.s32 $0xFFFFC000  }
0x95: {  	[hbm4b:s14+s4] =	stream.linear.scatter [tilespmem:s20], [sflag:$0x2], $0x4000, $0x38;
	[tilespmem:$0x18A00] =	vst v63  }
0x96: {  	_ =	swait.ge [sflag:s21], $0x4000  }
0x97: {  	[sflag:s21] =	ssyncset.done $0x0  }
0x98: {  	[sflag:s21] =	ssyncadd.s32 $0xFFFFC000  }
0x99: {  	[tilespmem:s20], [sflag:$0x2] =	stream.linear.gather [spmem:s8], $0x4000, $0x38;
	[tilespmem:$0x18A00] =	vst v63  }
0x9a: {  	_ =	swait.ge [sflag:s21], $0x4000  }
0x9b: {  	[sflag:s21] =	ssyncset.done $0x0  }
0x9c: {  	[sflag:s21] =	ssyncadd.s32 $0xFFFFC000  }
0x9d: {  	[hbm4b:s15+s4] =	stream.linear.scatter [tilespmem:s20], [sflag:$0x2], $0x4000, $0x38;
	[tilespmem:$0x18A00] =	vst v63  }
0x9e: {  	_ =	swait.ge [sflag:s21], $0x4000  }
0x9f: {  	[sflag:s21] =	ssyncset.done $0x0  }
0xa0: {  	[sflag:s21] =	ssyncadd.s32 $0xFFFFC000  }
0xa1: {  	[tilespmem:s20], [sflag:$0x2] =	stream.linear.gather [spmem:s9], $0x4000, $0x38;
	[tilespmem:$0x18A00] =	vst v63  }
0xa2: {  	s29 =	sadd.s32 $0x1, s29;
	_ =	swait.ge [sflag:s21], $0x4000  }
0xa3: {  	p0 =	sne.s32 s29, s17;
	[sflag:s21] =	ssyncset.done $0x0  }
.Ltmp2:
0xa4: {  	[sflag:s21] =	ssyncadd.s32 $0xFFFFC000;
	(pc) =	sbr.rel @p0 .LBB2_1-.Ltmp2, $4  }
0xa5: {  	[hbm4b:s16+s4] =	stream.linear.scatter [tilespmem:s20], [sflag:$0x2], $0x4000, $0x38;
	[tilespmem:$0x18A00] =	vst v63  }
0xa6: {  	_ =	swait.ge [sflag:s21], $0x4000  }
0xa7: {  	[sflag:s21] =	ssyncset.done $0x0  }
0xa8: {  	[sflag:s21] =	ssyncadd.s32 $0xFFFFC000  }
0xa9: {  	_ =	sfence.sel $0x180000  }
0xaa: {  	[bflag:$0x0] =	sbarrier.arrive $0xFFFF  }
0xab: {  	_ =	strace $0x9000004D  }
0xac: {  	s0 =	stileid.u32;
	[bflag:$0x2] =	sbarrier.arrive $0xFFFF  }
0xad: {  	p0 =	sne.s32 s0, $0x0;
	s0 =	rddreg [dreg:$0x3]  }
0xae: {  	s0 =	sadd.s32 @!p0 $0x100000, s0  }
0xaf: {  	[sflag:s0] =	ssyncadd.tile.s32 @!p0 $0x1;
	_ =	shalt  }
.Lfunc_end2:
_tile_overlayer_lowered:
.L_overlay_start_2:
0xb0: {  	(tag) =	ssettag $0x2  }
0xb1: {  	s0 =	rddreg [dreg:$0x0];
	s2 =	stileid.u32  }
0xb2: {  	s1 =	rddreg [dreg:$0x1];
	p0 =	sne.s32 s2, $0x0  }
0xb3: {  	s3 =	rddreg [dreg:$0x2];
	[bflag:$0x3] =	sbarrier.arrive $0xFFFF;
	s2 =	simm.s32 @!p0 $0x1C02  }
0xb4: {  	[timem:s3], [sflag:s2] =	dma.local @!p0 [hbm:s0], s1  }
0xb5: {  	s0 =	simm.s32 @!p0 $0x2  }
0xb6: {  	_ =	swait.ge @!p0 [sflag:s0], s1  }
0xb7: {  	s1 =	ssub.s32 @!p0 $0x0, s1;
	[sflag:s0] =	ssyncset.done @!p0 $0x0  }
0xb8: {  	[sflag:s0] =	ssyncadd.s32 @!p0 s1  }
0xb9: {  	[bflag:$0x3] =	sbarrier.arrive $0xFFFF  }
0xba: {  	_ =	shalt  }

// kernel: kernel.9.cloned.1.call-start
scs
__scs_entry_jumppad:
0x0: {  	(pc) =	sbr.rel $0x88, $3  }
0x1: {  	(tag) =	ssettag $0x0;
	lr =	simm.s32 $0x1  }
0x2: {  	[smem:$0x3F9B] =	sst lr;
	_ =	strace $0xD0000000  }
0x3: {  	_ = 	snop  }
0x4: {  	_ = 	snop  }
0x5: {  	_ = 	snop  }
0x6: {  	_ = 	snop  }
0x7: {  	_ = 	snop  }
__scs_overlays_trampoline_lowered:
0x8: {  	[smem:$0x3FAA] =	sst s0  }
0x9: {  	[smem:$0x3FAB] =	sst s1  }
0xa: {  	[smem:$0x3FAC] =	sst s2  }
0xb: {  	[smem:$0x3FAD] =	sst s3  }
0xc: {  	[smem:$0x3FAE] =	sst s4  }
0xd: {  	[smem:$0x3FAF] =	sst s5  }
0xe: {  	[smem:$0x3FB0] =	sst s6  }
0xf: {  	[smem:$0x3FB1] =	sst s7  }
0x10: {  	[smem:$0x3FB2] =	sst s8  }
0x11: {  	[smem:$0x3FB3] =	sst s9;
	s0 =	simm.s32 @!p0 $0x0  }
0x12: {  	s1 =	sld [smem:$0x3F99];
	s0 =	simm.s32 @p0 $0x1  }
0x13: {  	[smem:$0x3FB4] =	sst s0;
	s0 =	simm.s32 @!p1 $0x0  }
0x14: {  	s2 =	sld [smem:$0x3F98];
	s0 =	simm.s32 @p1 $0x1  }
0x15: {  	[smem:$0x3FB5] =	sst s0;
	s0 =	simm.s32 @!p2 $0x0  }
0x16: {  	s3 =	sld [smem:$0x3FDB];
	s0 =	simm.s32 @p2 $0x1  }
0x17: {  	s4 =	simm.s32 $0x1BF5;
	[smem:$0x3FB7] =	sst s0  }
0x18: {  	s0 =	sld [smem:$0x3F9A];
	_ =	swait.ge [sflag:s4], $0x0  }
0x19: {  	s7 =	sld [smem:$0x3F9B]  }
0x1a: {  	s8 =	sadd.s32 $0xFFFFE003, lr  }
0x1b: {  	s9 =	sadd.s32 $0xFFFFFEF7, lr;
	s5 =	simm.s32 $0xFFFFFFFF;
	p2 =	slt.u32 s8, $0xFFFFF086  }
0x1c: {  	p1 =	slt.u32 s9, $0xF7A;
	s5 =	simm.s32 @!p2 $0x0  }
0x1d: {  	s5 =	simm.s32 @p1 $0x1;
	p0 =	seq.s32 s7, s2  }
0x1e: {  	s7 =	smul.u32 @!p0 $0xF7A, s2;
	p2 =	seq.s32 @!p0 s5, $0x0  }
0x1f: {  	s9 =	smul.u32 $0xF7A, s1;
	s8 =	simm.s32 @!p0 $0x1BF5;
	p2 =	por !p2, p0  }
0x20: {  	[sflag:s8] =	ssyncset.s32 @!p0 $0xFFFFF086;
	s6 =	sadd.s32 @!p0 s3, s7;
	s7 =	simm.s32 @!p0 $0x108  }
0x21: {  	s3 =	sadd.s32 s3, s9;
	s6 =	sadd.s32 @!p0 $0x88, s6;
	s7 =	simm.s32 @p2 $0x1082  }
0x22: {  	[simem:s7], [sflag:s8] =	dma.local @!p0 [hbm:s6], $0xF7A  }
0x23: {  	s9 =	sor.u32 $0xD0000000, s2;
	s6 =	simm.s32 $0x108;
	_ =	swait.ge @!p0 [sflag:s8], $0x0  }
0x24: {  	s3 =	sadd.s32 $0x88, s3;
	s6 =	simm.s32 @!p1 $0x1082;
	[sflag:s4] =	ssyncset.s32 $0xFFFFF086  }
0x25: {  	[simem:s6], [sflag:s4] =	dma.local [hbm:s3], $0xF7A  }
0x26: {  	[smem:$0x3F9B] =	sst s1;
	(tag) =	ssettag s2;
	_ =	strace s9  }
0x27: {  	s1 =	sld [smem:$0x3FAB]  }
0x28: {  	s2 =	sld [smem:$0x3FAC]  }
0x29: {  	s4 =	sld [smem:$0x3FAE]  }
0x2a: {  	p0 =	seq.s32 s5, $0x0;
	s5 =	sld [smem:$0x3FAF]  }
0x2b: {  	s6 =	sld [smem:$0x3FB0]  }
0x2c: {  	s7 =	sld [smem:$0x3FB1]  }
0x2d: {  	s3 =	simm.s32 $0x108;
	s8 =	sld [smem:$0x3FB2]  }
0x2e: {  	s3 =	simm.s32 @!p0 $0x1082;
	s9 =	sld [smem:$0x3FB3]  }
0x2f: {  	lr =	sadd.s32 s0, s3;
	s0 =	sld [smem:$0x3FAA]  }
0x30: {  	s3 =	sld [smem:$0x3FAD]  }
0x31: {  	[smem:$0x3FB6] =	sst s10  }
0x32: {  	s10 =	sld [smem:$0x3FB4];
	_ =	sdelay $0x3  }
0x33: {  	p0 =	seq.s32 s10, $0x1;
	s10 =	sld [smem:$0x3FB6];
	_ =	sdelay $0x3  }
0x34: {  	[smem:$0x3FB6] =	sst s10  }
0x35: {  	s10 =	sld [smem:$0x3FB5];
	_ =	sdelay $0x3  }
0x36: {  	p1 =	seq.s32 s10, $0x1;
	s10 =	sld [smem:$0x3FB6];
	_ =	sdelay $0x3  }
0x37: {  	[smem:$0x3FB6] =	sst s10  }
0x38: {  	s10 =	sld [smem:$0x3FB7]  }
0x39: {  	_ = 	snop;
	(pc) =	sbr.ind lr, $3  }
0x3a: {  	_ = 	snop  }
0x3b: {  	_ = 	snop  }
0x3c: {  	p2 =	seq.s32 s10, $0x1;
	s10 =	sld [smem:$0x3FB6]  }
0x3d: {  	_ =	shalt  }
0x3e: {  	_ =	shalt  }
0x3f: {  	_ =	shalt  }
0x40: {  	_ =	shalt  }
0x41: {  	_ =	shalt  }
0x42: {  	_ =	shalt  }
0x43: {  	_ =	shalt  }
0x44: {  	_ =	shalt  }
0x45: {  	_ =	shalt  }
0x46: {  	_ =	shalt  }
0x47: {  	_ =	shalt  }
0x48: {  	_ =	shalt  }
0x49: {  	_ =	shalt  }
0x4a: {  	_ =	shalt  }
0x4b: {  	_ =	shalt  }
0x4c: {  	_ =	shalt  }
0x4d: {  	_ =	shalt  }
0x4e: {  	_ =	shalt  }
0x4f: {  	_ =	shalt  }
0x50: {  	_ =	shalt  }
0x51: {  	_ =	shalt  }
0x52: {  	_ =	shalt  }
0x53: {  	_ =	shalt  }
0x54: {  	_ =	shalt  }
0x55: {  	_ =	shalt  }
0x56: {  	_ =	shalt  }
0x57: {  	_ =	shalt  }
0x58: {  	_ =	shalt  }
0x59: {  	_ =	shalt  }
0x5a: {  	_ =	shalt  }
0x5b: {  	_ =	shalt  }
0x5c: {  	_ =	shalt  }
0x5d: {  	_ =	shalt  }
0x5e: {  	_ =	shalt  }
0x5f: {  	_ =	shalt  }
0x60: {  	_ =	shalt  }
0x61: {  	_ =	shalt  }
0x62: {  	_ =	shalt  }
0x63: {  	_ =	shalt  }
0x64: {  	_ =	shalt  }
0x65: {  	_ =	shalt  }
0x66: {  	_ =	shalt  }
0x67: {  	_ =	shalt  }
0x68: {  	_ =	shalt  }
0x69: {  	_ =	shalt  }
0x6a: {  	_ =	shalt  }
0x6b: {  	_ =	shalt  }
0x6c: {  	_ =	shalt  }
0x6d: {  	_ =	shalt  }
0x6e: {  	_ =	shalt  }
0x6f: {  	_ =	shalt  }
0x70: {  	_ =	shalt  }
0x71: {  	_ =	shalt  }
0x72: {  	_ =	shalt  }
0x73: {  	_ =	shalt  }
0x74: {  	_ =	shalt  }
0x75: {  	_ =	shalt  }
0x76: {  	_ =	shalt  }
0x77: {  	_ =	shalt  }
0x78: {  	_ =	shalt  }
0x79: {  	_ =	shalt  }
0x7a: {  	_ =	shalt  }
0x7b: {  	_ =	shalt  }
0x7c: {  	_ =	shalt  }
0x7d: {  	_ =	shalt  }
0x7e: {  	_ =	shalt  }
0x7f: {  	_ =	shalt  }
0x80: {  	_ =	shalt  }
0x81: {  	_ =	shalt  }
0x82: {  	_ =	shalt  }
0x83: {  	_ =	shalt  }
0x84: {  	_ =	shalt  }
0x85: {  	_ =	shalt  }
0x86: {  	_ =	shalt  }
0x87: {  	_ =	shalt  }
.Lfunc_end0:
.L_simem_size_0:
called_computation_lowered:
.L_overlay_start_0:
0x88: {  	s2 =	sld [smem:$0x3FD9]  }
0x89: {  	s3 =	sld [smem:$0x3FFE];
	_ =	sdelay $0x1  }
0x8a: {  	s1 =	srdreg.scid  }
0x8b: {  	s0 =	sand.u32 $0x1, s1  }
0x8c: {  	s16 =	sshll.u32 s0, $0xA;
	s2 =	sadd.s32 s3, s2  }
0x8d: {  	s2 =	sadd.s32 s2, s16  }
0x8e: {  	[smem:$0x3FC2] =	sst s2  }
0x8f: {  	_ = 	snop  }
0x90: {  	(tm) =	ssettm $0x1  }
0x91: {  	s17 =	sld [smem:$0x3FFB];
	_ =	sdelay $0x3  }
0x92: {  	_ =	strace s17  }
0x93: {  	s2 =	sld [smem:$0x3FFC];
	_ =	sdelay $0x3  }
0x94: {  	_ =	strace s2  }
0x95: {  	s2 =	sld [smem:$0x3FFD];
	_ =	sdelay $0x3  }
0x96: {  	_ =	strace s2  }
0x97: {  	_ =	strace $0x8FFFFFFF  }
0x98: {  	s18 =	sld [smem:$0x3FDB];
	_ =	sdelay $0x1  }
0x99: {  	s19 =	simm.s32 $_scs_section_size  }
0x9a: {  	s4 =	simm.s32 $_size__tile_overlayer_lowered;
	s5 =	simm.s32 $_tile_overlayer_lowered  }
0x9b: {  	s22 =	simm.s32 $0x1BFF;
	s21 =	sshll.u32 s5, $0x1;
	s2 =	sadd.s32 s19, s18  }
0x9c: {  	s6 =	simm.s32 $0x0;
	s20 =	sshll.u32 s4, $0x1;
	s4 =	sadd.s32 s21, s2  }
0x9d: {  	[timem:s6], [sflag:s22] =	dma.local [hbm:s4], s20  }
0x9e: {  	_ =	swait.ge [sflag:s22], s20  }
0x9f: {  	s3 =	ssub.s32 $0x0, s20;
	[sflag:s22] =	ssyncset.done $0x0  }
0xa0: {  	[sflag:s22] =	ssyncadd.s32 s3;
	_ =	sdelay $0x1  }
0xa1: {  	s23 =	simm.s32 $0x1B8B  }
0xa2: {  	_ =	swait.ge [sflag:s23], $0x1  }
0xa3: {  	[sflag:s23] =	ssyncset.done $0x0  }
0xa4: {  	s25 =	simm.s32 $0x1B8E;
	s24 =	sld [smem:$0x3FFE];
	[sflag:s23] =	ssyncadd.s32 $0xFFFFFFFF  }
0xa5: {  	s26 =	simm.s32 $execute0_lowered;
	[smem:$0x3FD2] =	sst s25  }
0xa6: {  	s4 =	sshll.u32 s26, $0x1;
	_ =	strace $0x80000046;
	[dreg:$0x1] =	wrdreg $0xFFFFFFFF  }
0xa7: {  	s28 =	simm.s32 $_size_execute0_lowered;
	s2 =	sadd.s32 s2, s4;
	[dreg:$0x0] =	wrdreg $0x0  }
0xa8: {  	s4 =	sshll.u32 s28, $0x1;
	[dreg:$0x2] =	wrdreg s2  }
0xa9: {  	[dreg:$0x3] =	wrdreg s4  }
0xaa: {  	[dreg:$0x4] =	wrdreg $0xC0  }
0xab: {  	_ =	task [dreg:s6], $0x5FFFF  }
0xac: {  	[dreg:$0x1] =	wrdreg $0xFFFFFFFF  }
0xad: {  	[dreg:$0x0] =	wrdreg $0x60  }
0xae: {  	[dreg:$0x2] =	wrdreg s24  }
0xaf: {  	[dreg:$0x3] =	wrdreg $0x89000  }
0xb0: {  	[dreg:$0x4] =	wrdreg $0x9  }
0xb1: {  	_ =	task.clear_ibuf [dreg:s6], $0x5FFFF;
	_ =	strace $0x90000046  }
0xb2: {  	s29 =	simm.s32 $0x9;
	_ =	strace $0x80000048  }
0xb3: {  	_ =	swait.ge [sflag:s29], $0x1  }
0xb4: {  	[sflag:s29] =	ssyncadd.s32 $0xFFFFFFFF  }
0xb5: {  	_ =	strace $0x90000048  }
0xb6: {  	_ =	sfence  }
0xb7: {  	s30 =	sld [smem:$0x0];
	_ =	sdelay $0x2  }
0xb8: {  	s31 =	sshll.u32 s1, $0xD;
	s1 =	sshrl.u32 s1, $0x2  }
0xb9: {  	s3 =	sand.u32 $0x4000, s31;
	s1 =	sadd.s32 s1, s30  }
0xba: {  	s0 =	sor.u32 s3, s0;
	s1 =	sshll.u32 s1, $0x11  }
0xbb: {  	s0 =	sor.u32 s1, s0  }
0xbc: {  	s0 =	sadd.s32 $0x8F2B, s0  }
0xbd: {  	[sflag:s0] =	ssyncadd.remote.s32 $0x1  }
0xbe: {  	_ =	sfence.sel $0xFFFF  }
0xbf: {  	[dreg:$0x0] =	wrdreg $0xFFFFFFFF;
	(pc) =	sbr.abs _section_cstart, $3  }
0xc0: {  	[dreg:$0x1] =	wrdreg $0xFFFFFFFF  }
0xc1: {  	_ =	task.clear_ibuf [dreg:s6], $0x2FFFF;
	_ =	strace $0x9FFFFFFF  }
0xc2: {  	(tm) =	ssettm $0x7FFFFFFF  }
0xc3: {  	_ =	shalt  }
tec
execute0_lowered:
.L_overlay_start_1:
0x0: {  	(tag) =	ssettag $0x1  }
0x1: {  	s4 =	rddreg [dreg:$0x0]  }
0x2: {  	s1 =	rddreg [dreg:$0x1]  }
0x3: {  	s0 =	rddreg [dreg:$0x2]  }
0x4: {  	s3 =	simm.s32 $0x0;
	s5 =	srdreg.scid;
	s2 =	stileid.u32  }
0x5: {  	[smem:$0x7FF] =	sst s3;
	s6 =	smul.u32 $0x50000, s2  }
0x6: {  	s12 =	sand.u32 $0x1, s5;
	s16 =	sadd.s32 $0xC200, s4;
	s9 =	smul.u32 $0x14000, s2  }
0x7: {  	s14 =	sadd.s32 $0x16000, s4;
	s21 =	sshll.u32 s2, $0x1;
	s25 =	smul.u32 $0x4E20, s2  }
0x8: {  	_ =	strace $0x80000047;
	s5 =	ssub.s32 $0x2, s12;
	s18 =	smul.u32 $0x140000, s12  }
0x9: {  	s22 =	sor.u32 s12, s21;
	s26 =	smul.u32 $0x2710, s12;
	s7 =	sshrl.u32 s5, $0x1  }
0xa: {  	s23 =	sshrl.u32 s6, $0x2;
	s10 =	sadd.s32 $0x4000, s9;
	s11 =	smul.u32 $0x2710, s22  }
0xb: {  	s13 =	sadd.s32 $0x8000, s9;
	s17 =	sadd.s32 $0xC000, s9;
	s19 =	sadd.s32 $0x10000, s9  }
0xc: {  	s22 =	simm.s32 $0x10;
	s15 =	ssub.s32 s5, s7;
	s4 =	sadd.s32 s23, s1  }
0xd: {  	s5 =	sadd.s32 s10, s1;
	s6 =	sadd.s32 s13, s1;
	s7 =	sadd.s32 s17, s1  }
0xe: {  	s8 =	sadd.s32 s19, s1;
	s9 =	sadd.s32 s9, s18;
	s21 =	sadd.s32 s18, s10  }
0xf: {  	s13 =	sadd.s32 s18, s13;
	s17 =	sadd.s32 s18, s17;
	s29 =	sadd.s32 s18, s19  }
0x10: {  	s30 =	sadd.s32 s26, s25;
	s18 =	simm.s32 $0x1;
	s19 =	simm.s32 $0x4800  }
0x11: {  	s23 =	simm.s32 $0x4000;
	s11 =	sshrl.u32 s11, $0x3;
	s20 =	sshrl.u32 s9, $0x3  }
0x12: {  	s24 =	sshrl.u32 s21, $0x3;
	s13 =	sshrl.u32 s13, $0x3;
	s28 =	sshrl.u32 s17, $0x3  }
0x13: {  	s17 =	sshrl.u32 s29, $0x3;
	s15 =	smax.u32 s15, $0x1;
	s31 =	sshrl.u32 s30, $0x3  }
0x14: {  	s21 =	simm.s32 $0x4880;
	s11 =	sadd.s32 s16, s11;
	s10 =	sadd.s32 s14, s20  }
0x15: {  	s12 =	sadd.s32 s14, s13;
	s13 =	sadd.s32 s14, s28;
	s16 =	sadd.s32 s31, s16  }
0x16: {  	s20 =	simm.s32 $0x80;
	s9 =	sadd.s32 $0x4E0, s11;
	s11 =	sadd.s32 s14, s24  }
0x17: {  	v0 =	vimm.f32 $1.000000000e+00;
	v1 =	vimm.f32 $0.0e+00;
	s14 =	sadd.s32 s14, s17;
	s17 =	simm.s32 $0x4900;
	s24 =	simm.s32 $0x0  }
.LBB2_1:
0x18: {  	s25 =	simm.s32 $0x200;
	s26 =	simm.s32 $0x0  }
.LBB2_2:
0x19: {  	p0 =	sne.s32 s25, $0xFE00;
	[tilespmem:s26+$0x0] =	vst v0;
	s28 =	smov.u32 s25;
	s25 =	sadd.s32 $0x200, s25  }
.Ltmp0:
0x1a: {  	[tilespmem:s26+$0x4900] =	vst v1;
	(pc) =	sbr.rel @p0 .LBB2_2-.Ltmp0, $2  }
0x1b: {  	_ =	sdelay $0x2  }
0x1c: {  	s26 =	sshra.s32 s28, $0x2  }
0x1d: {  	[tilespmem:s26+$0x0] =	vst v0  }
0x1e: {  	[tilespmem:s26+$0x4900] =	vst v1  }
0x1f: {  	[tilespmem:$0x4000] =	vst v0  }
0x20: {  	[tilespmem:$0x4080] =	vst v0  }
0x21: {  	[tilespmem:$0x4100] =	vst v0  }
0x22: {  	[tilespmem:$0x4180] =	vst v0  }
0x23: {  	[tilespmem:$0x4200] =	vst v0  }
0x24: {  	[tilespmem:$0x4280] =	vst v0  }
0x25: {  	[tilespmem:$0x4300] =	vst v0  }
0x26: {  	[tilespmem:$0x4380] =	vst v0  }
0x27: {  	[tilespmem:$0x4400] =	vst v0  }
0x28: {  	[tilespmem:$0x4480] =	vst v0  }
0x29: {  	[tilespmem:$0x4500] =	vst v0  }
0x2a: {  	[tilespmem:$0x4580] =	vst v0  }
0x2b: {  	[tilespmem:$0x4600] =	vst v0  }
0x2c: {  	[tilespmem:$0x4680] =	vst v0  }
0x2d: {  	[tilespmem:$0x4700] =	vst v0  }
0x2e: {  	[tilespmem:$0x4780] =	vst v0  }
0x2f: {  	[spmem:s4] =	stream.linear.scatter [tilespmem:s17], [sflag:$0x1], $0x4000, $0x38;
	[tilespmem:$0xB100] =	vst v63  }
0x30: {  	_ =	swait.ge [sflag:s18], $0x4000  }
0x31: {  	[sflag:s18] =	ssyncset.done $0x0  }
0x32: {  	[sflag:s18] =	ssyncadd.s32 $0xFFFFC000  }
0x33: {  	[spmem:s5] =	stream.linear.scatter [tilespmem:s17], [sflag:$0x1], $0x4000, $0x38;
	[tilespmem:$0xB100] =	vst v63  }
0x34: {  	_ =	swait.ge [sflag:s18], $0x4000  }
0x35: {  	[sflag:s18] =	ssyncset.done $0x0  }
0x36: {  	[sflag:s18] =	ssyncadd.s32 $0xFFFFC000  }
0x37: {  	[spmem:s6] =	stream.linear.scatter [tilespmem:s17], [sflag:$0x1], $0x4000, $0x38;
	[tilespmem:$0xB100] =	vst v63  }
0x38: {  	_ =	swait.ge [sflag:s18], $0x4000  }
0x39: {  	[sflag:s18] =	ssyncset.done $0x0  }
0x3a: {  	[sflag:s18] =	ssyncadd.s32 $0xFFFFC000  }
0x3b: {  	[spmem:s7] =	stream.linear.scatter [tilespmem:s17], [sflag:$0x1], $0x4000, $0x38;
	[tilespmem:$0xB100] =	vst v63  }
0x3c: {  	_ =	swait.ge [sflag:s18], $0x4000  }
0x3d: {  	[sflag:s18] =	ssyncset.done $0x0  }
0x3e: {  	[sflag:s18] =	ssyncadd.s32 $0xFFFFC000  }
0x3f: {  	[spmem:s8] =	stream.linear.scatter [tilespmem:s17], [sflag:$0x1], $0x4000, $0x38;
	[tilespmem:$0xB100] =	vst v63  }
0x40: {  	_ =	swait.ge [sflag:s18], $0x4000  }
0x41: {  	[sflag:s18] =	ssyncset.done $0x0  }
0x42: {  	[sflag:s18] =	ssyncadd.s32 $0xFFFFC000  }
0x43: {  	s25 =	sadd.s32 $0x0, s16;
	[bflag:$0x0] =	sbarrier.arrive $0xFFFF  }
0x44: {  	[tilespmem:s19], [sflag:$0x1] =	stream.linear.gather [hbm4b:s25+s3], $0x80, $0x38;
	[tilespmem:$0xB100] =	vst v63  }
0x45: {  	_ =	swait.ge [sflag:s18], $0x80  }
0x46: {  	[sflag:s18] =	ssyncset.done $0x0  }
0x47: {  	[sflag:s18] =	ssyncadd.s32 $0xFFFFFF80  }
0x48: {  	[spmem:s1] =	stream.indirect.scatter.add.f32 [tilespmem:s3], [sflag:$0x1], $0x10, s19, s20, $0xb8;
	[tilespmem:$0xB100] =	vst v63  }
0x49: {  	_ =	swait.ge [sflag:s18], $0x800  }
0x4a: {  	s26 =	simm.s32 $0x20;
	s25 =	simm.s32 $0x10;
	[sflag:s18] =	ssyncset.done $0x0  }
.LBB2_4:
0x4b: {  	s28 =	sadd.s32 s25, s16  }
0x4c: {  	[sflag:s18] =	ssyncadd.s32 $0xFFFFF800;
	s25 =	smov.u32 s26;
	s29 =	sadd.s32 $0x10, s26  }
0x4d: {  	[tilespmem:s19], [sflag:$0x1] =	stream.linear.gather [hbm4b:s28+s3], $0x80, $0x38;
	[tilespmem:$0xB100] =	vst v63  }
0x4e: {  	p0 =	sne.s32 s26, $0x4D0;
	_ =	swait.ge [sflag:s18], $0x80  }
.Ltmp1:
0x4f: {  	[sflag:s18] =	ssyncset.done $0x0;
	(pc) =	sbr.rel @p0 .LBB2_4-.Ltmp1, $4  }
0x50: {  	[sflag:s18] =	ssyncadd.s32 $0xFFFFFF80  }
0x51: {  	[spmem:s1] =	stream.indirect.scatter.add.f32 [tilespmem:s3], [sflag:$0x1], $0x10, s19, s20, $0xb8;
	[tilespmem:$0xB100] =	vst v63  }
0x52: {  	_ =	swait.ge [sflag:s18], $0x800  }
0x53: {  	s26 =	smov.u32 s29;
	[sflag:s18] =	ssyncset.done $0x0  }
0x54: {  	s25 =	sadd.s32 s25, s16;
	[sflag:s18] =	ssyncadd.s32 $0xFFFFF800  }
0x55: {  	[tilespmem:s19], [sflag:$0x1] =	stream.linear.gather [hbm4b:s25+s3], $0x80, $0x38;
	[tilespmem:$0xB100] =	vst v63  }
0x56: {  	_ =	swait.ge [sflag:s18], $0x80  }
0x57: {  	[sflag:s18] =	ssyncset.done $0x0  }
0x58: {  	[sflag:s18] =	ssyncadd.s32 $0xFFFFFF80  }
0x59: {  	[spmem:s1] =	stream.indirect.scatter.add.f32 [tilespmem:s3], [sflag:$0x1], $0x10, s19, s20, $0xb8;
	[tilespmem:$0xB100] =	vst v63  }
0x5a: {  	_ =	swait.ge [sflag:s18], $0x800  }
0x5b: {  	[sflag:s18] =	ssyncset.done $0x0  }
0x5c: {  	[sflag:s18] =	ssyncadd.s32 $0xFFFFF800  }
0x5d: {  	[tilespmem:s21], [sflag:$0x1] =	stream.linear.gather [hbm4b:s9+s3], $0x10, $0x38;
	[tilespmem:$0xB100] =	vst v63  }
0x5e: {  	_ =	swait.ge [sflag:s18], $0x10  }
0x5f: {  	[sflag:s18] =	ssyncset.done $0x0  }
0x60: {  	[sflag:s18] =	ssyncadd.s32 $0xFFFFFFF0  }
0x61: {  	[spmem:s1] =	stream.indirect.scatter.add.f32 [tilespmem:s23], [sflag:$0x1], $0x10, s21, s22, $0xb8;
	[tilespmem:$0xB100] =	vst v63  }
0x62: {  	_ =	swait.ge [sflag:s18], $0x100  }
0x63: {  	[sflag:s18] =	ssyncset.done $0x0  }
0x64: {  	[sflag:s18] =	ssyncadd.s32 $0xFFFFFF00  }
0x65: {  	[bflag:$0x0] =	sbarrier.arrive $0xFFFF  }
0x66: {  	[tilespmem:s17], [sflag:$0x1] =	stream.linear.gather [spmem:s4], $0x4000, $0x38;
	[tilespmem:$0xB100] =	vst v63  }
0x67: {  	_ =	swait.ge [sflag:s18], $0x4000  }
0x68: {  	[sflag:s18] =	ssyncset.done $0x0  }
0x69: {  	[sflag:s18] =	ssyncadd.s32 $0xFFFFC000  }
0x6a: {  	[hbm4b:s10+s3] =	stream.linear.scatter [tilespmem:s17], [sflag:$0x1], $0x4000, $0x38;
	[tilespmem:$0xB100] =	vst v63  }
0x6b: {  	_ =	swait.ge [sflag:s18], $0x4000  }
0x6c: {  	[sflag:s18] =	ssyncset.done $0x0  }
0x6d: {  	[sflag:s18] =	ssyncadd.s32 $0xFFFFC000  }
0x6e: {  	[tilespmem:s17], [sflag:$0x1] =	stream.linear.gather [spmem:s5], $0x4000, $0x38;
	[tilespmem:$0xB100] =	vst v63  }
0x6f: {  	_ =	swait.ge [sflag:s18], $0x4000  }
0x70: {  	[sflag:s18] =	ssyncset.done $0x0  }
0x71: {  	[sflag:s18] =	ssyncadd.s32 $0xFFFFC000  }
0x72: {  	[hbm4b:s11+s3] =	stream.linear.scatter [tilespmem:s17], [sflag:$0x1], $0x4000, $0x38;
	[tilespmem:$0xB100] =	vst v63  }
0x73: {  	_ =	swait.ge [sflag:s18], $0x4000  }
0x74: {  	[sflag:s18] =	ssyncset.done $0x0  }
0x75: {  	[sflag:s18] =	ssyncadd.s32 $0xFFFFC000  }
0x76: {  	[tilespmem:s17], [sflag:$0x1] =	stream.linear.gather [spmem:s6], $0x4000, $0x38;
	[tilespmem:$0xB100] =	vst v63  }
0x77: {  	_ =	swait.ge [sflag:s18], $0x4000  }
0x78: {  	[sflag:s18] =	ssyncset.done $0x0  }
0x79: {  	[sflag:s18] =	ssyncadd.s32 $0xFFFFC000  }
0x7a: {  	[hbm4b:s12+s3] =	stream.linear.scatter [tilespmem:s17], [sflag:$0x1], $0x4000, $0x38;
	[tilespmem:$0xB100] =	vst v63  }
0x7b: {  	_ =	swait.ge [sflag:s18], $0x4000  }
0x7c: {  	[sflag:s18] =	ssyncset.done $0x0  }
0x7d: {  	[sflag:s18] =	ssyncadd.s32 $0xFFFFC000  }
0x7e: {  	[tilespmem:s17], [sflag:$0x1] =	stream.linear.gather [spmem:s7], $0x4000, $0x38;
	[tilespmem:$0xB100] =	vst v63  }
0x7f: {  	_ =	swait.ge [sflag:s18], $0x4000  }
0x80: {  	[sflag:s18] =	ssyncset.done $0x0  }
0x81: {  	[sflag:s18] =	ssyncadd.s32 $0xFFFFC000  }
0x82: {  	[hbm4b:s13+s3] =	stream.linear.scatter [tilespmem:s17], [sflag:$0x1], $0x4000, $0x38;
	[tilespmem:$0xB100] =	vst v63  }
0x83: {  	_ =	swait.ge [sflag:s18], $0x4000  }
0x84: {  	[sflag:s18] =	ssyncset.done $0x0  }
0x85: {  	[sflag:s18] =	ssyncadd.s32 $0xFFFFC000  }
0x86: {  	[tilespmem:s17], [sflag:$0x1] =	stream.linear.gather [spmem:s8], $0x4000, $0x38;
	[tilespmem:$0xB100] =	vst v63  }
0x87: {  	s24 =	sadd.s32 $0x1, s24;
	_ =	swait.ge [sflag:s18], $0x4000  }
0x88: {  	p0 =	sne.s32 s24, s15;
	[sflag:s18] =	ssyncset.done $0x0  }
.Ltmp2:
0x89: {  	[sflag:s18] =	ssyncadd.s32 $0xFFFFC000;
	(pc) =	sbr.rel @p0 .LBB2_1-.Ltmp2, $4  }
0x8a: {  	[hbm4b:s14+s3] =	stream.linear.scatter [tilespmem:s17], [sflag:$0x1], $0x4000, $0x38;
	[tilespmem:$0xB100] =	vst v63  }
0x8b: {  	_ =	swait.ge [sflag:s18], $0x4000  }
0x8c: {  	[sflag:s18] =	ssyncset.done $0x0  }
0x8d: {  	[sflag:s18] =	ssyncadd.s32 $0xFFFFC000  }
0x8e: {  	_ =	sfence.sel $0x180000  }
0x8f: {  	[bflag:$0x0] =	sbarrier.arrive $0xFFFF  }
0x90: {  	p0 =	sne.s32 s2, $0x0;
	_ =	strace $0x90000047  }
0x91: {  	s0 =	sadd.s32 @!p0 $0x100000, s0;
	[bflag:$0x2] =	sbarrier.arrive $0xFFFF  }
0x92: {  	[sflag:s0] =	ssyncadd.tile.s32 @!p0 $0x1;
	_ =	shalt  }
.Lfunc_end2:
_tile_overlayer_lowered:
.L_overlay_start_2:
0x93: {  	(tag) =	ssettag $0x2  }
0x94: {  	s0 =	rddreg [dreg:$0x0];
	s2 =	stileid.u32  }
0x95: {  	s1 =	rddreg [dreg:$0x1];
	p0 =	sne.s32 s2, $0x0  }
0x96: {  	s3 =	rddreg [dreg:$0x2];
	[bflag:$0x3] =	sbarrier.arrive $0xFFFF;
	s2 =	simm.s32 @!p0 $0x1C01  }
0x97: {  	[timem:s3], [sflag:s2] =	dma.local @!p0 [hbm:s0], s1  }
0x98: {  	s0 =	simm.s32 @!p0 $0x1  }
0x99: {  	_ =	swait.ge @!p0 [sflag:s0], s1  }
0x9a: {  	s1 =	ssub.s32 @!p0 $0x0, s1;
	[sflag:s0] =	ssyncset.done @!p0 $0x0  }
0x9b: {  	[sflag:s0] =	ssyncadd.s32 @!p0 s1  }
0x9c: {  	[bflag:$0x3] =	sbarrier.arrive $0xFFFF  }
0x9d: {  	_ =	shalt  }

</sc_bundles>
